<compile_context>
chip_gen: v7x
topology: tpu7x:2x2x1
jax: 0.10.2.dev20260603
libtpu: 0.0.44.dev20260713+nightly
codegen_flags: <defaults>
</compile_context>

<pallas_src>
import functools

import jax
import jax.numpy as jnp
from jax import lax
from jax.experimental import pallas as pl
from jax.experimental.pallas import tpu as pltpu
from jax.experimental.pallas import tpu_sc as plsc

BATCH = 16384
HIST = 50
EMBED_D = 32
NC, NS = 2, 16
NW = NC * NS
PW = BATCH // NW
HB = 5
BC = 128
NSTEP = (PW // BC) * (HIST // HB)


def _gather_body(xt_hbm, table_hbm, out_hbm,
                 idx_t, raw0, raw1, tb0, tb1, sg0, sg1, ss0, ss1):
    wid = lax.axis_index("s") * NC + lax.axis_index("c")
    raws = (raw0, raw1)
    tbs = (tb0, tb1)
    sgs = (sg0, sg1)
    sss = (ss0, ss1)

    pltpu.sync_copy(xt_hbm.at[wid], idx_t)

    iota = jax.lax.broadcasted_iota(jnp.int32, (16,), 0)
    dtv0 = iota // 8
    drv0 = iota % 8
    dtv1 = (iota + 16) // 8
    drv1 = (iota + 16) % 8
    hsps = [jnp.full((16,), hh, jnp.int32) for hh in range(HB)]

    def step_coords(s):
        bc = s // (HIST // HB)
        h0 = (s % (HIST // HB)) * HB
        return bc, h0

    def issue(s, b):
        bc, h0 = step_coords(s)
        for hh in range(HB):
            pltpu.async_copy(
                table_hbm.at[idx_t.at[h0 + hh, pl.ds(bc * BC, BC)]],
                raws[b].at[pl.ds(hh * BC, BC)],
                sgs[b],
            )

    def drain(s, b):
        bc, h0 = step_coords(s)
        for hh in range(HB):
            pltpu.make_async_copy(
                table_hbm.at[idx_t.at[h0 + hh, pl.ds(bc * BC, BC)]],
                raws[b].at[pl.ds(hh * BC, BC)],
                sgs[b],
            ).wait()

    issue(0, 0)
    issue(1, 1)

    def body(i, carry):
        for b in (0, 1):
            s = 2 * i + b
            bc, h0 = step_coords(s)
            bt = 4 * wid + bc
            drain(s, b)

            @pl.when(s >= 2)
            def _():
                pltpu.make_async_copy(
                    tbs[b].at[:, :, :, pl.ds(0, BC)],
                    out_hbm.at[pl.ds(h0, HB), :, bt], sss[b]
                ).wait()

            def bloop(bb, c):
                for u in (0, 1, 2, 3):
                    bbu = 4 * bb + u
                    bsp = jnp.full((16,), bbu, jnp.int32)
                    for hh in range(HB):
                        row = hh * BC + bbu
                        hsp = hsps[hh]
                        v0 = raws[b][row, pl.ds(0, 16)]
                        v1 = raws[b][row, pl.ds(16, 16)]
                        plsc.store_scatter(tbs[b], [hsp, dtv0, drv0, bsp], v0)
                        plsc.store_scatter(tbs[b], [hsp, dtv1, drv1, bsp], v1)
                return c

            lax.fori_loop(0, BC // 4, bloop, 0)

            pltpu.async_copy(tbs[b].at[:, :, :, pl.ds(0, BC)],
                             out_hbm.at[pl.ds(h0, HB), :, bt], sss[b])

            nxt = s + 2

            @pl.when(nxt < NSTEP)
            def _():
                issue(nxt, b)

        return carry

    lax.fori_loop(0, NSTEP // 2, body, 0)

    for b in (0, 1):
        s = NSTEP - 2 + b
        bc, h0 = step_coords(s)
        bt = 4 * wid + bc
        pltpu.make_async_copy(
            tbs[b].at[:, :, :, pl.ds(0, BC)],
            out_hbm.at[pl.ds(h0, HB), :, bt], sss[b]
        ).wait()


@functools.partial(
    pl.kernel,
    mesh=plsc.VectorSubcoreMesh(core_axis_name="c", subcore_axis_name="s"),
    out_type=jax.ShapeDtypeStruct((HIST, EMBED_D // 8, BATCH // 128, 8, 128),
                                  jnp.float32),
    compiler_params=pltpu.CompilerParams(use_tc_tiling_on_sc=False,
                                         needs_layout_passes=False),
    scratch_types=[
        pltpu.VMEM((HIST, PW), jnp.int32),
        pltpu.VMEM((HB * BC, EMBED_D), jnp.float32),
        pltpu.VMEM((HB * BC, EMBED_D), jnp.float32),
        pltpu.VMEM((HB, EMBED_D // 8, 8, BC + 1), jnp.float32),
        pltpu.VMEM((HB, EMBED_D // 8, 8, BC + 1), jnp.float32),
        pltpu.SemaphoreType.DMA,
        pltpu.SemaphoreType.DMA,
        pltpu.SemaphoreType.DMA,
        pltpu.SemaphoreType.DMA,
    ],
)
def _sc_gather(xt_hbm, table_hbm, out_hbm,
               idx_t, raw0, raw1, tb0, tb1, sg0, sg1, ss0, ss1):
    _gather_body(xt_hbm, table_hbm, out_hbm,
                 idx_t, raw0, raw1, tb0, tb1, sg0, sg1, ss0, ss1)


@jax.jit
def kernel(x, table):
    xt = x.reshape(NW, PW, HIST).astype(jnp.int32).transpose(0, 2, 1)
    out5 = _sc_gather(xt, table)
    return out5.transpose(2, 4, 0, 1, 3).reshape(BATCH, HIST, EMBED_D)

# --- scband reference (transcript-rebuilt; emitter-appended) ---
"""Pipeline reference for scband-my-model-61280593379604 (READ-ONLY COPY).

The authoritative reference and input builder live on the scoring server;
editing this copy changes nothing except your own understanding.
"""

import jax, jax.numpy as jnp
import numpy as np

VOCAB = 1000000
EMBED_DIM = 32
BATCH = 16384
HIST = 50

def setup_inputs(seed: int = 0) -> dict:
    key = jax.random.key(seed)
    k_idx, k_tab = jax.random.split(key)
    x = jax.random.randint(k_idx, (BATCH, HIST), 0, VOCAB, dtype=jnp.int64)
    table = jax.random.normal(k_tab, (VOCAB, EMBED_DIM), dtype=jnp.float32)
    return {"x": x, "table": table}

def reference(x, table):
    # nn.Embedding forward: gather rows of the embedding table
    return jnp.take(table, x, axis=0)

if __name__ == "__main__":
    import jax
    _d = setup_inputs()
    print(jax.jit(kernel)(*tuple(_d.values())))

</pallas_src>

<mosaic_0001>
#map = affine_map<(d0, d1) -> (0, 0, 0)>
#map1 = affine_map<(d0, d1) -> (0, 0)>
#map2 = affine_map<(d0, d1) -> (0, 0, 0, 0, 0)>
module attributes {stable_mosaic.version = 14 : i64} {
  func.func @_sc_gather(%arg0: i32, %arg1: i32, %arg2: memref<32x50x512xi32, #tpu.memory_space<hbm>>, %arg3: memref<1000000x32xf32, #tpu.memory_space<hbm>>, %arg4: memref<50x4x128x8x128xf32, #tpu.memory_space<hbm>>, %arg5: memref<50x512xi32, #tpu.memory_space<vmem>>, %arg6: memref<640x32xf32, #tpu.memory_space<vmem>>, %arg7: memref<640x32xf32, #tpu.memory_space<vmem>>, %arg8: memref<5x4x8x129xf32, #tpu.memory_space<vmem>>, %arg9: memref<5x4x8x129xf32, #tpu.memory_space<vmem>>, %arg10: memref<!tpu.dma_semaphore, #tpu.memory_space<semaphore_mem>>, %arg11: memref<!tpu.dma_semaphore, #tpu.memory_space<semaphore_mem>>, %arg12: memref<!tpu.dma_semaphore, #tpu.memory_space<semaphore_mem>>, %arg13: memref<!tpu.dma_semaphore, #tpu.memory_space<semaphore_mem>>) attributes {dimension_semantics = [#tpu.dimension_semantics<core_parallel>, #tpu.dimension_semantics<subcore_parallel>], iteration_bounds = array<i64: 2, 16>, scalar_prefetch = 0 : i64, scratch_operands = 9 : i64, tpu.core_type = #tpu.core_type<sc_vector_subcore>, window_params = [{transform_indices = #map}, {transform_indices = #map1}, {transform_indices = #map2}]} {
    %mul3A = arith.constant 2 : i32
    %mul3A_0 = arith.muli %arg1, %mul3A : i32
    %add3A = arith.addi %mul3A_0, %arg0 : i32
    "tpu.region"() ({
      %run_scoped3A = tpu.sem_alloc : memref<!tpu.dma_semaphore, #tpu.memory_space<semaphore_mem>>
      %dma_start3A_267 = arith.constant 0 : i32
      %dma_start3A_268 = arith.constant 0 : i32
      %dma_start3A_269 = tpu.memref_slice %arg2[%add3A, %dma_start3A_267, %dma_start3A_268] : memref<32x50x512xi32, #tpu.memory_space<hbm>> -> memref<1x50x512xi32, #tpu.memory_space<hbm>>
      %dma_start3A_270 = tpu.memref_squeeze %dma_start3A_269 : memref<1x50x512xi32, #tpu.memory_space<hbm>> -> memref<50x512xi32, #tpu.memory_space<hbm>>
      %dma_start3A_271 = arith.constant 0 : i32
      %dma_start3A_272 = arith.constant 0 : i32
      %dma_start3A_273 = tpu.memref_slice %arg2[%add3A, %dma_start3A_271, %dma_start3A_272] : memref<32x50x512xi32, #tpu.memory_space<hbm>> -> memref<1x50x512xi32, #tpu.memory_space<hbm>>
      %dma_start3A_274 = tpu.memref_squeeze %dma_start3A_273 : memref<1x50x512xi32, #tpu.memory_space<hbm>> -> memref<50x512xi32, #tpu.memory_space<hbm>>
      tpu.enqueue_dma source(%dma_start3A_274 : memref<50x512xi32, #tpu.memory_space<hbm>>) target(%arg5 : memref<50x512xi32, #tpu.memory_space<vmem>>) target_semaphore(%run_scoped3A : memref<!tpu.dma_semaphore, #tpu.memory_space<semaphore_mem>>)
      %dma_wait3A_275 = arith.constant 0 : i32
      %dma_wait3A_276 = arith.constant 0 : i32
      %dma_wait3A_277 = tpu.memref_slice %arg2[%add3A, %dma_wait3A_275, %dma_wait3A_276] : memref<32x50x512xi32, #tpu.memory_space<hbm>> -> memref<1x50x512xi32, #tpu.memory_space<hbm>>
      %dma_wait3A_278 = tpu.memref_squeeze %dma_wait3A_277 : memref<1x50x512xi32, #tpu.memory_space<hbm>> -> memref<50x512xi32, #tpu.memory_space<hbm>>
      %dma_wait3A_279 = arith.constant 0 : i32
      %dma_wait3A_280 = arith.constant 0 : i32
      %dma_wait3A_281 = tpu.memref_slice %arg2[%add3A, %dma_wait3A_279, %dma_wait3A_280] : memref<32x50x512xi32, #tpu.memory_space<hbm>> -> memref<1x50x512xi32, #tpu.memory_space<hbm>>
      %dma_wait3A_282 = tpu.memref_squeeze %dma_wait3A_281 : memref<1x50x512xi32, #tpu.memory_space<hbm>> -> memref<50x512xi32, #tpu.memory_space<hbm>>
      tpu.wait_dma2 semaphore(%run_scoped3A : memref<!tpu.dma_semaphore, #tpu.memory_space<semaphore_mem>>) src(%dma_wait3A_282 : memref<50x512xi32, #tpu.memory_space<hbm>>) dst(%arg5 : memref<50x512xi32, #tpu.memory_space<vmem>>)
      tpu.yield
    }) : () -> ()
    %iota3A = tpu.iota {dimensions = array<i32: 0>} : vector<16xi32>
    %jit3A = arith.constant 8 : i32
    %div3A = vector.broadcast %jit3A : i32 to vector<16xi32>
    %div3A_1 = arith.divsi %iota3A, %div3A : vector<16xi32>
    %sign3A = arith.constant 0 : i32
    %sign3A_2 = vector.broadcast %sign3A : i32 to vector<16xi32>
    %sign3A_3 = arith.cmpi sgt, %iota3A, %sign3A_2 : vector<16xi32>
    %sign3A_4 = arith.extui %sign3A_3 : vector<16xi1> to vector<16xi32>
    %sign3A_5 = arith.constant 0 : i32
    %sign3A_6 = vector.broadcast %sign3A_5 : i32 to vector<16xi32>
    %sign3A_7 = arith.cmpi slt, %iota3A, %sign3A_6 : vector<16xi32>
    %sign3A_8 = arith.extui %sign3A_7 : vector<16xi1> to vector<16xi32>
    %sign3A_9 = arith.subi %sign3A_4, %sign3A_8 : vector<16xi32>
    %sign3A_10 = arith.constant 0 : i32
    %sign3A_11 = arith.cmpi sgt, %jit3A, %sign3A_10 : i32
    %sign3A_12 = arith.extui %sign3A_11 : i1 to i32
    %sign3A_13 = arith.constant 0 : i32
    %sign3A_14 = arith.cmpi slt, %jit3A, %sign3A_13 : i32
    %sign3A_15 = arith.extui %sign3A_14 : i1 to i32
    %sign3A_16 = arith.subi %sign3A_12, %sign3A_15 : i32
    %ne3A = vector.broadcast %sign3A_16 : i32 to vector<16xi32>
    %ne3A_17 = arith.cmpi ne, %sign3A_9, %ne3A : vector<16xi32>
    %rem3A = vector.broadcast %jit3A : i32 to vector<16xi32>
    %rem3A_18 = arith.remsi %iota3A, %rem3A : vector<16xi32>
    %ne3A_19 = arith.constant 0 : i32
    %ne3A_20 = vector.broadcast %ne3A_19 : i32 to vector<16xi32>
    %ne3A_21 = arith.cmpi ne, %rem3A_18, %ne3A_20 : vector<16xi32>
    %and3A = arith.andi %ne3A_17, %ne3A_21 : vector<16xi1>
    %sub3A = arith.constant 1 : i32
    %sub3A_22 = vector.broadcast %sub3A : i32 to vector<16xi32>
    %sub3A_23 = arith.subi %div3A_1, %sub3A_22 : vector<16xi32>
    %select_n3A = arith.select %and3A, %sub3A_23, %div3A_1 : vector<16xi1>, vector<16xi32>
    %jit3A_24 = arith.constant 8 : i32
    %eq3A = arith.constant 0 : i32
    %eq3A_25 = arith.cmpi eq, %jit3A_24, %eq3A : i32
    %jit3A_26 = arith.constant 1 : i32
    %select_n3A_27 = arith.select %eq3A_25, %jit3A_26, %jit3A_24 : i32
    %rem3A_28 = vector.broadcast %select_n3A_27 : i32 to vector<16xi32>
    %rem3A_29 = arith.remsi %iota3A, %rem3A_28 : vector<16xi32>
    %ne3A_30 = arith.constant 0 : i32
    %ne3A_31 = vector.broadcast %ne3A_30 : i32 to vector<16xi32>
    %ne3A_32 = arith.cmpi ne, %rem3A_29, %ne3A_31 : vector<16xi32>
    %lt3A = arith.constant 0 : i32
    %lt3A_33 = vector.broadcast %lt3A : i32 to vector<16xi32>
    %lt3A_34 = arith.cmpi slt, %rem3A_29, %lt3A_33 : vector<16xi32>
    %lt3A_35 = arith.constant 0 : i32
    %lt3A_36 = arith.cmpi slt, %select_n3A_27, %lt3A_35 : i32
    %ne3A_37 = vector.broadcast %lt3A_36 : i1 to vector<16xi1>
    %ne3A_38 = vector.broadcast %ne3A_37 : vector<16xi1> to vector<16xi1>
    %ne3A_39 = arith.xori %lt3A_34, %ne3A_38 : vector<16xi1>
    %and3A_40 = arith.andi %ne3A_39, %ne3A_32 : vector<16xi1>
    %add3A_41 = vector.broadcast %select_n3A_27 : i32 to vector<16xi32>
    %add3A_42 = arith.addi %rem3A_29, %add3A_41 : vector<16xi32>
    %select_n3A_43 = arith.select %and3A_40, %add3A_42, %rem3A_29 : vector<16xi1>, vector<16xi32>
    %add3A_44 = arith.constant 16 : i32
    %add3A_45 = vector.broadcast %add3A_44 : i32 to vector<16xi32>
    %add3A_46 = arith.addi %iota3A, %add3A_45 : vector<16xi32>
    %jit3A_47 = arith.constant 8 : i32
    %div3A_48 = vector.broadcast %jit3A_47 : i32 to vector<16xi32>
    %div3A_49 = arith.divsi %add3A_46, %div3A_48 : vector<16xi32>
    %sign3A_50 = arith.constant 0 : i32
    %sign3A_51 = vector.broadcast %sign3A_50 : i32 to vector<16xi32>
    %sign3A_52 = arith.cmpi sgt, %add3A_46, %sign3A_51 : vector<16xi32>
    %sign3A_53 = arith.extui %sign3A_52 : vector<16xi1> to vector<16xi32>
    %sign3A_54 = arith.constant 0 : i32
    %sign3A_55 = vector.broadcast %sign3A_54 : i32 to vector<16xi32>
    %sign3A_56 = arith.cmpi slt, %add3A_46, %sign3A_55 : vector<16xi32>
    %sign3A_57 = arith.extui %sign3A_56 : vector<16xi1> to vector<16xi32>
    %sign3A_58 = arith.subi %sign3A_53, %sign3A_57 : vector<16xi32>
    %sign3A_59 = arith.constant 0 : i32
    %sign3A_60 = arith.cmpi sgt, %jit3A_47, %sign3A_59 : i32
    %sign3A_61 = arith.extui %sign3A_60 : i1 to i32
    %sign3A_62 = arith.constant 0 : i32
    %sign3A_63 = arith.cmpi slt, %jit3A_47, %sign3A_62 : i32
    %sign3A_64 = arith.extui %sign3A_63 : i1 to i32
    %sign3A_65 = arith.subi %sign3A_61, %sign3A_64 : i32
    %ne3A_66 = vector.broadcast %sign3A_65 : i32 to vector<16xi32>
    %ne3A_67 = arith.cmpi ne, %sign3A_58, %ne3A_66 : vector<16xi32>
    %rem3A_68 = vector.broadcast %jit3A_47 : i32 to vector<16xi32>
    %rem3A_69 = arith.remsi %add3A_46, %rem3A_68 : vector<16xi32>
    %ne3A_70 = arith.constant 0 : i32
    %ne3A_71 = vector.broadcast %ne3A_70 : i32 to vector<16xi32>
    %ne3A_72 = arith.cmpi ne, %rem3A_69, %ne3A_71 : vector<16xi32>
    %and3A_73 = arith.andi %ne3A_67, %ne3A_72 : vector<16xi1>
    %sub3A_74 = arith.constant 1 : i32
    %sub3A_75 = vector.broadcast %sub3A_74 : i32 to vector<16xi32>
    %sub3A_76 = arith.subi %div3A_49, %sub3A_75 : vector<16xi32>
    %select_n3A_77 = arith.select %and3A_73, %sub3A_76, %div3A_49 : vector<16xi1>, vector<16xi32>
    %add3A_78 = arith.constant 16 : i32
    %add3A_79 = vector.broadcast %add3A_78 : i32 to vector<16xi32>
    %add3A_80 = arith.addi %iota3A, %add3A_79 : vector<16xi32>
    %jit3A_81 = arith.constant 8 : i32
    %eq3A_82 = arith.constant 0 : i32
    %eq3A_83 = arith.cmpi eq, %jit3A_81, %eq3A_82 : i32
    %jit3A_84 = arith.constant 1 : i32
    %select_n3A_85 = arith.select %eq3A_83, %jit3A_84, %jit3A_81 : i32
    %rem3A_86 = vector.broadcast %select_n3A_85 : i32 to vector<16xi32>
    %rem3A_87 = arith.remsi %add3A_80, %rem3A_86 : vector<16xi32>
    %ne3A_88 = arith.constant 0 : i32
    %ne3A_89 = vector.broadcast %ne3A_88 : i32 to vector<16xi32>
    %ne3A_90 = arith.cmpi ne, %rem3A_87, %ne3A_89 : vector<16xi32>
    %lt3A_91 = arith.constant 0 : i32
    %lt3A_92 = vector.broadcast %lt3A_91 : i32 to vector<16xi32>
    %lt3A_93 = arith.cmpi slt, %rem3A_87, %lt3A_92 : vector<16xi32>
    %lt3A_94 = arith.constant 0 : i32
    %lt3A_95 = arith.cmpi slt, %select_n3A_85, %lt3A_94 : i32
    %ne3A_96 = vector.broadcast %lt3A_95 : i1 to vector<16xi1>
    %ne3A_97 = vector.broadcast %ne3A_96 : vector<16xi1> to vector<16xi1>
    %ne3A_98 = arith.xori %lt3A_93, %ne3A_97 : vector<16xi1>
    %and3A_99 = arith.andi %ne3A_98, %ne3A_90 : vector<16xi1>
    %add3A_100 = vector.broadcast %select_n3A_85 : i32 to vector<16xi32>
    %add3A_101 = arith.addi %rem3A_87, %add3A_100 : vector<16xi32>
    %select_n3A_102 = arith.select %and3A_99, %add3A_101, %rem3A_87 : vector<16xi1>, vector<16xi32>
    %broadcast_in_dim3A = arith.constant 0 : i32
    %broadcast_in_dim3A_103 = vector.broadcast %broadcast_in_dim3A : i32 to vector<16xi32>
    %broadcast_in_dim3A_104 = arith.constant 1 : i32
    %broadcast_in_dim3A_105 = vector.broadcast %broadcast_in_dim3A_104 : i32 to vector<16xi32>
    %broadcast_in_dim3A_106 = arith.constant 2 : i32
    %broadcast_in_dim3A_107 = vector.broadcast %broadcast_in_dim3A_106 : i32 to vector<16xi32>
    %broadcast_in_dim3A_108 = arith.constant 3 : i32
    %broadcast_in_dim3A_109 = vector.broadcast %broadcast_in_dim3A_108 : i32 to vector<16xi32>
    %broadcast_in_dim3A_110 = arith.constant 4 : i32
    %broadcast_in_dim3A_111 = vector.broadcast %broadcast_in_dim3A_110 : i32 to vector<16xi32>
    %dma_start3A = arith.constant 0 : i32
    %dma_start3A_112 = arith.constant 0 : i32
    %dma_start3A_113 = arith.constant 0 : i32
    %dma_start3A_114 = tpu.memref_slice %arg6[%dma_start3A_112, %dma_start3A_113] : memref<640x32xf32, #tpu.memory_space<vmem>> -> memref<128x32xf32, #tpu.memory_space<vmem>>
    %dma_start3A_115 = arith.constant 0 : i32
    %dma_start3A_116 = tpu.memref_slice %arg5[%dma_start3A, %dma_start3A_115] : memref<50x512xi32, #tpu.memory_space<vmem>> -> memref<1x128xi32, #tpu.memory_space<vmem>>
    %dma_start3A_117 = tpu.memref_squeeze %dma_start3A_116 : memref<1x128xi32, #tpu.memory_space<vmem>> -> memref<128xi32, #tpu.memory_space<vmem>>
    %dma_start3A_118 = arith.constant 0 : i32
    %dma_start3A_119 = arith.constant 0 : i32
    %dma_start3A_120 = tpu.memref_slice %arg3[%dma_start3A_118, %dma_start3A_119] : memref<1000000x32xf32, #tpu.memory_space<hbm>> -> memref<1000000x32xf32, #tpu.memory_space<hbm>>
    tpu.enqueue_indirect_dma source(%dma_start3A_120 : memref<1000000x32xf32, #tpu.memory_space<hbm>>) target(%dma_start3A_114 : memref<128x32xf32, #tpu.memory_space<vmem>>) offsets(%dma_start3A_117 : memref<128xi32, #tpu.memory_space<vmem>>) semaphore(%arg10 : memref<!tpu.dma_semaphore, #tpu.memory_space<semaphore_mem>>)
    %dma_start3A_121 = arith.constant 1 : i32
    %dma_start3A_122 = arith.constant 128 : i32
    %dma_start3A_123 = arith.constant 0 : i32
    %dma_start3A_124 = tpu.memref_slice %arg6[%dma_start3A_122, %dma_start3A_123] : memref<640x32xf32, #tpu.memory_space<vmem>> -> memref<128x32xf32, #tpu.memory_space<vmem>>
    %dma_start3A_125 = arith.constant 0 : i32
    %dma_start3A_126 = tpu.memref_slice %arg5[%dma_start3A_121, %dma_start3A_125] : memref<50x512xi32, #tpu.memory_space<vmem>> -> memref<1x128xi32, #tpu.memory_space<vmem>>
    %dma_start3A_127 = tpu.memref_squeeze %dma_start3A_126 : memref<1x128xi32, #tpu.memory_space<vmem>> -> memref<128xi32, #tpu.memory_space<vmem>>
    %dma_start3A_128 = arith.constant 0 : i32
    %dma_start3A_129 = arith.constant 0 : i32
    %dma_start3A_130 = tpu.memref_slice %arg3[%dma_start3A_128, %dma_start3A_129] : memref<1000000x32xf32, #tpu.memory_space<hbm>> -> memref<1000000x32xf32, #tpu.memory_space<hbm>>
    tpu.enqueue_indirect_dma source(%dma_start3A_130 : memref<1000000x32xf32, #tpu.memory_space<hbm>>) target(%dma_start3A_124 : memref<128x32xf32, #tpu.memory_space<vmem>>) offsets(%dma_start3A_127 : memref<128xi32, #tpu.memory_space<vmem>>) semaphore(%arg10 : memref<!tpu.dma_semaphore, #tpu.memory_space<semaphore_mem>>)
    %dma_start3A_131 = arith.constant 2 : i32
    %dma_start3A_132 = arith.constant 256 : i32
    %dma_start3A_133 = arith.constant 0 : i32
    %dma_start3A_134 = tpu.memref_slice %arg6[%dma_start3A_132, %dma_start3A_133] : memref<640x32xf32, #tpu.memory_space<vmem>> -> memref<128x32xf32, #tpu.memory_space<vmem>>
    %dma_start3A_135 = arith.constant 0 : i32
    %dma_start3A_136 = tpu.memref_slice %arg5[%dma_start3A_131, %dma_start3A_135] : memref<50x512xi32, #tpu.memory_space<vmem>> -> memref<1x128xi32, #tpu.memory_space<vmem>>
    %dma_start3A_137 = tpu.memref_squeeze %dma_start3A_136 : memref<1x128xi32, #tpu.memory_space<vmem>> -> memref<128xi32, #tpu.memory_space<vmem>>
    %dma_start3A_138 = arith.constant 0 : i32
    %dma_start3A_139 = arith.constant 0 : i32
    %dma_start3A_140 = tpu.memref_slice %arg3[%dma_start3A_138, %dma_start3A_139] : memref<1000000x32xf32, #tpu.memory_space<hbm>> -> memref<1000000x32xf32, #tpu.memory_space<hbm>>
    tpu.enqueue_indirect_dma source(%dma_start3A_140 : memref<1000000x32xf32, #tpu.memory_space<hbm>>) target(%dma_start3A_134 : memref<128x32xf32, #tpu.memory_space<vmem>>) offsets(%dma_start3A_137 : memref<128xi32, #tpu.memory_space<vmem>>) semaphore(%arg10 : memref<!tpu.dma_semaphore, #tpu.memory_space<semaphore_mem>>)
    %dma_start3A_141 = arith.constant 3 : i32
    %dma_start3A_142 = arith.constant 384 : i32
    %dma_start3A_143 = arith.constant 0 : i32
    %dma_start3A_144 = tpu.memref_slice %arg6[%dma_start3A_142, %dma_start3A_143] : memref<640x32xf32, #tpu.memory_space<vmem>> -> memref<128x32xf32, #tpu.memory_space<vmem>>
    %dma_start3A_145 = arith.constant 0 : i32
    %dma_start3A_146 = tpu.memref_slice %arg5[%dma_start3A_141, %dma_start3A_145] : memref<50x512xi32, #tpu.memory_space<vmem>> -> memref<1x128xi32, #tpu.memory_space<vmem>>
    %dma_start3A_147 = tpu.memref_squeeze %dma_start3A_146 : memref<1x128xi32, #tpu.memory_space<vmem>> -> memref<128xi32, #tpu.memory_space<vmem>>
    %dma_start3A_148 = arith.constant 0 : i32
    %dma_start3A_149 = arith.constant 0 : i32
    %dma_start3A_150 = tpu.memref_slice %arg3[%dma_start3A_148, %dma_start3A_149] : memref<1000000x32xf32, #tpu.memory_space<hbm>> -> memref<1000000x32xf32, #tpu.memory_space<hbm>>
    tpu.enqueue_indirect_dma source(%dma_start3A_150 : memref<1000000x32xf32, #tpu.memory_space<hbm>>) target(%dma_start3A_144 : memref<128x32xf32, #tpu.memory_space<vmem>>) offsets(%dma_start3A_147 : memref<128xi32, #tpu.memory_space<vmem>>) semaphore(%arg10 : memref<!tpu.dma_semaphore, #tpu.memory_space<semaphore_mem>>)
    %dma_start3A_151 = arith.constant 4 : i32
    %dma_start3A_152 = arith.constant 512 : i32
    %dma_start3A_153 = arith.constant 0 : i32
    %dma_start3A_154 = tpu.memref_slice %arg6[%dma_start3A_152, %dma_start3A_153] : memref<640x32xf32, #tpu.memory_space<vmem>> -> memref<128x32xf32, #tpu.memory_space<vmem>>
    %dma_start3A_155 = arith.constant 0 : i32
    %dma_start3A_156 = tpu.memref_slice %arg5[%dma_start3A_151, %dma_start3A_155] : memref<50x512xi32, #tpu.memory_space<vmem>> -> memref<1x128xi32, #tpu.memory_space<vmem>>
    %dma_start3A_157 = tpu.memref_squeeze %dma_start3A_156 : memref<1x128xi32, #tpu.memory_space<vmem>> -> memref<128xi32, #tpu.memory_space<vmem>>
    %dma_start3A_158 = arith.constant 0 : i32
    %dma_start3A_159 = arith.constant 0 : i32
    %dma_start3A_160 = tpu.memref_slice %arg3[%dma_start3A_158, %dma_start3A_159] : memref<1000000x32xf32, #tpu.memory_space<hbm>> -> memref<1000000x32xf32, #tpu.memory_space<hbm>>
    tpu.enqueue_indirect_dma source(%dma_start3A_160 : memref<1000000x32xf32, #tpu.memory_space<hbm>>) target(%dma_start3A_154 : memref<128x32xf32, #tpu.memory_space<vmem>>) offsets(%dma_start3A_157 : memref<128xi32, #tpu.memory_space<vmem>>) semaphore(%arg10 : memref<!tpu.dma_semaphore, #tpu.memory_space<semaphore_mem>>)
    %dma_start3A_161 = arith.constant 5 : i32
    %dma_start3A_162 = arith.constant 0 : i32
    %dma_start3A_163 = arith.constant 0 : i32
    %dma_start3A_164 = tpu.memref_slice %arg7[%dma_start3A_162, %dma_start3A_163] : memref<640x32xf32, #tpu.memory_space<vmem>> -> memref<128x32xf32, #tpu.memory_space<vmem>>
    %dma_start3A_165 = arith.constant 0 : i32
    %dma_start3A_166 = tpu.memref_slice %arg5[%dma_start3A_161, %dma_start3A_165] : memref<50x512xi32, #tpu.memory_space<vmem>> -> memref<1x128xi32, #tpu.memory_space<vmem>>
    %dma_start3A_167 = tpu.memref_squeeze %dma_start3A_166 : memref<1x128xi32, #tpu.memory_space<vmem>> -> memref<128xi32, #tpu.memory_space<vmem>>
    %dma_start3A_168 = arith.constant 0 : i32
    %dma_start3A_169 = arith.constant 0 : i32
    %dma_start3A_170 = tpu.memref_slice %arg3[%dma_start3A_168, %dma_start3A_169] : memref<1000000x32xf32, #tpu.memory_space<hbm>> -> memref<1000000x32xf32, #tpu.memory_space<hbm>>
    tpu.enqueue_indirect_dma source(%dma_start3A_170 : memref<1000000x32xf32, #tpu.memory_space<hbm>>) target(%dma_start3A_164 : memref<128x32xf32, #tpu.memory_space<vmem>>) offsets(%dma_start3A_167 : memref<128xi32, #tpu.memory_space<vmem>>) semaphore(%arg11 : memref<!tpu.dma_semaphore, #tpu.memory_space<semaphore_mem>>)
    %dma_start3A_171 = arith.constant 6 : i32
    %dma_start3A_172 = arith.constant 128 : i32
    %dma_start3A_173 = arith.constant 0 : i32
    %dma_start3A_174 = tpu.memref_slice %arg7[%dma_start3A_172, %dma_start3A_173] : memref<640x32xf32, #tpu.memory_space<vmem>> -> memref<128x32xf32, #tpu.memory_space<vmem>>
    %dma_start3A_175 = arith.constant 0 : i32
    %dma_start3A_176 = tpu.memref_slice %arg5[%dma_start3A_171, %dma_start3A_175] : memref<50x512xi32, #tpu.memory_space<vmem>> -> memref<1x128xi32, #tpu.memory_space<vmem>>
    %dma_start3A_177 = tpu.memref_squeeze %dma_start3A_176 : memref<1x128xi32, #tpu.memory_space<vmem>> -> memref<128xi32, #tpu.memory_space<vmem>>
    %dma_start3A_178 = arith.constant 0 : i32
    %dma_start3A_179 = arith.constant 0 : i32
    %dma_start3A_180 = tpu.memref_slice %arg3[%dma_start3A_178, %dma_start3A_179] : memref<1000000x32xf32, #tpu.memory_space<hbm>> -> memref<1000000x32xf32, #tpu.memory_space<hbm>>
    tpu.enqueue_indirect_dma source(%dma_start3A_180 : memref<1000000x32xf32, #tpu.memory_space<hbm>>) target(%dma_start3A_174 : memref<128x32xf32, #tpu.memory_space<vmem>>) offsets(%dma_start3A_177 : memref<128xi32, #tpu.memory_space<vmem>>) semaphore(%arg11 : memref<!tpu.dma_semaphore, #tpu.memory_space<semaphore_mem>>)
    %dma_start3A_181 = arith.constant 7 : i32
    %dma_start3A_182 = arith.constant 256 : i32
    %dma_start3A_183 = arith.constant 0 : i32
    %dma_start3A_184 = tpu.memref_slice %arg7[%dma_start3A_182, %dma_start3A_183] : memref<640x32xf32, #tpu.memory_space<vmem>> -> memref<128x32xf32, #tpu.memory_space<vmem>>
    %dma_start3A_185 = arith.constant 0 : i32
    %dma_start3A_186 = tpu.memref_slice %arg5[%dma_start3A_181, %dma_start3A_185] : memref<50x512xi32, #tpu.memory_space<vmem>> -> memref<1x128xi32, #tpu.memory_space<vmem>>
    %dma_start3A_187 = tpu.memref_squeeze %dma_start3A_186 : memref<1x128xi32, #tpu.memory_space<vmem>> -> memref<128xi32, #tpu.memory_space<vmem>>
    %dma_start3A_188 = arith.constant 0 : i32
    %dma_start3A_189 = arith.constant 0 : i32
    %dma_start3A_190 = tpu.memref_slice %arg3[%dma_start3A_188, %dma_start3A_189] : memref<1000000x32xf32, #tpu.memory_space<hbm>> -> memref<1000000x32xf32, #tpu.memory_space<hbm>>
    tpu.enqueue_indirect_dma source(%dma_start3A_190 : memref<1000000x32xf32, #tpu.memory_space<hbm>>) target(%dma_start3A_184 : memref<128x32xf32, #tpu.memory_space<vmem>>) offsets(%dma_start3A_187 : memref<128xi32, #tpu.memory_space<vmem>>) semaphore(%arg11 : memref<!tpu.dma_semaphore, #tpu.memory_space<semaphore_mem>>)
    %dma_start3A_191 = arith.constant 8 : i32
    %dma_start3A_192 = arith.constant 384 : i32
    %dma_start3A_193 = arith.constant 0 : i32
    %dma_start3A_194 = tpu.memref_slice %arg7[%dma_start3A_192, %dma_start3A_193] : memref<640x32xf32, #tpu.memory_space<vmem>> -> memref<128x32xf32, #tpu.memory_space<vmem>>
    %dma_start3A_195 = arith.constant 0 : i32
    %dma_start3A_196 = tpu.memref_slice %arg5[%dma_start3A_191, %dma_start3A_195] : memref<50x512xi32, #tpu.memory_space<vmem>> -> memref<1x128xi32, #tpu.memory_space<vmem>>
    %dma_start3A_197 = tpu.memref_squeeze %dma_start3A_196 : memref<1x128xi32, #tpu.memory_space<vmem>> -> memref<128xi32, #tpu.memory_space<vmem>>
    %dma_start3A_198 = arith.constant 0 : i32
    %dma_start3A_199 = arith.constant 0 : i32
    %dma_start3A_200 = tpu.memref_slice %arg3[%dma_start3A_198, %dma_start3A_199] : memref<1000000x32xf32, #tpu.memory_space<hbm>> -> memref<1000000x32xf32, #tpu.memory_space<hbm>>
    tpu.enqueue_indirect_dma source(%dma_start3A_200 : memref<1000000x32xf32, #tpu.memory_space<hbm>>) target(%dma_start3A_194 : memref<128x32xf32, #tpu.memory_space<vmem>>) offsets(%dma_start3A_197 : memref<128xi32, #tpu.memory_space<vmem>>) semaphore(%arg11 : memref<!tpu.dma_semaphore, #tpu.memory_space<semaphore_mem>>)
    %dma_start3A_201 = arith.constant 9 : i32
    %dma_start3A_202 = arith.constant 512 : i32
    %dma_start3A_203 = arith.constant 0 : i32
    %dma_start3A_204 = tpu.memref_slice %arg7[%dma_start3A_202, %dma_start3A_203] : memref<640x32xf32, #tpu.memory_space<vmem>> -> memref<128x32xf32, #tpu.memory_space<vmem>>
    %dma_start3A_205 = arith.constant 0 : i32
    %dma_start3A_206 = tpu.memref_slice %arg5[%dma_start3A_201, %dma_start3A_205] : memref<50x512xi32, #tpu.memory_space<vmem>> -> memref<1x128xi32, #tpu.memory_space<vmem>>
    %dma_start3A_207 = tpu.memref_squeeze %dma_start3A_206 : memref<1x128xi32, #tpu.memory_space<vmem>> -> memref<128xi32, #tpu.memory_space<vmem>>
    %dma_start3A_208 = arith.constant 0 : i32
    %dma_start3A_209 = arith.constant 0 : i32
    %dma_start3A_210 = tpu.memref_slice %arg3[%dma_start3A_208, %dma_start3A_209] : memref<1000000x32xf32, #tpu.memory_space<hbm>> -> memref<1000000x32xf32, #tpu.memory_space<hbm>>
    tpu.enqueue_indirect_dma source(%dma_start3A_210 : memref<1000000x32xf32, #tpu.memory_space<hbm>>) target(%dma_start3A_204 : memref<128x32xf32, #tpu.memory_space<vmem>>) offsets(%dma_start3A_207 : memref<128xi32, #tpu.memory_space<vmem>>) semaphore(%arg11 : memref<!tpu.dma_semaphore, #tpu.memory_space<semaphore_mem>>)
    %scan3A = arith.constant 0 : i32
    %scan3A_211 = arith.constant 0 : i32
    %scan3A_212 = arith.constant 20 : i32
    %scan3A_213 = arith.addi %scan3A_211, %scan3A_212 : i32
    %scan3A_214 = arith.constant 1 : i32
    scf.for %scan3A_267 = %scan3A_211 to %scan3A_213 step %scan3A_214  : i32 {
      %mul3A_268 = arith.constant 2 : i32
      %mul3A_269 = arith.muli %mul3A_268, %scan3A_267 : i32
      %add3A_270 = arith.constant 0 : i32
      %add3A_271 = arith.addi %mul3A_269, %add3A_270 : i32
      %jit3A_272 = arith.constant 10 : i32
      %div3A_273 = arith.divsi %add3A_271, %jit3A_272 : i32
      %sign3A_274 = arith.constant 0 : i32
      %sign3A_275 = arith.cmpi sgt, %add3A_271, %sign3A_274 : i32
      %sign3A_276 = arith.extui %sign3A_275 : i1 to i32
      %sign3A_277 = arith.constant 0 : i32
      %sign3A_278 = arith.cmpi slt, %add3A_271, %sign3A_277 : i32
      %sign3A_279 = arith.extui %sign3A_278 : i1 to i32
      %sign3A_280 = arith.subi %sign3A_276, %sign3A_279 : i32
      %sign3A_281 = arith.constant 0 : i32
      %sign3A_282 = arith.cmpi sgt, %jit3A_272, %sign3A_281 : i32
      %sign3A_283 = arith.extui %sign3A_282 : i1 to i32
      %sign3A_284 = arith.constant 0 : i32
      %sign3A_285 = arith.cmpi slt, %jit3A_272, %sign3A_284 : i32
      %sign3A_286 = arith.extui %sign3A_285 : i1 to i32
      %sign3A_287 = arith.subi %sign3A_283, %sign3A_286 : i32
      %ne3A_288 = arith.cmpi ne, %sign3A_280, %sign3A_287 : i32
      %rem3A_289 = arith.remsi %add3A_271, %jit3A_272 : i32
      %ne3A_290 = arith.constant 0 : i32
      %ne3A_291 = arith.cmpi ne, %rem3A_289, %ne3A_290 : i32
      %and3A_292 = arith.andi %ne3A_288, %ne3A_291 : i1
      %sub3A_293 = arith.constant 1 : i32
      %sub3A_294 = arith.subi %div3A_273, %sub3A_293 : i32
      %select_n3A_295 = arith.select %and3A_292, %sub3A_294, %div3A_273 : i32
      %jit3A_296 = arith.constant 10 : i32
      %eq3A_297 = arith.constant 0 : i32
      %eq3A_298 = arith.cmpi eq, %jit3A_296, %eq3A_297 : i32
      %jit3A_299 = arith.constant 1 : i32
      %select_n3A_300 = arith.select %eq3A_298, %jit3A_299, %jit3A_296 : i32
      %rem3A_301 = arith.remsi %add3A_271, %select_n3A_300 : i32
      %ne3A_302 = arith.constant 0 : i32
      %ne3A_303 = arith.cmpi ne, %rem3A_301, %ne3A_302 : i32
      %lt3A_304 = arith.constant 0 : i32
      %lt3A_305 = arith.cmpi slt, %rem3A_301, %lt3A_304 : i32
      %lt3A_306 = arith.constant 0 : i32
      %lt3A_307 = arith.cmpi slt, %select_n3A_300, %lt3A_306 : i32
      %ne3A_308 = arith.xori %lt3A_305, %lt3A_307 : i1
      %and3A_309 = arith.andi %ne3A_308, %ne3A_303 : i1
      %add3A_310 = arith.addi %rem3A_301, %select_n3A_300 : i32
      %select_n3A_311 = arith.select %and3A_309, %add3A_310, %rem3A_301 : i32
      %mul3A_312 = arith.constant 5 : i32
      %mul3A_313 = arith.muli %select_n3A_311, %mul3A_312 : i32
      %mul3A_314 = arith.constant 4 : i32
      %mul3A_315 = arith.muli %mul3A_314, %add3A : i32
      %add3A_316 = arith.addi %mul3A_315, %select_n3A_295 : i32
      %jit3A_317 = arith.constant 10 : i32
      %div3A_318 = arith.divsi %add3A_271, %jit3A_317 : i32
      %sign3A_319 = arith.constant 0 : i32
      %sign3A_320 = arith.cmpi sgt, %add3A_271, %sign3A_319 : i32
      %sign3A_321 = arith.extui %sign3A_320 : i1 to i32
      %sign3A_322 = arith.constant 0 : i32
      %sign3A_323 = arith.cmpi slt, %add3A_271, %sign3A_322 : i32
      %sign3A_324 = arith.extui %sign3A_323 : i1 to i32
      %sign3A_325 = arith.subi %sign3A_321, %sign3A_324 : i32
      %sign3A_326 = arith.constant 0 : i32
      %sign3A_327 = arith.cmpi sgt, %jit3A_317, %sign3A_326 : i32
      %sign3A_328 = arith.extui %sign3A_327 : i1 to i32
      %sign3A_329 = arith.constant 0 : i32
      %sign3A_330 = arith.cmpi slt, %jit3A_317, %sign3A_329 : i32
      %sign3A_331 = arith.extui %sign3A_330 : i1 to i32
      %sign3A_332 = arith.subi %sign3A_328, %sign3A_331 : i32
      %ne3A_333 = arith.cmpi ne, %sign3A_325, %sign3A_332 : i32
      %rem3A_334 = arith.remsi %add3A_271, %jit3A_317 : i32
      %ne3A_335 = arith.constant 0 : i32
      %ne3A_336 = arith.cmpi ne, %rem3A_334, %ne3A_335 : i32
      %and3A_337 = arith.andi %ne3A_333, %ne3A_336 : i1
      %sub3A_338 = arith.constant 1 : i32
      %sub3A_339 = arith.subi %div3A_318, %sub3A_338 : i32
      %select_n3A_340 = arith.select %and3A_337, %sub3A_339, %div3A_318 : i32
      %jit3A_341 = arith.constant 10 : i32
      %eq3A_342 = arith.constant 0 : i32
      %eq3A_343 = arith.cmpi eq, %jit3A_341, %eq3A_342 : i32
      %jit3A_344 = arith.constant 1 : i32
      %select_n3A_345 = arith.select %eq3A_343, %jit3A_344, %jit3A_341 : i32
      %rem3A_346 = arith.remsi %add3A_271, %select_n3A_345 : i32
      %ne3A_347 = arith.constant 0 : i32
      %ne3A_348 = arith.cmpi ne, %rem3A_346, %ne3A_347 : i32
      %lt3A_349 = arith.constant 0 : i32
      %lt3A_350 = arith.cmpi slt, %rem3A_346, %lt3A_349 : i32
      %lt3A_351 = arith.constant 0 : i32
      %lt3A_352 = arith.cmpi slt, %select_n3A_345, %lt3A_351 : i32
      %ne3A_353 = arith.xori %lt3A_350, %lt3A_352 : i1
      %and3A_354 = arith.andi %ne3A_353, %ne3A_348 : i1
      %add3A_355 = arith.addi %rem3A_346, %select_n3A_345 : i32
      %select_n3A_356 = arith.select %and3A_354, %add3A_355, %rem3A_346 : i32
      %mul3A_357 = arith.constant 5 : i32
      %mul3A_358 = arith.muli %select_n3A_356, %mul3A_357 : i32
      %add3A_359 = arith.constant 0 : i32
      %add3A_360 = arith.addi %mul3A_358, %add3A_359 : i32
      %mul3A_361 = arith.constant 128 : i32
      %mul3A_362 = arith.muli %select_n3A_340, %mul3A_361 : i32
      %dma_wait3A_363 = arith.constant 0 : i32
      %dma_wait3A_364 = arith.constant 0 : i32
      %dma_wait3A_365 = tpu.memref_slice %arg6[%dma_wait3A_363, %dma_wait3A_364] : memref<640x32xf32, #tpu.memory_space<vmem>> -> memref<128x32xf32, #tpu.memory_space<vmem>>
      %dma_wait3A_366 = tpu.memref_slice %arg5[%add3A_360, %mul3A_362] : memref<50x512xi32, #tpu.memory_space<vmem>> -> memref<1x128xi32, #tpu.memory_space<vmem>>
      %dma_wait3A_367 = tpu.memref_squeeze %dma_wait3A_366 : memref<1x128xi32, #tpu.memory_space<vmem>> -> memref<128xi32, #tpu.memory_space<vmem>>
      %dma_wait3A_368 = arith.constant 0 : i32
      %dma_wait3A_369 = arith.constant 0 : i32
      %dma_wait3A_370 = tpu.memref_slice %arg3[%dma_wait3A_368, %dma_wait3A_369] : memref<1000000x32xf32, #tpu.memory_space<hbm>> -> memref<1000000x32xf32, #tpu.memory_space<hbm>>
      tpu.wait_indirect_dma semaphore(%arg10 : memref<!tpu.dma_semaphore, #tpu.memory_space<semaphore_mem>>) src(%dma_wait3A_370 : memref<1000000x32xf32, #tpu.memory_space<hbm>>) dst(%dma_wait3A_365 : memref<128x32xf32, #tpu.memory_space<vmem>>)
      %add3A_371 = arith.constant 1 : i32
      %add3A_372 = arith.addi %mul3A_358, %add3A_371 : i32
      %mul3A_373 = arith.constant 128 : i32
      %mul3A_374 = arith.muli %select_n3A_340, %mul3A_373 : i32
      %dma_wait3A_375 = arith.constant 128 : i32
      %dma_wait3A_376 = arith.constant 0 : i32
      %dma_wait3A_377 = tpu.memref_slice %arg6[%dma_wait3A_375, %dma_wait3A_376] : memref<640x32xf32, #tpu.memory_space<vmem>> -> memref<128x32xf32, #tpu.memory_space<vmem>>
      %dma_wait3A_378 = tpu.memref_slice %arg5[%add3A_372, %mul3A_374] : memref<50x512xi32, #tpu.memory_space<vmem>> -> memref<1x128xi32, #tpu.memory_space<vmem>>
      %dma_wait3A_379 = tpu.memref_squeeze %dma_wait3A_378 : memref<1x128xi32, #tpu.memory_space<vmem>> -> memref<128xi32, #tpu.memory_space<vmem>>
      %dma_wait3A_380 = arith.constant 0 : i32
      %dma_wait3A_381 = arith.constant 0 : i32
      %dma_wait3A_382 = tpu.memref_slice %arg3[%dma_wait3A_380, %dma_wait3A_381] : memref<1000000x32xf32, #tpu.memory_space<hbm>> -> memref<1000000x32xf32, #tpu.memory_space<hbm>>
      tpu.wait_indirect_dma semaphore(%arg10 : memref<!tpu.dma_semaphore, #tpu.memory_space<semaphore_mem>>) src(%dma_wait3A_382 : memref<1000000x32xf32, #tpu.memory_space<hbm>>) dst(%dma_wait3A_377 : memref<128x32xf32, #tpu.memory_space<vmem>>)
      %add3A_383 = arith.constant 2 : i32
      %add3A_384 = arith.addi %mul3A_358, %add3A_383 : i32
      %mul3A_385 = arith.constant 128 : i32
      %mul3A_386 = arith.muli %select_n3A_340, %mul3A_385 : i32
      %dma_wait3A_387 = arith.constant 256 : i32
      %dma_wait3A_388 = arith.constant 0 : i32
      %dma_wait3A_389 = tpu.memref_slice %arg6[%dma_wait3A_387, %dma_wait3A_388] : memref<640x32xf32, #tpu.memory_space<vmem>> -> memref<128x32xf32, #tpu.memory_space<vmem>>
      %dma_wait3A_390 = tpu.memref_slice %arg5[%add3A_384, %mul3A_386] : memref<50x512xi32, #tpu.memory_space<vmem>> -> memref<1x128xi32, #tpu.memory_space<vmem>>
      %dma_wait3A_391 = tpu.memref_squeeze %dma_wait3A_390 : memref<1x128xi32, #tpu.memory_space<vmem>> -> memref<128xi32, #tpu.memory_space<vmem>>
      %dma_wait3A_392 = arith.constant 0 : i32
      %dma_wait3A_393 = arith.constant 0 : i32
      %dma_wait3A_394 = tpu.memref_slice %arg3[%dma_wait3A_392, %dma_wait3A_393] : memref<1000000x32xf32, #tpu.memory_space<hbm>> -> memref<1000000x32xf32, #tpu.memory_space<hbm>>
      tpu.wait_indirect_dma semaphore(%arg10 : memref<!tpu.dma_semaphore, #tpu.memory_space<semaphore_mem>>) src(%dma_wait3A_394 : memref<1000000x32xf32, #tpu.memory_space<hbm>>) dst(%dma_wait3A_389 : memref<128x32xf32, #tpu.memory_space<vmem>>)
      %add3A_395 = arith.constant 3 : i32
      %add3A_396 = arith.addi %mul3A_358, %add3A_395 : i32
      %mul3A_397 = arith.constant 128 : i32
      %mul3A_398 = arith.muli %select_n3A_340, %mul3A_397 : i32
      %dma_wait3A_399 = arith.constant 384 : i32
      %dma_wait3A_400 = arith.constant 0 : i32
      %dma_wait3A_401 = tpu.memref_slice %arg6[%dma_wait3A_399, %dma_wait3A_400] : memref<640x32xf32, #tpu.memory_space<vmem>> -> memref<128x32xf32, #tpu.memory_space<vmem>>
      %dma_wait3A_402 = tpu.memref_slice %arg5[%add3A_396, %mul3A_398] : memref<50x512xi32, #tpu.memory_space<vmem>> -> memref<1x128xi32, #tpu.memory_space<vmem>>
      %dma_wait3A_403 = tpu.memref_squeeze %dma_wait3A_402 : memref<1x128xi32, #tpu.memory_space<vmem>> -> memref<128xi32, #tpu.memory_space<vmem>>
      %dma_wait3A_404 = arith.constant 0 : i32
      %dma_wait3A_405 = arith.constant 0 : i32
      %dma_wait3A_406 = tpu.memref_slice %arg3[%dma_wait3A_404, %dma_wait3A_405] : memref<1000000x32xf32, #tpu.memory_space<hbm>> -> memref<1000000x32xf32, #tpu.memory_space<hbm>>
      tpu.wait_indirect_dma semaphore(%arg10 : memref<!tpu.dma_semaphore, #tpu.memory_space<semaphore_mem>>) src(%dma_wait3A_406 : memref<1000000x32xf32, #tpu.memory_space<hbm>>) dst(%dma_wait3A_401 : memref<128x32xf32, #tpu.memory_space<vmem>>)
      %add3A_407 = arith.constant 4 : i32
      %add3A_408 = arith.addi %mul3A_358, %add3A_407 : i32
      %mul3A_409 = arith.constant 128 : i32
      %mul3A_410 = arith.muli %select_n3A_340, %mul3A_409 : i32
      %dma_wait3A_411 = arith.constant 512 : i32
      %dma_wait3A_412 = arith.constant 0 : i32
      %dma_wait3A_413 = tpu.memref_slice %arg6[%dma_wait3A_411, %dma_wait3A_412] : memref<640x32xf32, #tpu.memory_space<vmem>> -> memref<128x32xf32, #tpu.memory_space<vmem>>
      %dma_wait3A_414 = tpu.memref_slice %arg5[%add3A_408, %mul3A_410] : memref<50x512xi32, #tpu.memory_space<vmem>> -> memref<1x128xi32, #tpu.memory_space<vmem>>
      %dma_wait3A_415 = tpu.memref_squeeze %dma_wait3A_414 : memref<1x128xi32, #tpu.memory_space<vmem>> -> memref<128xi32, #tpu.memory_space<vmem>>
      %dma_wait3A_416 = arith.constant 0 : i32
      %dma_wait3A_417 = arith.constant 0 : i32
      %dma_wait3A_418 = tpu.memref_slice %arg3[%dma_wait3A_416, %dma_wait3A_417] : memref<1000000x32xf32, #tpu.memory_space<hbm>> -> memref<1000000x32xf32, #tpu.memory_space<hbm>>
      tpu.wait_indirect_dma semaphore(%arg10 : memref<!tpu.dma_semaphore, #tpu.memory_space<semaphore_mem>>) src(%dma_wait3A_418 : memref<1000000x32xf32, #tpu.memory_space<hbm>>) dst(%dma_wait3A_413 : memref<128x32xf32, #tpu.memory_space<vmem>>)
      %ge3A = arith.constant 2 : i32
      %ge3A_419 = arith.cmpi sge, %add3A_271, %ge3A : i32
      %convert_element_type3A = arith.extui %ge3A_419 : i1 to i32
      %cond3A = arith.constant 0 : i32
      %cond3A_420 = arith.cmpi ne, %convert_element_type3A, %cond3A : i32
      scf.if %cond3A_420 {
        %dma_wait3A_643 = arith.constant 0 : i32
        %dma_wait3A_644 = arith.constant 0 : i32
        %dma_wait3A_645 = arith.constant 0 : i32
        %dma_wait3A_646 = arith.constant 0 : i32
        %dma_wait3A_647 = tpu.memref_slice %arg8[%dma_wait3A_643, %dma_wait3A_644, %dma_wait3A_645, %dma_wait3A_646] : memref<5x4x8x129xf32, #tpu.memory_space<vmem>> -> memref<5x4x8x128xf32, #tpu.memory_space<vmem>>
        %dma_wait3A_648 = arith.constant 0 : i32
        %dma_wait3A_649 = arith.constant 0 : i32
        %dma_wait3A_650 = arith.constant 0 : i32
        %dma_wait3A_651 = tpu.memref_slice %arg4[%mul3A_313, %dma_wait3A_648, %add3A_316, %dma_wait3A_649, %dma_wait3A_650] : memref<50x4x128x8x128xf32, #tpu.memory_space<hbm>> -> memref<5x4x1x8x128xf32, #tpu.memory_space<hbm>>
        %dma_wait3A_652 = tpu.memref_squeeze %dma_wait3A_651 : memref<5x4x1x8x128xf32, #tpu.memory_space<hbm>> -> memref<5x4x8x128xf32, #tpu.memory_space<hbm>>
        %dma_wait3A_653 = arith.constant 0 : i32
        %dma_wait3A_654 = arith.constant 0 : i32
        %dma_wait3A_655 = arith.constant 0 : i32
        %dma_wait3A_656 = tpu.memref_slice %arg4[%mul3A_313, %dma_wait3A_653, %add3A_316, %dma_wait3A_654, %dma_wait3A_655] : memref<50x4x128x8x128xf32, #tpu.memory_space<hbm>> -> memref<5x4x1x8x128xf32, #tpu.memory_space<hbm>>
        %dma_wait3A_657 = tpu.memref_squeeze %dma_wait3A_656 : memref<5x4x1x8x128xf32, #tpu.memory_space<hbm>> -> memref<5x4x8x128xf32, #tpu.memory_space<hbm>>
        %dma_wait3A_658 = arith.constant 0 : i32
        %dma_wait3A_659 = arith.constant 0 : i32
        %dma_wait3A_660 = arith.constant 0 : i32
        %dma_wait3A_661 = arith.constant 0 : i32
        %dma_wait3A_662 = tpu.memref_slice %arg8[%dma_wait3A_658, %dma_wait3A_659, %dma_wait3A_660, %dma_wait3A_661] : memref<5x4x8x129xf32, #tpu.memory_space<vmem>> -> memref<5x4x8x128xf32, #tpu.memory_space<vmem>>
        tpu.wait_dma2 semaphore(%arg12 : memref<!tpu.dma_semaphore, #tpu.memory_space<semaphore_mem>>) src(%dma_wait3A_662 : memref<5x4x8x128xf32, #tpu.memory_space<vmem>>) dst(%dma_wait3A_657 : memref<5x4x8x128xf32, #tpu.memory_space<hbm>>)
      } else {
      }
      %scan3A_421 = arith.constant 0 : i32
      %scan3A_422 = arith.constant 0 : i32
      %scan3A_423 = arith.constant 32 : i32
      %scan3A_424 = arith.addi %scan3A_422, %scan3A_423 : i32
      %scan3A_425 = arith.constant 1 : i32
      scf.for %scan3A_643 = %scan3A_422 to %scan3A_424 step %scan3A_425  : i32 {
        %mul3A_644 = arith.constant 4 : i32
        %mul3A_645 = arith.muli %mul3A_644, %scan3A_643 : i32
        %add3A_646 = arith.constant 0 : i32
        %add3A_647 = arith.addi %mul3A_645, %add3A_646 : i32
        %broadcast_in_dim3A_648 = vector.broadcast %add3A_647 : i32 to vector<16xi32>
        %add3A_649 = arith.constant 0 : i32
        %add3A_650 = arith.addi %add3A_649, %add3A_647 : i32
        %get3A = arith.index_cast %add3A_650 : i32 to index
        %get3A_651 = arith.constant 0 : index
        %get3A_652 = tpu.vector_load %arg6[%get3A, %get3A_651] {strides = array<i32>} : memref<640x32xf32, #tpu.memory_space<vmem>>, vector<16xf32>,
        %get3A_653 = arith.index_cast %add3A_650 : i32 to index
        %get3A_654 = arith.constant 16 : index
        %get3A_655 = tpu.vector_load %arg6[%get3A_653, %get3A_654] {strides = array<i32>} : memref<640x32xf32, #tpu.memory_space<vmem>>, vector<16xf32>,
        tpu.vector_store_idx %arg8[%broadcast_in_dim3A_103, %select_n3A, %select_n3A_43, %broadcast_in_dim3A_648], %get3A_652 : memref<5x4x8x129xf32, #tpu.memory_space<vmem>>[vector<16xi32>, vector<16xi32>, vector<16xi32>, vector<16xi32>], vector<16xf32>,
        tpu.vector_store_idx %arg8[%broadcast_in_dim3A_103, %select_n3A_77, %select_n3A_102, %broadcast_in_dim3A_648], %get3A_655 : memref<5x4x8x129xf32, #tpu.memory_space<vmem>>[vector<16xi32>, vector<16xi32>, vector<16xi32>, vector<16xi32>], vector<16xf32>,
        %add3A_656 = arith.constant 128 : i32
        %add3A_657 = arith.addi %add3A_656, %add3A_647 : i32
        %get3A_658 = arith.index_cast %add3A_657 : i32 to index
        %get3A_659 = arith.constant 0 : index
        %get3A_660 = tpu.vector_load %arg6[%get3A_658, %get3A_659] {strides = array<i32>} : memref<640x32xf32, #tpu.memory_space<vmem>>, vector<16xf32>,
        %get3A_661 = arith.index_cast %add3A_657 : i32 to index
        %get3A_662 = arith.constant 16 : index
        %get3A_663 = tpu.vector_load %arg6[%get3A_661, %get3A_662] {strides = array<i32>} : memref<640x32xf32, #tpu.memory_space<vmem>>, vector<16xf32>,
        tpu.vector_store_idx %arg8[%broadcast_in_dim3A_105, %select_n3A, %select_n3A_43, %broadcast_in_dim3A_648], %get3A_660 : memref<5x4x8x129xf32, #tpu.memory_space<vmem>>[vector<16xi32>, vector<16xi32>, vector<16xi32>, vector<16xi32>], vector<16xf32>,
        tpu.vector_store_idx %arg8[%broadcast_in_dim3A_105, %select_n3A_77, %select_n3A_102, %broadcast_in_dim3A_648], %get3A_663 : memref<5x4x8x129xf32, #tpu.memory_space<vmem>>[vector<16xi32>, vector<16xi32>, vector<16xi32>, vector<16xi32>], vector<16xf32>,
        %add3A_664 = arith.constant 256 : i32
        %add3A_665 = arith.addi %add3A_664, %add3A_647 : i32
        %get3A_666 = arith.index_cast %add3A_665 : i32 to index
        %get3A_667 = arith.constant 0 : index
        %get3A_668 = tpu.vector_load %arg6[%get3A_666, %get3A_667] {strides = array<i32>} : memref<640x32xf32, #tpu.memory_space<vmem>>, vector<16xf32>,
        %get3A_669 = arith.index_cast %add3A_665 : i32 to index
        %get3A_670 = arith.constant 16 : index
        %get3A_671 = tpu.vector_load %arg6[%get3A_669, %get3A_670] {strides = array<i32>} : memref<640x32xf32, #tpu.memory_space<vmem>>, vector<16xf32>,
        tpu.vector_store_idx %arg8[%broadcast_in_dim3A_107, %select_n3A, %select_n3A_43, %broadcast_in_dim3A_648], %get3A_668 : memref<5x4x8x129xf32, #tpu.memory_space<vmem>>[vector<16xi32>, vector<16xi32>, vector<16xi32>, vector<16xi32>], vector<16xf32>,
        tpu.vector_store_idx %arg8[%broadcast_in_dim3A_107, %select_n3A_77, %select_n3A_102, %broadcast_in_dim3A_648], %get3A_671 : memref<5x4x8x129xf32, #tpu.memory_space<vmem>>[vector<16xi32>, vector<16xi32>, vector<16xi32>, vector<16xi32>], vector<16xf32>,
        %add3A_672 = arith.constant 384 : i32
        %add3A_673 = arith.addi %add3A_672, %add3A_647 : i32
        %get3A_674 = arith.index_cast %add3A_673 : i32 to index
        %get3A_675 = arith.constant 0 : index
        %get3A_676 = tpu.vector_load %arg6[%get3A_674, %get3A_675] {strides = array<i32>} : memref<640x32xf32, #tpu.memory_space<vmem>>, vector<16xf32>,
        %get3A_677 = arith.index_cast %add3A_673 : i32 to index
        %get3A_678 = arith.constant 16 : index
        %get3A_679 = tpu.vector_load %arg6[%get3A_677, %get3A_678] {strides = array<i32>} : memref<640x32xf32, #tpu.memory_space<vmem>>, vector<16xf32>,
        tpu.vector_store_idx %arg8[%broadcast_in_dim3A_109, %select_n3A, %select_n3A_43, %broadcast_in_dim3A_648], %get3A_676 : memref<5x4x8x129xf32, #tpu.memory_space<vmem>>[vector<16xi32>, vector<16xi32>, vector<16xi32>, vector<16xi32>], vector<16xf32>,
        tpu.vector_store_idx %arg8[%broadcast_in_dim3A_109, %select_n3A_77, %select_n3A_102, %broadcast_in_dim3A_648], %get3A_679 : memref<5x4x8x129xf32, #tpu.memory_space<vmem>>[vector<16xi32>, vector<16xi32>, vector<16xi32>, vector<16xi32>], vector<16xf32>,
        %add3A_680 = arith.constant 512 : i32
        %add3A_681 = arith.addi %add3A_680, %add3A_647 : i32
        %get3A_682 = arith.index_cast %add3A_681 : i32 to index
        %get3A_683 = arith.constant 0 : index
        %get3A_684 = tpu.vector_load %arg6[%get3A_682, %get3A_683] {strides = array<i32>} : memref<640x32xf32, #tpu.memory_space<vmem>>, vector<16xf32>,
        %get3A_685 = arith.index_cast %add3A_681 : i32 to index
        %get3A_686 = arith.constant 16 : index
        %get3A_687 = tpu.vector_load %arg6[%get3A_685, %get3A_686] {strides = array<i32>} : memref<640x32xf32, #tpu.memory_space<vmem>>, vector<16xf32>,
        tpu.vector_store_idx %arg8[%broadcast_in_dim3A_111, %select_n3A, %select_n3A_43, %broadcast_in_dim3A_648], %get3A_684 : memref<5x4x8x129xf32, #tpu.memory_space<vmem>>[vector<16xi32>, vector<16xi32>, vector<16xi32>, vector<16xi32>], vector<16xf32>,
        tpu.vector_store_idx %arg8[%broadcast_in_dim3A_111, %select_n3A_77, %select_n3A_102, %broadcast_in_dim3A_648], %get3A_687 : memref<5x4x8x129xf32, #tpu.memory_space<vmem>>[vector<16xi32>, vector<16xi32>, vector<16xi32>, vector<16xi32>], vector<16xf32>,
        %mul3A_688 = arith.constant 4 : i32
        %mul3A_689 = arith.muli %mul3A_688, %scan3A_643 : i32
        %add3A_690 = arith.constant 1 : i32
        %add3A_691 = arith.addi %mul3A_689, %add3A_690 : i32
        %broadcast_in_dim3A_692 = vector.broadcast %add3A_691 : i32 to vector<16xi32>
        %add3A_693 = arith.constant 0 : i32
        %add3A_694 = arith.addi %add3A_693, %add3A_691 : i32
        %get3A_695 = arith.index_cast %add3A_694 : i32 to index
        %get3A_696 = arith.constant 0 : index
        %get3A_697 = tpu.vector_load %arg6[%get3A_695, %get3A_696] {strides = array<i32>} : memref<640x32xf32, #tpu.memory_space<vmem>>, vector<16xf32>,
        %get3A_698 = arith.index_cast %add3A_694 : i32 to index
        %get3A_699 = arith.constant 16 : index
        %get3A_700 = tpu.vector_load %arg6[%get3A_698, %get3A_699] {strides = array<i32>} : memref<640x32xf32, #tpu.memory_space<vmem>>, vector<16xf32>,
        tpu.vector_store_idx %arg8[%broadcast_in_dim3A_103, %select_n3A, %select_n3A_43, %broadcast_in_dim3A_692], %get3A_697 : memref<5x4x8x129xf32, #tpu.memory_space<vmem>>[vector<16xi32>, vector<16xi32>, vector<16xi32>, vector<16xi32>], vector<16xf32>,
        tpu.vector_store_idx %arg8[%broadcast_in_dim3A_103, %select_n3A_77, %select_n3A_102, %broadcast_in_dim3A_692], %get3A_700 : memref<5x4x8x129xf32, #tpu.memory_space<vmem>>[vector<16xi32>, vector<16xi32>, vector<16xi32>, vector<16xi32>], vector<16xf32>,
        %add3A_701 = arith.constant 128 : i32
        %add3A_702 = arith.addi %add3A_701, %add3A_691 : i32
        %get3A_703 = arith.index_cast %add3A_702 : i32 to index
        %get3A_704 = arith.constant 0 : index
        %get3A_705 = tpu.vector_load %arg6[%get3A_703, %get3A_704] {strides = array<i32>} : memref<640x32xf32, #tpu.memory_space<vmem>>, vector<16xf32>,
        %get3A_706 = arith.index_cast %add3A_702 : i32 to index
        %get3A_707 = arith.constant 16 : index
        %get3A_708 = tpu.vector_load %arg6[%get3A_706, %get3A_707] {strides = array<i32>} : memref<640x32xf32, #tpu.memory_space<vmem>>, vector<16xf32>,
        tpu.vector_store_idx %arg8[%broadcast_in_dim3A_105, %select_n3A, %select_n3A_43, %broadcast_in_dim3A_692], %get3A_705 : memref<5x4x8x129xf32, #tpu.memory_space<vmem>>[vector<16xi32>, vector<16xi32>, vector<16xi32>, vector<16xi32>], vector<16xf32>,
        tpu.vector_store_idx %arg8[%broadcast_in_dim3A_105, %select_n3A_77, %select_n3A_102, %broadcast_in_dim3A_692], %get3A_708 : memref<5x4x8x129xf32, #tpu.memory_space<vmem>>[vector<16xi32>, vector<16xi32>, vector<16xi32>, vector<16xi32>], vector<16xf32>,
        %add3A_709 = arith.constant 256 : i32
        %add3A_710 = arith.addi %add3A_709, %add3A_691 : i32
        %get3A_711 = arith.index_cast %add3A_710 : i32 to index
        %get3A_712 = arith.constant 0 : index
        %get3A_713 = tpu.vector_load %arg6[%get3A_711, %get3A_712] {strides = array<i32>} : memref<640x32xf32, #tpu.memory_space<vmem>>, vector<16xf32>,
        %get3A_714 = arith.index_cast %add3A_710 : i32 to index
        %get3A_715 = arith.constant 16 : index
        %get3A_716 = tpu.vector_load %arg6[%get3A_714, %get3A_715] {strides = array<i32>} : memref<640x32xf32, #tpu.memory_space<vmem>>, vector<16xf32>,
        tpu.vector_store_idx %arg8[%broadcast_in_dim3A_107, %select_n3A, %select_n3A_43, %broadcast_in_dim3A_692], %get3A_713 : memref<5x4x8x129xf32, #tpu.memory_space<vmem>>[vector<16xi32>, vector<16xi32>, vector<16xi32>, vector<16xi32>], vector<16xf32>,
        tpu.vector_store_idx %arg8[%broadcast_in_dim3A_107, %select_n3A_77, %select_n3A_102, %broadcast_in_dim3A_692], %get3A_716 : memref<5x4x8x129xf32, #tpu.memory_space<vmem>>[vector<16xi32>, vector<16xi32>, vector<16xi32>, vector<16xi32>], vector<16xf32>,
        %add3A_717 = arith.constant 384 : i32
        %add3A_718 = arith.addi %add3A_717, %add3A_691 : i32
        %get3A_719 = arith.index_cast %add3A_718 : i32 to index
        %get3A_720 = arith.constant 0 : index
        %get3A_721 = tpu.vector_load %arg6[%get3A_719, %get3A_720] {strides = array<i32>} : memref<640x32xf32, #tpu.memory_space<vmem>>, vector<16xf32>,
        %get3A_722 = arith.index_cast %add3A_718 : i32 to index
        %get3A_723 = arith.constant 16 : index
        %get3A_724 = tpu.vector_load %arg6[%get3A_722, %get3A_723] {strides = array<i32>} : memref<640x32xf32, #tpu.memory_space<vmem>>, vector<16xf32>,
        tpu.vector_store_idx %arg8[%broadcast_in_dim3A_109, %select_n3A, %select_n3A_43, %broadcast_in_dim3A_692], %get3A_721 : memref<5x4x8x129xf32, #tpu.memory_space<vmem>>[vector<16xi32>, vector<16xi32>, vector<16xi32>, vector<16xi32>], vector<16xf32>,
        tpu.vector_store_idx %arg8[%broadcast_in_dim3A_109, %select_n3A_77, %select_n3A_102, %broadcast_in_dim3A_692], %get3A_724 : memref<5x4x8x129xf32, #tpu.memory_space<vmem>>[vector<16xi32>, vector<16xi32>, vector<16xi32>, vector<16xi32>], vector<16xf32>,
        %add3A_725 = arith.constant 512 : i32
        %add3A_726 = arith.addi %add3A_725, %add3A_691 : i32
        %get3A_727 = arith.index_cast %add3A_726 : i32 to index
        %get3A_728 = arith.constant 0 : index
        %get3A_729 = tpu.vector_load %arg6[%get3A_727, %get3A_728] {strides = array<i32>} : memref<640x32xf32, #tpu.memory_space<vmem>>, vector<16xf32>,
        %get3A_730 = arith.index_cast %add3A_726 : i32 to index
        %get3A_731 = arith.constant 16 : index
        %get3A_732 = tpu.vector_load %arg6[%get3A_730, %get3A_731] {strides = array<i32>} : memref<640x32xf32, #tpu.memory_space<vmem>>, vector<16xf32>,
        tpu.vector_store_idx %arg8[%broadcast_in_dim3A_111, %select_n3A, %select_n3A_43, %broadcast_in_dim3A_692], %get3A_729 : memref<5x4x8x129xf32, #tpu.memory_space<vmem>>[vector<16xi32>, vector<16xi32>, vector<16xi32>, vector<16xi32>], vector<16xf32>,
        tpu.vector_store_idx %arg8[%broadcast_in_dim3A_111, %select_n3A_77, %select_n3A_102, %broadcast_in_dim3A_692], %get3A_732 : memref<5x4x8x129xf32, #tpu.memory_space<vmem>>[vector<16xi32>, vector<16xi32>, vector<16xi32>, vector<16xi32>], vector<16xf32>,
        %mul3A_733 = arith.constant 4 : i32
        %mul3A_734 = arith.muli %mul3A_733, %scan3A_643 : i32
        %add3A_735 = arith.constant 2 : i32
        %add3A_736 = arith.addi %mul3A_734, %add3A_735 : i32
        %broadcast_in_dim3A_737 = vector.broadcast %add3A_736 : i32 to vector<16xi32>
        %add3A_738 = arith.constant 0 : i32
        %add3A_739 = arith.addi %add3A_738, %add3A_736 : i32
        %get3A_740 = arith.index_cast %add3A_739 : i32 to index
        %get3A_741 = arith.constant 0 : index
        %get3A_742 = tpu.vector_load %arg6[%get3A_740, %get3A_741] {strides = array<i32>} : memref<640x32xf32, #tpu.memory_space<vmem>>, vector<16xf32>,
        %get3A_743 = arith.index_cast %add3A_739 : i32 to index
        %get3A_744 = arith.constant 16 : index
        %get3A_745 = tpu.vector_load %arg6[%get3A_743, %get3A_744] {strides = array<i32>} : memref<640x32xf32, #tpu.memory_space<vmem>>, vector<16xf32>,
        tpu.vector_store_idx %arg8[%broadcast_in_dim3A_103, %select_n3A, %select_n3A_43, %broadcast_in_dim3A_737], %get3A_742 : memref<5x4x8x129xf32, #tpu.memory_space<vmem>>[vector<16xi32>, vector<16xi32>, vector<16xi32>, vector<16xi32>], vector<16xf32>,
        tpu.vector_store_idx %arg8[%broadcast_in_dim3A_103, %select_n3A_77, %select_n3A_102, %broadcast_in_dim3A_737], %get3A_745 : memref<5x4x8x129xf32, #tpu.memory_space<vmem>>[vector<16xi32>, vector<16xi32>, vector<16xi32>, vector<16xi32>], vector<16xf32>,
        %add3A_746 = arith.constant 128 : i32
        %add3A_747 = arith.addi %add3A_746, %add3A_736 : i32
        %get3A_748 = arith.index_cast %add3A_747 : i32 to index
        %get3A_749 = arith.constant 0 : index
        %get3A_750 = tpu.vector_load %arg6[%get3A_748, %get3A_749] {strides = array<i32>} : memref<640x32xf32, #tpu.memory_space<vmem>>, vector<16xf32>,
        %get3A_751 = arith.index_cast %add3A_747 : i32 to index
        %get3A_752 = arith.constant 16 : index
        %get3A_753 = tpu.vector_load %arg6[%get3A_751, %get3A_752] {strides = array<i32>} : memref<640x32xf32, #tpu.memory_space<vmem>>, vector<16xf32>,
        tpu.vector_store_idx %arg8[%broadcast_in_dim3A_105, %select_n3A, %select_n3A_43, %broadcast_in_dim3A_737], %get3A_750 : memref<5x4x8x129xf32, #tpu.memory_space<vmem>>[vector<16xi32>, vector<16xi32>, vector<16xi32>, vector<16xi32>], vector<16xf32>,
        tpu.vector_store_idx %arg8[%broadcast_in_dim3A_105, %select_n3A_77, %select_n3A_102, %broadcast_in_dim3A_737], %get3A_753 : memref<5x4x8x129xf32, #tpu.memory_space<vmem>>[vector<16xi32>, vector<16xi32>, vector<16xi32>, vector<16xi32>], vector<16xf32>,
        %add3A_754 = arith.constant 256 : i32
        %add3A_755 = arith.addi %add3A_754, %add3A_736 : i32
        %get3A_756 = arith.index_cast %add3A_755 : i32 to index
        %get3A_757 = arith.constant 0 : index
        %get3A_758 = tpu.vector_load %arg6[%get3A_756, %get3A_757] {strides = array<i32>} : memref<640x32xf32, #tpu.memory_space<vmem>>, vector<16xf32>,
        %get3A_759 = arith.index_cast %add3A_755 : i32 to index
        %get3A_760 = arith.constant 16 : index
        %get3A_761 = tpu.vector_load %arg6[%get3A_759, %get3A_760] {strides = array<i32>} : memref<640x32xf32, #tpu.memory_space<vmem>>, vector<16xf32>,
        tpu.vector_store_idx %arg8[%broadcast_in_dim3A_107, %select_n3A, %select_n3A_43, %broadcast_in_dim3A_737], %get3A_758 : memref<5x4x8x129xf32, #tpu.memory_space<vmem>>[vector<16xi32>, vector<16xi32>, vector<16xi32>, vector<16xi32>], vector<16xf32>,
        tpu.vector_store_idx %arg8[%broadcast_in_dim3A_107, %select_n3A_77, %select_n3A_102, %broadcast_in_dim3A_737], %get3A_761 : memref<5x4x8x129xf32, #tpu.memory_space<vmem>>[vector<16xi32>, vector<16xi32>, vector<16xi32>, vector<16xi32>], vector<16xf32>,
        %add3A_762 = arith.constant 384 : i32
        %add3A_763 = arith.addi %add3A_762, %add3A_736 : i32
        %get3A_764 = arith.index_cast %add3A_763 : i32 to index
        %get3A_765 = arith.constant 0 : index
        %get3A_766 = tpu.vector_load %arg6[%get3A_764, %get3A_765] {strides = array<i32>} : memref<640x32xf32, #tpu.memory_space<vmem>>, vector<16xf32>,
        %get3A_767 = arith.index_cast %add3A_763 : i32 to index
        %get3A_768 = arith.constant 16 : index
        %get3A_769 = tpu.vector_load %arg6[%get3A_767, %get3A_768] {strides = array<i32>} : memref<640x32xf32, #tpu.memory_space<vmem>>, vector<16xf32>,
        tpu.vector_store_idx %arg8[%broadcast_in_dim3A_109, %select_n3A, %select_n3A_43, %broadcast_in_dim3A_737], %get3A_766 : memref<5x4x8x129xf32, #tpu.memory_space<vmem>>[vector<16xi32>, vector<16xi32>, vector<16xi32>, vector<16xi32>], vector<16xf32>,
        tpu.vector_store_idx %arg8[%broadcast_in_dim3A_109, %select_n3A_77, %select_n3A_102, %broadcast_in_dim3A_737], %get3A_769 : memref<5x4x8x129xf32, #tpu.memory_space<vmem>>[vector<16xi32>, vector<16xi32>, vector<16xi32>, vector<16xi32>], vector<16xf32>,
        %add3A_770 = arith.constant 512 : i32
        %add3A_771 = arith.addi %add3A_770, %add3A_736 : i32
        %get3A_772 = arith.index_cast %add3A_771 : i32 to index
        %get3A_773 = arith.constant 0 : index
        %get3A_774 = tpu.vector_load %arg6[%get3A_772, %get3A_773] {strides = array<i32>} : memref<640x32xf32, #tpu.memory_space<vmem>>, vector<16xf32>,
        %get3A_775 = arith.index_cast %add3A_771 : i32 to index
        %get3A_776 = arith.constant 16 : index
        %get3A_777 = tpu.vector_load %arg6[%get3A_775, %get3A_776] {strides = array<i32>} : memref<640x32xf32, #tpu.memory_space<vmem>>, vector<16xf32>,
        tpu.vector_store_idx %arg8[%broadcast_in_dim3A_111, %select_n3A, %select_n3A_43, %broadcast_in_dim3A_737], %get3A_774 : memref<5x4x8x129xf32, #tpu.memory_space<vmem>>[vector<16xi32>, vector<16xi32>, vector<16xi32>, vector<16xi32>], vector<16xf32>,
        tpu.vector_store_idx %arg8[%broadcast_in_dim3A_111, %select_n3A_77, %select_n3A_102, %broadcast_in_dim3A_737], %get3A_777 : memref<5x4x8x129xf32, #tpu.memory_space<vmem>>[vector<16xi32>, vector<16xi32>, vector<16xi32>, vector<16xi32>], vector<16xf32>,
        %mul3A_778 = arith.constant 4 : i32
        %mul3A_779 = arith.muli %mul3A_778, %scan3A_643 : i32
        %add3A_780 = arith.constant 3 : i32
        %add3A_781 = arith.addi %mul3A_779, %add3A_780 : i32
        %broadcast_in_dim3A_782 = vector.broadcast %add3A_781 : i32 to vector<16xi32>
        %add3A_783 = arith.constant 0 : i32
        %add3A_784 = arith.addi %add3A_783, %add3A_781 : i32
        %get3A_785 = arith.index_cast %add3A_784 : i32 to index
        %get3A_786 = arith.constant 0 : index
        %get3A_787 = tpu.vector_load %arg6[%get3A_785, %get3A_786] {strides = array<i32>} : memref<640x32xf32, #tpu.memory_space<vmem>>, vector<16xf32>,
        %get3A_788 = arith.index_cast %add3A_784 : i32 to index
        %get3A_789 = arith.constant 16 : index
        %get3A_790 = tpu.vector_load %arg6[%get3A_788, %get3A_789] {strides = array<i32>} : memref<640x32xf32, #tpu.memory_space<vmem>>, vector<16xf32>,
        tpu.vector_store_idx %arg8[%broadcast_in_dim3A_103, %select_n3A, %select_n3A_43, %broadcast_in_dim3A_782], %get3A_787 : memref<5x4x8x129xf32, #tpu.memory_space<vmem>>[vector<16xi32>, vector<16xi32>, vector<16xi32>, vector<16xi32>], vector<16xf32>,
        tpu.vector_store_idx %arg8[%broadcast_in_dim3A_103, %select_n3A_77, %select_n3A_102, %broadcast_in_dim3A_782], %get3A_790 : memref<5x4x8x129xf32, #tpu.memory_space<vmem>>[vector<16xi32>, vector<16xi32>, vector<16xi32>, vector<16xi32>], vector<16xf32>,
        %add3A_791 = arith.constant 128 : i32
        %add3A_792 = arith.addi %add3A_791, %add3A_781 : i32
        %get3A_793 = arith.index_cast %add3A_792 : i32 to index
        %get3A_794 = arith.constant 0 : index
        %get3A_795 = tpu.vector_load %arg6[%get3A_793, %get3A_794] {strides = array<i32>} : memref<640x32xf32, #tpu.memory_space<vmem>>, vector<16xf32>,
        %get3A_796 = arith.index_cast %add3A_792 : i32 to index
        %get3A_797 = arith.constant 16 : index
        %get3A_798 = tpu.vector_load %arg6[%get3A_796, %get3A_797] {strides = array<i32>} : memref<640x32xf32, #tpu.memory_space<vmem>>, vector<16xf32>,
        tpu.vector_store_idx %arg8[%broadcast_in_dim3A_105, %select_n3A, %select_n3A_43, %broadcast_in_dim3A_782], %get3A_795 : memref<5x4x8x129xf32, #tpu.memory_space<vmem>>[vector<16xi32>, vector<16xi32>, vector<16xi32>, vector<16xi32>], vector<16xf32>,
        tpu.vector_store_idx %arg8[%broadcast_in_dim3A_105, %select_n3A_77, %select_n3A_102, %broadcast_in_dim3A_782], %get3A_798 : memref<5x4x8x129xf32, #tpu.memory_space<vmem>>[vector<16xi32>, vector<16xi32>, vector<16xi32>, vector<16xi32>], vector<16xf32>,
        %add3A_799 = arith.constant 256 : i32
        %add3A_800 = arith.addi %add3A_799, %add3A_781 : i32
        %get3A_801 = arith.index_cast %add3A_800 : i32 to index
        %get3A_802 = arith.constant 0 : index
        %get3A_803 = tpu.vector_load %arg6[%get3A_801, %get3A_802] {strides = array<i32>} : memref<640x32xf32, #tpu.memory_space<vmem>>, vector<16xf32>,
        %get3A_804 = arith.index_cast %add3A_800 : i32 to index
        %get3A_805 = arith.constant 16 : index
        %get3A_806 = tpu.vector_load %arg6[%get3A_804, %get3A_805] {strides = array<i32>} : memref<640x32xf32, #tpu.memory_space<vmem>>, vector<16xf32>,
        tpu.vector_store_idx %arg8[%broadcast_in_dim3A_107, %select_n3A, %select_n3A_43, %broadcast_in_dim3A_782], %get3A_803 : memref<5x4x8x129xf32, #tpu.memory_space<vmem>>[vector<16xi32>, vector<16xi32>, vector<16xi32>, vector<16xi32>], vector<16xf32>,
        tpu.vector_store_idx %arg8[%broadcast_in_dim3A_107, %select_n3A_77, %select_n3A_102, %broadcast_in_dim3A_782], %get3A_806 : memref<5x4x8x129xf32, #tpu.memory_space<vmem>>[vector<16xi32>, vector<16xi32>, vector<16xi32>, vector<16xi32>], vector<16xf32>,
        %add3A_807 = arith.constant 384 : i32
        %add3A_808 = arith.addi %add3A_807, %add3A_781 : i32
        %get3A_809 = arith.index_cast %add3A_808 : i32 to index
        %get3A_810 = arith.constant 0 : index
        %get3A_811 = tpu.vector_load %arg6[%get3A_809, %get3A_810] {strides = array<i32>} : memref<640x32xf32, #tpu.memory_space<vmem>>, vector<16xf32>,
        %get3A_812 = arith.index_cast %add3A_808 : i32 to index
        %get3A_813 = arith.constant 16 : index
        %get3A_814 = tpu.vector_load %arg6[%get3A_812, %get3A_813] {strides = array<i32>} : memref<640x32xf32, #tpu.memory_space<vmem>>, vector<16xf32>,
        tpu.vector_store_idx %arg8[%broadcast_in_dim3A_109, %select_n3A, %select_n3A_43, %broadcast_in_dim3A_782], %get3A_811 : memref<5x4x8x129xf32, #tpu.memory_space<vmem>>[vector<16xi32>, vector<16xi32>, vector<16xi32>, vector<16xi32>], vector<16xf32>,
        tpu.vector_store_idx %arg8[%broadcast_in_dim3A_109, %select_n3A_77, %select_n3A_102, %broadcast_in_dim3A_782], %get3A_814 : memref<5x4x8x129xf32, #tpu.memory_space<vmem>>[vector<16xi32>, vector<16xi32>, vector<16xi32>, vector<16xi32>], vector<16xf32>,
        %add3A_815 = arith.constant 512 : i32
        %add3A_816 = arith.addi %add3A_815, %add3A_781 : i32
        %get3A_817 = arith.index_cast %add3A_816 : i32 to index
        %get3A_818 = arith.constant 0 : index
        %get3A_819 = tpu.vector_load %arg6[%get3A_817, %get3A_818] {strides = array<i32>} : memref<640x32xf32, #tpu.memory_space<vmem>>, vector<16xf32>,
        %get3A_820 = arith.index_cast %add3A_816 : i32 to index
        %get3A_821 = arith.constant 16 : index
        %get3A_822 = tpu.vector_load %arg6[%get3A_820, %get3A_821] {strides = array<i32>} : memref<640x32xf32, #tpu.memory_space<vmem>>, vector<16xf32>,
        tpu.vector_store_idx %arg8[%broadcast_in_dim3A_111, %select_n3A, %select_n3A_43, %broadcast_in_dim3A_782], %get3A_819 : memref<5x4x8x129xf32, #tpu.memory_space<vmem>>[vector<16xi32>, vector<16xi32>, vector<16xi32>, vector<16xi32>], vector<16xf32>,
        tpu.vector_store_idx %arg8[%broadcast_in_dim3A_111, %select_n3A_77, %select_n3A_102, %broadcast_in_dim3A_782], %get3A_822 : memref<5x4x8x129xf32, #tpu.memory_space<vmem>>[vector<16xi32>, vector<16xi32>, vector<16xi32>, vector<16xi32>], vector<16xf32>,
      }
      %scan3A_426 = arith.constant 32 : i32
      %dma_start3A_427 = arith.constant 0 : i32
      %dma_start3A_428 = arith.constant 0 : i32
      %dma_start3A_429 = arith.constant 0 : i32
      %dma_start3A_430 = arith.constant 0 : i32
      %dma_start3A_431 = tpu.memref_slice %arg8[%dma_start3A_427, %dma_start3A_428, %dma_start3A_429, %dma_start3A_430] : memref<5x4x8x129xf32, #tpu.memory_space<vmem>> -> memref<5x4x8x128xf32, #tpu.memory_space<vmem>>
      %dma_start3A_432 = arith.constant 0 : i32
      %dma_start3A_433 = arith.constant 0 : i32
      %dma_start3A_434 = arith.constant 0 : i32
      %dma_start3A_435 = tpu.memref_slice %arg4[%mul3A_313, %dma_start3A_432, %add3A_316, %dma_start3A_433, %dma_start3A_434] : memref<50x4x128x8x128xf32, #tpu.memory_space<hbm>> -> memref<5x4x1x8x128xf32, #tpu.memory_space<hbm>>
      %dma_start3A_436 = tpu.memref_squeeze %dma_start3A_435 : memref<5x4x1x8x128xf32, #tpu.memory_space<hbm>> -> memref<5x4x8x128xf32, #tpu.memory_space<hbm>>
      %dma_start3A_437 = arith.constant 0 : i32
      %dma_start3A_438 = arith.constant 0 : i32
      %dma_start3A_439 = arith.constant 0 : i32
      %dma_start3A_440 = tpu.memref_slice %arg4[%mul3A_313, %dma_start3A_437, %add3A_316, %dma_start3A_438, %dma_start3A_439] : memref<50x4x128x8x128xf32, #tpu.memory_space<hbm>> -> memref<5x4x1x8x128xf32, #tpu.memory_space<hbm>>
      %dma_start3A_441 = tpu.memref_squeeze %dma_start3A_440 : memref<5x4x1x8x128xf32, #tpu.memory_space<hbm>> -> memref<5x4x8x128xf32, #tpu.memory_space<hbm>>
      %dma_start3A_442 = arith.constant 0 : i32
      %dma_start3A_443 = arith.constant 0 : i32
      %dma_start3A_444 = arith.constant 0 : i32
      %dma_start3A_445 = arith.constant 0 : i32
      %dma_start3A_446 = tpu.memref_slice %arg8[%dma_start3A_442, %dma_start3A_443, %dma_start3A_444, %dma_start3A_445] : memref<5x4x8x129xf32, #tpu.memory_space<vmem>> -> memref<5x4x8x128xf32, #tpu.memory_space<vmem>>
      tpu.enqueue_dma source(%dma_start3A_446 : memref<5x4x8x128xf32, #tpu.memory_space<vmem>>) target(%dma_start3A_441 : memref<5x4x8x128xf32, #tpu.memory_space<hbm>>) target_semaphore(%arg12 : memref<!tpu.dma_semaphore, #tpu.memory_space<semaphore_mem>>)
      %add3A_447 = arith.constant 2 : i32
      %add3A_448 = arith.addi %add3A_271, %add3A_447 : i32
      %lt3A_449 = arith.constant 40 : i32
      %lt3A_450 = arith.cmpi slt, %add3A_448, %lt3A_449 : i32
      %convert_element_type3A_451 = arith.extui %lt3A_450 : i1 to i32
      %cond3A_452 = arith.constant 0 : i32
      %cond3A_453 = arith.cmpi ne, %convert_element_type3A_451, %cond3A_452 : i32
      scf.if %cond3A_453 {
        %jit3A_643 = arith.constant 10 : i32
        %div3A_644 = arith.divsi %add3A_448, %jit3A_643 : i32
        %sign3A_645 = arith.constant 0 : i32
        %sign3A_646 = arith.cmpi sgt, %add3A_448, %sign3A_645 : i32
        %sign3A_647 = arith.extui %sign3A_646 : i1 to i32
        %sign3A_648 = arith.constant 0 : i32
        %sign3A_649 = arith.cmpi slt, %add3A_448, %sign3A_648 : i32
        %sign3A_650 = arith.extui %sign3A_649 : i1 to i32
        %sign3A_651 = arith.subi %sign3A_647, %sign3A_650 : i32
        %sign3A_652 = arith.constant 0 : i32
        %sign3A_653 = arith.cmpi sgt, %jit3A_643, %sign3A_652 : i32
        %sign3A_654 = arith.extui %sign3A_653 : i1 to i32
        %sign3A_655 = arith.constant 0 : i32
        %sign3A_656 = arith.cmpi slt, %jit3A_643, %sign3A_655 : i32
        %sign3A_657 = arith.extui %sign3A_656 : i1 to i32
        %sign3A_658 = arith.subi %sign3A_654, %sign3A_657 : i32
        %ne3A_659 = arith.cmpi ne, %sign3A_651, %sign3A_658 : i32
        %rem3A_660 = arith.remsi %add3A_448, %jit3A_643 : i32
        %ne3A_661 = arith.constant 0 : i32
        %ne3A_662 = arith.cmpi ne, %rem3A_660, %ne3A_661 : i32
        %and3A_663 = arith.andi %ne3A_659, %ne3A_662 : i1
        %sub3A_664 = arith.constant 1 : i32
        %sub3A_665 = arith.subi %div3A_644, %sub3A_664 : i32
        %select_n3A_666 = arith.select %and3A_663, %sub3A_665, %div3A_644 : i32
        %jit3A_667 = arith.constant 10 : i32
        %eq3A_668 = arith.constant 0 : i32
        %eq3A_669 = arith.cmpi eq, %jit3A_667, %eq3A_668 : i32
        %jit3A_670 = arith.constant 1 : i32
        %select_n3A_671 = arith.select %eq3A_669, %jit3A_670, %jit3A_667 : i32
        %rem3A_672 = arith.remsi %add3A_448, %select_n3A_671 : i32
        %ne3A_673 = arith.constant 0 : i32
        %ne3A_674 = arith.cmpi ne, %rem3A_672, %ne3A_673 : i32
        %lt3A_675 = arith.constant 0 : i32
        %lt3A_676 = arith.cmpi slt, %rem3A_672, %lt3A_675 : i32
        %lt3A_677 = arith.constant 0 : i32
        %lt3A_678 = arith.cmpi slt, %select_n3A_671, %lt3A_677 : i32
        %ne3A_679 = arith.xori %lt3A_676, %lt3A_678 : i1
        %and3A_680 = arith.andi %ne3A_679, %ne3A_674 : i1
        %add3A_681 = arith.addi %rem3A_672, %select_n3A_671 : i32
        %select_n3A_682 = arith.select %and3A_680, %add3A_681, %rem3A_672 : i32
        %mul3A_683 = arith.constant 5 : i32
        %mul3A_684 = arith.muli %select_n3A_682, %mul3A_683 : i32
        %add3A_685 = arith.constant 0 : i32
        %add3A_686 = arith.addi %mul3A_684, %add3A_685 : i32
        %mul3A_687 = arith.constant 128 : i32
        %mul3A_688 = arith.muli %select_n3A_666, %mul3A_687 : i32
        %dma_start3A_689 = arith.constant 0 : i32
        %dma_start3A_690 = arith.constant 0 : i32
        %dma_start3A_691 = tpu.memref_slice %arg6[%dma_start3A_689, %dma_start3A_690] : memref<640x32xf32, #tpu.memory_space<vmem>> -> memref<128x32xf32, #tpu.memory_space<vmem>>
        %dma_start3A_692 = tpu.memref_slice %arg5[%add3A_686, %mul3A_688] : memref<50x512xi32, #tpu.memory_space<vmem>> -> memref<1x128xi32, #tpu.memory_space<vmem>>
        %dma_start3A_693 = tpu.memref_squeeze %dma_start3A_692 : memref<1x128xi32, #tpu.memory_space<vmem>> -> memref<128xi32, #tpu.memory_space<vmem>>
        %dma_start3A_694 = arith.constant 0 : i32
        %dma_start3A_695 = arith.constant 0 : i32
        %dma_start3A_696 = tpu.memref_slice %arg3[%dma_start3A_694, %dma_start3A_695] : memref<1000000x32xf32, #tpu.memory_space<hbm>> -> memref<1000000x32xf32, #tpu.memory_space<hbm>>
        tpu.enqueue_indirect_dma source(%dma_start3A_696 : memref<1000000x32xf32, #tpu.memory_space<hbm>>) target(%dma_start3A_691 : memref<128x32xf32, #tpu.memory_space<vmem>>) offsets(%dma_start3A_693 : memref<128xi32, #tpu.memory_space<vmem>>) semaphore(%arg10 : memref<!tpu.dma_semaphore, #tpu.memory_space<semaphore_mem>>)
        %add3A_697 = arith.constant 1 : i32
        %add3A_698 = arith.addi %mul3A_684, %add3A_697 : i32
        %mul3A_699 = arith.constant 128 : i32
        %mul3A_700 = arith.muli %select_n3A_666, %mul3A_699 : i32
        %dma_start3A_701 = arith.constant 128 : i32
        %dma_start3A_702 = arith.constant 0 : i32
        %dma_start3A_703 = tpu.memref_slice %arg6[%dma_start3A_701, %dma_start3A_702] : memref<640x32xf32, #tpu.memory_space<vmem>> -> memref<128x32xf32, #tpu.memory_space<vmem>>
        %dma_start3A_704 = tpu.memref_slice %arg5[%add3A_698, %mul3A_700] : memref<50x512xi32, #tpu.memory_space<vmem>> -> memref<1x128xi32, #tpu.memory_space<vmem>>
        %dma_start3A_705 = tpu.memref_squeeze %dma_start3A_704 : memref<1x128xi32, #tpu.memory_space<vmem>> -> memref<128xi32, #tpu.memory_space<vmem>>
        %dma_start3A_706 = arith.constant 0 : i32
        %dma_start3A_707 = arith.constant 0 : i32
        %dma_start3A_708 = tpu.memref_slice %arg3[%dma_start3A_706, %dma_start3A_707] : memref<1000000x32xf32, #tpu.memory_space<hbm>> -> memref<1000000x32xf32, #tpu.memory_space<hbm>>
        tpu.enqueue_indirect_dma source(%dma_start3A_708 : memref<1000000x32xf32, #tpu.memory_space<hbm>>) target(%dma_start3A_703 : memref<128x32xf32, #tpu.memory_space<vmem>>) offsets(%dma_start3A_705 : memref<128xi32, #tpu.memory_space<vmem>>) semaphore(%arg10 : memref<!tpu.dma_semaphore, #tpu.memory_space<semaphore_mem>>)
        %add3A_709 = arith.constant 2 : i32
        %add3A_710 = arith.addi %mul3A_684, %add3A_709 : i32
        %mul3A_711 = arith.constant 128 : i32
        %mul3A_712 = arith.muli %select_n3A_666, %mul3A_711 : i32
        %dma_start3A_713 = arith.constant 256 : i32
        %dma_start3A_714 = arith.constant 0 : i32
        %dma_start3A_715 = tpu.memref_slice %arg6[%dma_start3A_713, %dma_start3A_714] : memref<640x32xf32, #tpu.memory_space<vmem>> -> memref<128x32xf32, #tpu.memory_space<vmem>>
        %dma_start3A_716 = tpu.memref_slice %arg5[%add3A_710, %mul3A_712] : memref<50x512xi32, #tpu.memory_space<vmem>> -> memref<1x128xi32, #tpu.memory_space<vmem>>
        %dma_start3A_717 = tpu.memref_squeeze %dma_start3A_716 : memref<1x128xi32, #tpu.memory_space<vmem>> -> memref<128xi32, #tpu.memory_space<vmem>>
        %dma_start3A_718 = arith.constant 0 : i32
        %dma_start3A_719 = arith.constant 0 : i32
        %dma_start3A_720 = tpu.memref_slice %arg3[%dma_start3A_718, %dma_start3A_719] : memref<1000000x32xf32, #tpu.memory_space<hbm>> -> memref<1000000x32xf32, #tpu.memory_space<hbm>>
        tpu.enqueue_indirect_dma source(%dma_start3A_720 : memref<1000000x32xf32, #tpu.memory_space<hbm>>) target(%dma_start3A_715 : memref<128x32xf32, #tpu.memory_space<vmem>>) offsets(%dma_start3A_717 : memref<128xi32, #tpu.memory_space<vmem>>) semaphore(%arg10 : memref<!tpu.dma_semaphore, #tpu.memory_space<semaphore_mem>>)
        %add3A_721 = arith.constant 3 : i32
        %add3A_722 = arith.addi %mul3A_684, %add3A_721 : i32
        %mul3A_723 = arith.constant 128 : i32
        %mul3A_724 = arith.muli %select_n3A_666, %mul3A_723 : i32
        %dma_start3A_725 = arith.constant 384 : i32
        %dma_start3A_726 = arith.constant 0 : i32
        %dma_start3A_727 = tpu.memref_slice %arg6[%dma_start3A_725, %dma_start3A_726] : memref<640x32xf32, #tpu.memory_space<vmem>> -> memref<128x32xf32, #tpu.memory_space<vmem>>
        %dma_start3A_728 = tpu.memref_slice %arg5[%add3A_722, %mul3A_724] : memref<50x512xi32, #tpu.memory_space<vmem>> -> memref<1x128xi32, #tpu.memory_space<vmem>>
        %dma_start3A_729 = tpu.memref_squeeze %dma_start3A_728 : memref<1x128xi32, #tpu.memory_space<vmem>> -> memref<128xi32, #tpu.memory_space<vmem>>
        %dma_start3A_730 = arith.constant 0 : i32
        %dma_start3A_731 = arith.constant 0 : i32
        %dma_start3A_732 = tpu.memref_slice %arg3[%dma_start3A_730, %dma_start3A_731] : memref<1000000x32xf32, #tpu.memory_space<hbm>> -> memref<1000000x32xf32, #tpu.memory_space<hbm>>
        tpu.enqueue_indirect_dma source(%dma_start3A_732 : memref<1000000x32xf32, #tpu.memory_space<hbm>>) target(%dma_start3A_727 : memref<128x32xf32, #tpu.memory_space<vmem>>) offsets(%dma_start3A_729 : memref<128xi32, #tpu.memory_space<vmem>>) semaphore(%arg10 : memref<!tpu.dma_semaphore, #tpu.memory_space<semaphore_mem>>)
        %add3A_733 = arith.constant 4 : i32
        %add3A_734 = arith.addi %mul3A_684, %add3A_733 : i32
        %mul3A_735 = arith.constant 128 : i32
        %mul3A_736 = arith.muli %select_n3A_666, %mul3A_735 : i32
        %dma_start3A_737 = arith.constant 512 : i32
        %dma_start3A_738 = arith.constant 0 : i32
        %dma_start3A_739 = tpu.memref_slice %arg6[%dma_start3A_737, %dma_start3A_738] : memref<640x32xf32, #tpu.memory_space<vmem>> -> memref<128x32xf32, #tpu.memory_space<vmem>>
        %dma_start3A_740 = tpu.memref_slice %arg5[%add3A_734, %mul3A_736] : memref<50x512xi32, #tpu.memory_space<vmem>> -> memref<1x128xi32, #tpu.memory_space<vmem>>
        %dma_start3A_741 = tpu.memref_squeeze %dma_start3A_740 : memref<1x128xi32, #tpu.memory_space<vmem>> -> memref<128xi32, #tpu.memory_space<vmem>>
        %dma_start3A_742 = arith.constant 0 : i32
        %dma_start3A_743 = arith.constant 0 : i32
        %dma_start3A_744 = tpu.memref_slice %arg3[%dma_start3A_742, %dma_start3A_743] : memref<1000000x32xf32, #tpu.memory_space<hbm>> -> memref<1000000x32xf32, #tpu.memory_space<hbm>>
        tpu.enqueue_indirect_dma source(%dma_start3A_744 : memref<1000000x32xf32, #tpu.memory_space<hbm>>) target(%dma_start3A_739 : memref<128x32xf32, #tpu.memory_space<vmem>>) offsets(%dma_start3A_741 : memref<128xi32, #tpu.memory_space<vmem>>) semaphore(%arg10 : memref<!tpu.dma_semaphore, #tpu.memory_space<semaphore_mem>>)
      } else {
      }
      %mul3A_454 = arith.constant 2 : i32
      %mul3A_455 = arith.muli %mul3A_454, %scan3A_267 : i32
      %add3A_456 = arith.constant 1 : i32
      %add3A_457 = arith.addi %mul3A_455, %add3A_456 : i32
      %jit3A_458 = arith.constant 10 : i32
      %div3A_459 = arith.divsi %add3A_457, %jit3A_458 : i32
      %sign3A_460 = arith.constant 0 : i32
      %sign3A_461 = arith.cmpi sgt, %add3A_457, %sign3A_460 : i32
      %sign3A_462 = arith.extui %sign3A_461 : i1 to i32
      %sign3A_463 = arith.constant 0 : i32
      %sign3A_464 = arith.cmpi slt, %add3A_457, %sign3A_463 : i32
      %sign3A_465 = arith.extui %sign3A_464 : i1 to i32
      %sign3A_466 = arith.subi %sign3A_462, %sign3A_465 : i32
      %sign3A_467 = arith.constant 0 : i32
      %sign3A_468 = arith.cmpi sgt, %jit3A_458, %sign3A_467 : i32
      %sign3A_469 = arith.extui %sign3A_468 : i1 to i32
      %sign3A_470 = arith.constant 0 : i32
      %sign3A_471 = arith.cmpi slt, %jit3A_458, %sign3A_470 : i32
      %sign3A_472 = arith.extui %sign3A_471 : i1 to i32
      %sign3A_473 = arith.subi %sign3A_469, %sign3A_472 : i32
      %ne3A_474 = arith.cmpi ne, %sign3A_466, %sign3A_473 : i32
      %rem3A_475 = arith.remsi %add3A_457, %jit3A_458 : i32
      %ne3A_476 = arith.constant 0 : i32
      %ne3A_477 = arith.cmpi ne, %rem3A_475, %ne3A_476 : i32
      %and3A_478 = arith.andi %ne3A_474, %ne3A_477 : i1
      %sub3A_479 = arith.constant 1 : i32
      %sub3A_480 = arith.subi %div3A_459, %sub3A_479 : i32
      %select_n3A_481 = arith.select %and3A_478, %sub3A_480, %div3A_459 : i32
      %jit3A_482 = arith.constant 10 : i32
      %eq3A_483 = arith.constant 0 : i32
      %eq3A_484 = arith.cmpi eq, %jit3A_482, %eq3A_483 : i32
      %jit3A_485 = arith.constant 1 : i32
      %select_n3A_486 = arith.select %eq3A_484, %jit3A_485, %jit3A_482 : i32
      %rem3A_487 = arith.remsi %add3A_457, %select_n3A_486 : i32
      %ne3A_488 = arith.constant 0 : i32
      %ne3A_489 = arith.cmpi ne, %rem3A_487, %ne3A_488 : i32
      %lt3A_490 = arith.constant 0 : i32
      %lt3A_491 = arith.cmpi slt, %rem3A_487, %lt3A_490 : i32
      %lt3A_492 = arith.constant 0 : i32
      %lt3A_493 = arith.cmpi slt, %select_n3A_486, %lt3A_492 : i32
      %ne3A_494 = arith.xori %lt3A_491, %lt3A_493 : i1
      %and3A_495 = arith.andi %ne3A_494, %ne3A_489 : i1
      %add3A_496 = arith.addi %rem3A_487, %select_n3A_486 : i32
      %select_n3A_497 = arith.select %and3A_495, %add3A_496, %rem3A_487 : i32
      %mul3A_498 = arith.constant 5 : i32
      %mul3A_499 = arith.muli %select_n3A_497, %mul3A_498 : i32
      %mul3A_500 = arith.constant 4 : i32
      %mul3A_501 = arith.muli %mul3A_500, %add3A : i32
      %add3A_502 = arith.addi %mul3A_501, %select_n3A_481 : i32
      %jit3A_503 = arith.constant 10 : i32
      %div3A_504 = arith.divsi %add3A_457, %jit3A_503 : i32
      %sign3A_505 = arith.constant 0 : i32
      %sign3A_506 = arith.cmpi sgt, %add3A_457, %sign3A_505 : i32
      %sign3A_507 = arith.extui %sign3A_506 : i1 to i32
      %sign3A_508 = arith.constant 0 : i32
      %sign3A_509 = arith.cmpi slt, %add3A_457, %sign3A_508 : i32
      %sign3A_510 = arith.extui %sign3A_509 : i1 to i32
      %sign3A_511 = arith.subi %sign3A_507, %sign3A_510 : i32
      %sign3A_512 = arith.constant 0 : i32
      %sign3A_513 = arith.cmpi sgt, %jit3A_503, %sign3A_512 : i32
      %sign3A_514 = arith.extui %sign3A_513 : i1 to i32
      %sign3A_515 = arith.constant 0 : i32
      %sign3A_516 = arith.cmpi slt, %jit3A_503, %sign3A_515 : i32
      %sign3A_517 = arith.extui %sign3A_516 : i1 to i32
      %sign3A_518 = arith.subi %sign3A_514, %sign3A_517 : i32
      %ne3A_519 = arith.cmpi ne, %sign3A_511, %sign3A_518 : i32
      %rem3A_520 = arith.remsi %add3A_457, %jit3A_503 : i32
      %ne3A_521 = arith.constant 0 : i32
      %ne3A_522 = arith.cmpi ne, %rem3A_520, %ne3A_521 : i32
      %and3A_523 = arith.andi %ne3A_519, %ne3A_522 : i1
      %sub3A_524 = arith.constant 1 : i32
      %sub3A_525 = arith.subi %div3A_504, %sub3A_524 : i32
      %select_n3A_526 = arith.select %and3A_523, %sub3A_525, %div3A_504 : i32
      %jit3A_527 = arith.constant 10 : i32
      %eq3A_528 = arith.constant 0 : i32
      %eq3A_529 = arith.cmpi eq, %jit3A_527, %eq3A_528 : i32
      %jit3A_530 = arith.constant 1 : i32
      %select_n3A_531 = arith.select %eq3A_529, %jit3A_530, %jit3A_527 : i32
      %rem3A_532 = arith.remsi %add3A_457, %select_n3A_531 : i32
      %ne3A_533 = arith.constant 0 : i32
      %ne3A_534 = arith.cmpi ne, %rem3A_532, %ne3A_533 : i32
      %lt3A_535 = arith.constant 0 : i32
      %lt3A_536 = arith.cmpi slt, %rem3A_532, %lt3A_535 : i32
      %lt3A_537 = arith.constant 0 : i32
      %lt3A_538 = arith.cmpi slt, %select_n3A_531, %lt3A_537 : i32
      %ne3A_539 = arith.xori %lt3A_536, %lt3A_538 : i1
      %and3A_540 = arith.andi %ne3A_539, %ne3A_534 : i1
      %add3A_541 = arith.addi %rem3A_532, %select_n3A_531 : i32
      %select_n3A_542 = arith.select %and3A_540, %add3A_541, %rem3A_532 : i32
      %mul3A_543 = arith.constant 5 : i32
      %mul3A_544 = arith.muli %select_n3A_542, %mul3A_543 : i32
      %add3A_545 = arith.constant 0 : i32
      %add3A_546 = arith.addi %mul3A_544, %add3A_545 : i32
      %mul3A_547 = arith.constant 128 : i32
      %mul3A_548 = arith.muli %select_n3A_526, %mul3A_547 : i32
      %dma_wait3A_549 = arith.constant 0 : i32
      %dma_wait3A_550 = arith.constant 0 : i32
      %dma_wait3A_551 = tpu.memref_slice %arg7[%dma_wait3A_549, %dma_wait3A_550] : memref<640x32xf32, #tpu.memory_space<vmem>> -> memref<128x32xf32, #tpu.memory_space<vmem>>
      %dma_wait3A_552 = tpu.memref_slice %arg5[%add3A_546, %mul3A_548] : memref<50x512xi32, #tpu.memory_space<vmem>> -> memref<1x128xi32, #tpu.memory_space<vmem>>
      %dma_wait3A_553 = tpu.memref_squeeze %dma_wait3A_552 : memref<1x128xi32, #tpu.memory_space<vmem>> -> memref<128xi32, #tpu.memory_space<vmem>>
      %dma_wait3A_554 = arith.constant 0 : i32
      %dma_wait3A_555 = arith.constant 0 : i32
      %dma_wait3A_556 = tpu.memref_slice %arg3[%dma_wait3A_554, %dma_wait3A_555] : memref<1000000x32xf32, #tpu.memory_space<hbm>> -> memref<1000000x32xf32, #tpu.memory_space<hbm>>
      tpu.wait_indirect_dma semaphore(%arg11 : memref<!tpu.dma_semaphore, #tpu.memory_space<semaphore_mem>>) src(%dma_wait3A_556 : memref<1000000x32xf32, #tpu.memory_space<hbm>>) dst(%dma_wait3A_551 : memref<128x32xf32, #tpu.memory_space<vmem>>)
      %add3A_557 = arith.constant 1 : i32
      %add3A_558 = arith.addi %mul3A_544, %add3A_557 : i32
      %mul3A_559 = arith.constant 128 : i32
      %mul3A_560 = arith.muli %select_n3A_526, %mul3A_559 : i32
      %dma_wait3A_561 = arith.constant 128 : i32
      %dma_wait3A_562 = arith.constant 0 : i32
      %dma_wait3A_563 = tpu.memref_slice %arg7[%dma_wait3A_561, %dma_wait3A_562] : memref<640x32xf32, #tpu.memory_space<vmem>> -> memref<128x32xf32, #tpu.memory_space<vmem>>
      %dma_wait3A_564 = tpu.memref_slice %arg5[%add3A_558, %mul3A_560] : memref<50x512xi32, #tpu.memory_space<vmem>> -> memref<1x128xi32, #tpu.memory_space<vmem>>
      %dma_wait3A_565 = tpu.memref_squeeze %dma_wait3A_564 : memref<1x128xi32, #tpu.memory_space<vmem>> -> memref<128xi32, #tpu.memory_space<vmem>>
      %dma_wait3A_566 = arith.constant 0 : i32
      %dma_wait3A_567 = arith.constant 0 : i32
      %dma_wait3A_568 = tpu.memref_slice %arg3[%dma_wait3A_566, %dma_wait3A_567] : memref<1000000x32xf32, #tpu.memory_space<hbm>> -> memref<1000000x32xf32, #tpu.memory_space<hbm>>
      tpu.wait_indirect_dma semaphore(%arg11 : memref<!tpu.dma_semaphore, #tpu.memory_space<semaphore_mem>>) src(%dma_wait3A_568 : memref<1000000x32xf32, #tpu.memory_space<hbm>>) dst(%dma_wait3A_563 : memref<128x32xf32, #tpu.memory_space<vmem>>)
      %add3A_569 = arith.constant 2 : i32
      %add3A_570 = arith.addi %mul3A_544, %add3A_569 : i32
      %mul3A_571 = arith.constant 128 : i32
      %mul3A_572 = arith.muli %select_n3A_526, %mul3A_571 : i32
      %dma_wait3A_573 = arith.constant 256 : i32
      %dma_wait3A_574 = arith.constant 0 : i32
      %dma_wait3A_575 = tpu.memref_slice %arg7[%dma_wait3A_573, %dma_wait3A_574] : memref<640x32xf32, #tpu.memory_space<vmem>> -> memref<128x32xf32, #tpu.memory_space<vmem>>
      %dma_wait3A_576 = tpu.memref_slice %arg5[%add3A_570, %mul3A_572] : memref<50x512xi32, #tpu.memory_space<vmem>> -> memref<1x128xi32, #tpu.memory_space<vmem>>
      %dma_wait3A_577 = tpu.memref_squeeze %dma_wait3A_576 : memref<1x128xi32, #tpu.memory_space<vmem>> -> memref<128xi32, #tpu.memory_space<vmem>>
      %dma_wait3A_578 = arith.constant 0 : i32
      %dma_wait3A_579 = arith.constant 0 : i32
      %dma_wait3A_580 = tpu.memref_slice %arg3[%dma_wait3A_578, %dma_wait3A_579] : memref<1000000x32xf32, #tpu.memory_space<hbm>> -> memref<1000000x32xf32, #tpu.memory_space<hbm>>
      tpu.wait_indirect_dma semaphore(%arg11 : memref<!tpu.dma_semaphore, #tpu.memory_space<semaphore_mem>>) src(%dma_wait3A_580 : memref<1000000x32xf32, #tpu.memory_space<hbm>>) dst(%dma_wait3A_575 : memref<128x32xf32, #tpu.memory_space<vmem>>)
      %add3A_581 = arith.constant 3 : i32
      %add3A_582 = arith.addi %mul3A_544, %add3A_581 : i32
      %mul3A_583 = arith.constant 128 : i32
      %mul3A_584 = arith.muli %select_n3A_526, %mul3A_583 : i32
      %dma_wait3A_585 = arith.constant 384 : i32
      %dma_wait3A_586 = arith.constant 0 : i32
      %dma_wait3A_587 = tpu.memref_slice %arg7[%dma_wait3A_585, %dma_wait3A_586] : memref<640x32xf32, #tpu.memory_space<vmem>> -> memref<128x32xf32, #tpu.memory_space<vmem>>
      %dma_wait3A_588 = tpu.memref_slice %arg5[%add3A_582, %mul3A_584] : memref<50x512xi32, #tpu.memory_space<vmem>> -> memref<1x128xi32, #tpu.memory_space<vmem>>
      %dma_wait3A_589 = tpu.memref_squeeze %dma_wait3A_588 : memref<1x128xi32, #tpu.memory_space<vmem>> -> memref<128xi32, #tpu.memory_space<vmem>>
      %dma_wait3A_590 = arith.constant 0 : i32
      %dma_wait3A_591 = arith.constant 0 : i32
      %dma_wait3A_592 = tpu.memref_slice %arg3[%dma_wait3A_590, %dma_wait3A_591] : memref<1000000x32xf32, #tpu.memory_space<hbm>> -> memref<1000000x32xf32, #tpu.memory_space<hbm>>
      tpu.wait_indirect_dma semaphore(%arg11 : memref<!tpu.dma_semaphore, #tpu.memory_space<semaphore_mem>>) src(%dma_wait3A_592 : memref<1000000x32xf32, #tpu.memory_space<hbm>>) dst(%dma_wait3A_587 : memref<128x32xf32, #tpu.memory_space<vmem>>)
      %add3A_593 = arith.constant 4 : i32
      %add3A_594 = arith.addi %mul3A_544, %add3A_593 : i32
      %mul3A_595 = arith.constant 128 : i32
      %mul3A_596 = arith.muli %select_n3A_526, %mul3A_595 : i32
      %dma_wait3A_597 = arith.constant 512 : i32
      %dma_wait3A_598 = arith.constant 0 : i32
      %dma_wait3A_599 = tpu.memref_slice %arg7[%dma_wait3A_597, %dma_wait3A_598] : memref<640x32xf32, #tpu.memory_space<vmem>> -> memref<128x32xf32, #tpu.memory_space<vmem>>
      %dma_wait3A_600 = tpu.memref_slice %arg5[%add3A_594, %mul3A_596] : memref<50x512xi32, #tpu.memory_space<vmem>> -> memref<1x128xi32, #tpu.memory_space<vmem>>
      %dma_wait3A_601 = tpu.memref_squeeze %dma_wait3A_600 : memref<1x128xi32, #tpu.memory_space<vmem>> -> memref<128xi32, #tpu.memory_space<vmem>>
      %dma_wait3A_602 = arith.constant 0 : i32
      %dma_wait3A_603 = arith.constant 0 : i32
      %dma_wait3A_604 = tpu.memref_slice %arg3[%dma_wait3A_602, %dma_wait3A_603] : memref<1000000x32xf32, #tpu.memory_space<hbm>> -> memref<1000000x32xf32, #tpu.memory_space<hbm>>
      tpu.wait_indirect_dma semaphore(%arg11 : memref<!tpu.dma_semaphore, #tpu.memory_space<semaphore_mem>>) src(%dma_wait3A_604 : memref<1000000x32xf32, #tpu.memory_space<hbm>>) dst(%dma_wait3A_599 : memref<128x32xf32, #tpu.memory_space<vmem>>)
      %ge3A_605 = arith.constant 2 : i32
      %ge3A_606 = arith.cmpi sge, %add3A_457, %ge3A_605 : i32
      %convert_element_type3A_607 = arith.extui %ge3A_606 : i1 to i32
      %cond3A_608 = arith.constant 0 : i32
      %cond3A_609 = arith.cmpi ne, %convert_element_type3A_607, %cond3A_608 : i32
      scf.if %cond3A_609 {
        %dma_wait3A_643 = arith.constant 0 : i32
        %dma_wait3A_644 = arith.constant 0 : i32
        %dma_wait3A_645 = arith.constant 0 : i32
        %dma_wait3A_646 = arith.constant 0 : i32
        %dma_wait3A_647 = tpu.memref_slice %arg9[%dma_wait3A_643, %dma_wait3A_644, %dma_wait3A_645, %dma_wait3A_646] : memref<5x4x8x129xf32, #tpu.memory_space<vmem>> -> memref<5x4x8x128xf32, #tpu.memory_space<vmem>>
        %dma_wait3A_648 = arith.constant 0 : i32
        %dma_wait3A_649 = arith.constant 0 : i32
        %dma_wait3A_650 = arith.constant 0 : i32
        %dma_wait3A_651 = tpu.memref_slice %arg4[%mul3A_499, %dma_wait3A_648, %add3A_502, %dma_wait3A_649, %dma_wait3A_650] : memref<50x4x128x8x128xf32, #tpu.memory_space<hbm>> -> memref<5x4x1x8x128xf32, #tpu.memory_space<hbm>>
        %dma_wait3A_652 = tpu.memref_squeeze %dma_wait3A_651 : memref<5x4x1x8x128xf32, #tpu.memory_space<hbm>> -> memref<5x4x8x128xf32, #tpu.memory_space<hbm>>
        %dma_wait3A_653 = arith.constant 0 : i32
        %dma_wait3A_654 = arith.constant 0 : i32
        %dma_wait3A_655 = arith.constant 0 : i32
        %dma_wait3A_656 = tpu.memref_slice %arg4[%mul3A_499, %dma_wait3A_653, %add3A_502, %dma_wait3A_654, %dma_wait3A_655] : memref<50x4x128x8x128xf32, #tpu.memory_space<hbm>> -> memref<5x4x1x8x128xf32, #tpu.memory_space<hbm>>
        %dma_wait3A_657 = tpu.memref_squeeze %dma_wait3A_656 : memref<5x4x1x8x128xf32, #tpu.memory_space<hbm>> -> memref<5x4x8x128xf32, #tpu.memory_space<hbm>>
        %dma_wait3A_658 = arith.constant 0 : i32
        %dma_wait3A_659 = arith.constant 0 : i32
        %dma_wait3A_660 = arith.constant 0 : i32
        %dma_wait3A_661 = arith.constant 0 : i32
        %dma_wait3A_662 = tpu.memref_slice %arg9[%dma_wait3A_658, %dma_wait3A_659, %dma_wait3A_660, %dma_wait3A_661] : memref<5x4x8x129xf32, #tpu.memory_space<vmem>> -> memref<5x4x8x128xf32, #tpu.memory_space<vmem>>
        tpu.wait_dma2 semaphore(%arg13 : memref<!tpu.dma_semaphore, #tpu.memory_space<semaphore_mem>>) src(%dma_wait3A_662 : memref<5x4x8x128xf32, #tpu.memory_space<vmem>>) dst(%dma_wait3A_657 : memref<5x4x8x128xf32, #tpu.memory_space<hbm>>)
      } else {
      }
      %scan3A_610 = arith.constant 0 : i32
      %scan3A_611 = arith.constant 0 : i32
      %scan3A_612 = arith.constant 32 : i32
      %scan3A_613 = arith.addi %scan3A_611, %scan3A_612 : i32
      %scan3A_614 = arith.constant 1 : i32
      scf.for %scan3A_643 = %scan3A_611 to %scan3A_613 step %scan3A_614  : i32 {
        %mul3A_644 = arith.constant 4 : i32
        %mul3A_645 = arith.muli %mul3A_644, %scan3A_643 : i32
        %add3A_646 = arith.constant 0 : i32
        %add3A_647 = arith.addi %mul3A_645, %add3A_646 : i32
        %broadcast_in_dim3A_648 = vector.broadcast %add3A_647 : i32 to vector<16xi32>
        %add3A_649 = arith.constant 0 : i32
        %add3A_650 = arith.addi %add3A_649, %add3A_647 : i32
        %get3A = arith.index_cast %add3A_650 : i32 to index
        %get3A_651 = arith.constant 0 : index
        %get3A_652 = tpu.vector_load %arg7[%get3A, %get3A_651] {strides = array<i32>} : memref<640x32xf32, #tpu.memory_space<vmem>>, vector<16xf32>,
        %get3A_653 = arith.index_cast %add3A_650 : i32 to index
        %get3A_654 = arith.constant 16 : index
        %get3A_655 = tpu.vector_load %arg7[%get3A_653, %get3A_654] {strides = array<i32>} : memref<640x32xf32, #tpu.memory_space<vmem>>, vector<16xf32>,
        tpu.vector_store_idx %arg9[%broadcast_in_dim3A_103, %select_n3A, %select_n3A_43, %broadcast_in_dim3A_648], %get3A_652 : memref<5x4x8x129xf32, #tpu.memory_space<vmem>>[vector<16xi32>, vector<16xi32>, vector<16xi32>, vector<16xi32>], vector<16xf32>,
        tpu.vector_store_idx %arg9[%broadcast_in_dim3A_103, %select_n3A_77, %select_n3A_102, %broadcast_in_dim3A_648], %get3A_655 : memref<5x4x8x129xf32, #tpu.memory_space<vmem>>[vector<16xi32>, vector<16xi32>, vector<16xi32>, vector<16xi32>], vector<16xf32>,
        %add3A_656 = arith.constant 128 : i32
        %add3A_657 = arith.addi %add3A_656, %add3A_647 : i32
        %get3A_658 = arith.index_cast %add3A_657 : i32 to index
        %get3A_659 = arith.constant 0 : index
        %get3A_660 = tpu.vector_load %arg7[%get3A_658, %get3A_659] {strides = array<i32>} : memref<640x32xf32, #tpu.memory_space<vmem>>, vector<16xf32>,
        %get3A_661 = arith.index_cast %add3A_657 : i32 to index
        %get3A_662 = arith.constant 16 : index
        %get3A_663 = tpu.vector_load %arg7[%get3A_661, %get3A_662] {strides = array<i32>} : memref<640x32xf32, #tpu.memory_space<vmem>>, vector<16xf32>,
        tpu.vector_store_idx %arg9[%broadcast_in_dim3A_105, %select_n3A, %select_n3A_43, %broadcast_in_dim3A_648], %get3A_660 : memref<5x4x8x129xf32, #tpu.memory_space<vmem>>[vector<16xi32>, vector<16xi32>, vector<16xi32>, vector<16xi32>], vector<16xf32>,
        tpu.vector_store_idx %arg9[%broadcast_in_dim3A_105, %select_n3A_77, %select_n3A_102, %broadcast_in_dim3A_648], %get3A_663 : memref<5x4x8x129xf32, #tpu.memory_space<vmem>>[vector<16xi32>, vector<16xi32>, vector<16xi32>, vector<16xi32>], vector<16xf32>,
        %add3A_664 = arith.constant 256 : i32
        %add3A_665 = arith.addi %add3A_664, %add3A_647 : i32
        %get3A_666 = arith.index_cast %add3A_665 : i32 to index
        %get3A_667 = arith.constant 0 : index
        %get3A_668 = tpu.vector_load %arg7[%get3A_666, %get3A_667] {strides = array<i32>} : memref<640x32xf32, #tpu.memory_space<vmem>>, vector<16xf32>,
        %get3A_669 = arith.index_cast %add3A_665 : i32 to index
        %get3A_670 = arith.constant 16 : index
        %get3A_671 = tpu.vector_load %arg7[%get3A_669, %get3A_670] {strides = array<i32>} : memref<640x32xf32, #tpu.memory_space<vmem>>, vector<16xf32>,
        tpu.vector_store_idx %arg9[%broadcast_in_dim3A_107, %select_n3A, %select_n3A_43, %broadcast_in_dim3A_648], %get3A_668 : memref<5x4x8x129xf32, #tpu.memory_space<vmem>>[vector<16xi32>, vector<16xi32>, vector<16xi32>, vector<16xi32>], vector<16xf32>,
        tpu.vector_store_idx %arg9[%broadcast_in_dim3A_107, %select_n3A_77, %select_n3A_102, %broadcast_in_dim3A_648], %get3A_671 : memref<5x4x8x129xf32, #tpu.memory_space<vmem>>[vector<16xi32>, vector<16xi32>, vector<16xi32>, vector<16xi32>], vector<16xf32>,
        %add3A_672 = arith.constant 384 : i32
        %add3A_673 = arith.addi %add3A_672, %add3A_647 : i32
        %get3A_674 = arith.index_cast %add3A_673 : i32 to index
        %get3A_675 = arith.constant 0 : index
        %get3A_676 = tpu.vector_load %arg7[%get3A_674, %get3A_675] {strides = array<i32>} : memref<640x32xf32, #tpu.memory_space<vmem>>, vector<16xf32>,
        %get3A_677 = arith.index_cast %add3A_673 : i32 to index
        %get3A_678 = arith.constant 16 : index
        %get3A_679 = tpu.vector_load %arg7[%get3A_677, %get3A_678] {strides = array<i32>} : memref<640x32xf32, #tpu.memory_space<vmem>>, vector<16xf32>,
        tpu.vector_store_idx %arg9[%broadcast_in_dim3A_109, %select_n3A, %select_n3A_43, %broadcast_in_dim3A_648], %get3A_676 : memref<5x4x8x129xf32, #tpu.memory_space<vmem>>[vector<16xi32>, vector<16xi32>, vector<16xi32>, vector<16xi32>], vector<16xf32>,
        tpu.vector_store_idx %arg9[%broadcast_in_dim3A_109, %select_n3A_77, %select_n3A_102, %broadcast_in_dim3A_648], %get3A_679 : memref<5x4x8x129xf32, #tpu.memory_space<vmem>>[vector<16xi32>, vector<16xi32>, vector<16xi32>, vector<16xi32>], vector<16xf32>,
        %add3A_680 = arith.constant 512 : i32
        %add3A_681 = arith.addi %add3A_680, %add3A_647 : i32
        %get3A_682 = arith.index_cast %add3A_681 : i32 to index
        %get3A_683 = arith.constant 0 : index
        %get3A_684 = tpu.vector_load %arg7[%get3A_682, %get3A_683] {strides = array<i32>} : memref<640x32xf32, #tpu.memory_space<vmem>>, vector<16xf32>,
        %get3A_685 = arith.index_cast %add3A_681 : i32 to index
        %get3A_686 = arith.constant 16 : index
        %get3A_687 = tpu.vector_load %arg7[%get3A_685, %get3A_686] {strides = array<i32>} : memref<640x32xf32, #tpu.memory_space<vmem>>, vector<16xf32>,
        tpu.vector_store_idx %arg9[%broadcast_in_dim3A_111, %select_n3A, %select_n3A_43, %broadcast_in_dim3A_648], %get3A_684 : memref<5x4x8x129xf32, #tpu.memory_space<vmem>>[vector<16xi32>, vector<16xi32>, vector<16xi32>, vector<16xi32>], vector<16xf32>,
        tpu.vector_store_idx %arg9[%broadcast_in_dim3A_111, %select_n3A_77, %select_n3A_102, %broadcast_in_dim3A_648], %get3A_687 : memref<5x4x8x129xf32, #tpu.memory_space<vmem>>[vector<16xi32>, vector<16xi32>, vector<16xi32>, vector<16xi32>], vector<16xf32>,
        %mul3A_688 = arith.constant 4 : i32
        %mul3A_689 = arith.muli %mul3A_688, %scan3A_643 : i32
        %add3A_690 = arith.constant 1 : i32
        %add3A_691 = arith.addi %mul3A_689, %add3A_690 : i32
        %broadcast_in_dim3A_692 = vector.broadcast %add3A_691 : i32 to vector<16xi32>
        %add3A_693 = arith.constant 0 : i32
        %add3A_694 = arith.addi %add3A_693, %add3A_691 : i32
        %get3A_695 = arith.index_cast %add3A_694 : i32 to index
        %get3A_696 = arith.constant 0 : index
        %get3A_697 = tpu.vector_load %arg7[%get3A_695, %get3A_696] {strides = array<i32>} : memref<640x32xf32, #tpu.memory_space<vmem>>, vector<16xf32>,
        %get3A_698 = arith.index_cast %add3A_694 : i32 to index
        %get3A_699 = arith.constant 16 : index
        %get3A_700 = tpu.vector_load %arg7[%get3A_698, %get3A_699] {strides = array<i32>} : memref<640x32xf32, #tpu.memory_space<vmem>>, vector<16xf32>,
        tpu.vector_store_idx %arg9[%broadcast_in_dim3A_103, %select_n3A, %select_n3A_43, %broadcast_in_dim3A_692], %get3A_697 : memref<5x4x8x129xf32, #tpu.memory_space<vmem>>[vector<16xi32>, vector<16xi32>, vector<16xi32>, vector<16xi32>], vector<16xf32>,
        tpu.vector_store_idx %arg9[%broadcast_in_dim3A_103, %select_n3A_77, %select_n3A_102, %broadcast_in_dim3A_692], %get3A_700 : memref<5x4x8x129xf32, #tpu.memory_space<vmem>>[vector<16xi32>, vector<16xi32>, vector<16xi32>, vector<16xi32>], vector<16xf32>,
        %add3A_701 = arith.constant 128 : i32
        %add3A_702 = arith.addi %add3A_701, %add3A_691 : i32
        %get3A_703 = arith.index_cast %add3A_702 : i32 to index
        %get3A_704 = arith.constant 0 : index
        %get3A_705 = tpu.vector_load %arg7[%get3A_703, %get3A_704] {strides = array<i32>} : memref<640x32xf32, #tpu.memory_space<vmem>>, vector<16xf32>,
        %get3A_706 = arith.index_cast %add3A_702 : i32 to index
        %get3A_707 = arith.constant 16 : index
        %get3A_708 = tpu.vector_load %arg7[%get3A_706, %get3A_707] {strides = array<i32>} : memref<640x32xf32, #tpu.memory_space<vmem>>, vector<16xf32>,
        tpu.vector_store_idx %arg9[%broadcast_in_dim3A_105, %select_n3A, %select_n3A_43, %broadcast_in_dim3A_692], %get3A_705 : memref<5x4x8x129xf32, #tpu.memory_space<vmem>>[vector<16xi32>, vector<16xi32>, vector<16xi32>, vector<16xi32>], vector<16xf32>,
        tpu.vector_store_idx %arg9[%broadcast_in_dim3A_105, %select_n3A_77, %select_n3A_102, %broadcast_in_dim3A_692], %get3A_708 : memref<5x4x8x129xf32, #tpu.memory_space<vmem>>[vector<16xi32>, vector<16xi32>, vector<16xi32>, vector<16xi32>], vector<16xf32>,
        %add3A_709 = arith.constant 256 : i32
        %add3A_710 = arith.addi %add3A_709, %add3A_691 : i32
        %get3A_711 = arith.index_cast %add3A_710 : i32 to index
        %get3A_712 = arith.constant 0 : index
        %get3A_713 = tpu.vector_load %arg7[%get3A_711, %get3A_712] {strides = array<i32>} : memref<640x32xf32, #tpu.memory_space<vmem>>, vector<16xf32>,
        %get3A_714 = arith.index_cast %add3A_710 : i32 to index
        %get3A_715 = arith.constant 16 : index
        %get3A_716 = tpu.vector_load %arg7[%get3A_714, %get3A_715] {strides = array<i32>} : memref<640x32xf32, #tpu.memory_space<vmem>>, vector<16xf32>,
        tpu.vector_store_idx %arg9[%broadcast_in_dim3A_107, %select_n3A, %select_n3A_43, %broadcast_in_dim3A_692], %get3A_713 : memref<5x4x8x129xf32, #tpu.memory_space<vmem>>[vector<16xi32>, vector<16xi32>, vector<16xi32>, vector<16xi32>], vector<16xf32>,
        tpu.vector_store_idx %arg9[%broadcast_in_dim3A_107, %select_n3A_77, %select_n3A_102, %broadcast_in_dim3A_692], %get3A_716 : memref<5x4x8x129xf32, #tpu.memory_space<vmem>>[vector<16xi32>, vector<16xi32>, vector<16xi32>, vector<16xi32>], vector<16xf32>,
        %add3A_717 = arith.constant 384 : i32
        %add3A_718 = arith.addi %add3A_717, %add3A_691 : i32
        %get3A_719 = arith.index_cast %add3A_718 : i32 to index
        %get3A_720 = arith.constant 0 : index
        %get3A_721 = tpu.vector_load %arg7[%get3A_719, %get3A_720] {strides = array<i32>} : memref<640x32xf32, #tpu.memory_space<vmem>>, vector<16xf32>,
        %get3A_722 = arith.index_cast %add3A_718 : i32 to index
        %get3A_723 = arith.constant 16 : index
        %get3A_724 = tpu.vector_load %arg7[%get3A_722, %get3A_723] {strides = array<i32>} : memref<640x32xf32, #tpu.memory_space<vmem>>, vector<16xf32>,
        tpu.vector_store_idx %arg9[%broadcast_in_dim3A_109, %select_n3A, %select_n3A_43, %broadcast_in_dim3A_692], %get3A_721 : memref<5x4x8x129xf32, #tpu.memory_space<vmem>>[vector<16xi32>, vector<16xi32>, vector<16xi32>, vector<16xi32>], vector<16xf32>,
        tpu.vector_store_idx %arg9[%broadcast_in_dim3A_109, %select_n3A_77, %select_n3A_102, %broadcast_in_dim3A_692], %get3A_724 : memref<5x4x8x129xf32, #tpu.memory_space<vmem>>[vector<16xi32>, vector<16xi32>, vector<16xi32>, vector<16xi32>], vector<16xf32>,
        %add3A_725 = arith.constant 512 : i32
        %add3A_726 = arith.addi %add3A_725, %add3A_691 : i32
        %get3A_727 = arith.index_cast %add3A_726 : i32 to index
        %get3A_728 = arith.constant 0 : index
        %get3A_729 = tpu.vector_load %arg7[%get3A_727, %get3A_728] {strides = array<i32>} : memref<640x32xf32, #tpu.memory_space<vmem>>, vector<16xf32>,
        %get3A_730 = arith.index_cast %add3A_726 : i32 to index
        %get3A_731 = arith.constant 16 : index
        %get3A_732 = tpu.vector_load %arg7[%get3A_730, %get3A_731] {strides = array<i32>} : memref<640x32xf32, #tpu.memory_space<vmem>>, vector<16xf32>,
        tpu.vector_store_idx %arg9[%broadcast_in_dim3A_111, %select_n3A, %select_n3A_43, %broadcast_in_dim3A_692], %get3A_729 : memref<5x4x8x129xf32, #tpu.memory_space<vmem>>[vector<16xi32>, vector<16xi32>, vector<16xi32>, vector<16xi32>], vector<16xf32>,
        tpu.vector_store_idx %arg9[%broadcast_in_dim3A_111, %select_n3A_77, %select_n3A_102, %broadcast_in_dim3A_692], %get3A_732 : memref<5x4x8x129xf32, #tpu.memory_space<vmem>>[vector<16xi32>, vector<16xi32>, vector<16xi32>, vector<16xi32>], vector<16xf32>,
        %mul3A_733 = arith.constant 4 : i32
        %mul3A_734 = arith.muli %mul3A_733, %scan3A_643 : i32
        %add3A_735 = arith.constant 2 : i32
        %add3A_736 = arith.addi %mul3A_734, %add3A_735 : i32
        %broadcast_in_dim3A_737 = vector.broadcast %add3A_736 : i32 to vector<16xi32>
        %add3A_738 = arith.constant 0 : i32
        %add3A_739 = arith.addi %add3A_738, %add3A_736 : i32
        %get3A_740 = arith.index_cast %add3A_739 : i32 to index
        %get3A_741 = arith.constant 0 : index
        %get3A_742 = tpu.vector_load %arg7[%get3A_740, %get3A_741] {strides = array<i32>} : memref<640x32xf32, #tpu.memory_space<vmem>>, vector<16xf32>,
        %get3A_743 = arith.index_cast %add3A_739 : i32 to index
        %get3A_744 = arith.constant 16 : index
        %get3A_745 = tpu.vector_load %arg7[%get3A_743, %get3A_744] {strides = array<i32>} : memref<640x32xf32, #tpu.memory_space<vmem>>, vector<16xf32>,
        tpu.vector_store_idx %arg9[%broadcast_in_dim3A_103, %select_n3A, %select_n3A_43, %broadcast_in_dim3A_737], %get3A_742 : memref<5x4x8x129xf32, #tpu.memory_space<vmem>>[vector<16xi32>, vector<16xi32>, vector<16xi32>, vector<16xi32>], vector<16xf32>,
        tpu.vector_store_idx %arg9[%broadcast_in_dim3A_103, %select_n3A_77, %select_n3A_102, %broadcast_in_dim3A_737], %get3A_745 : memref<5x4x8x129xf32, #tpu.memory_space<vmem>>[vector<16xi32>, vector<16xi32>, vector<16xi32>, vector<16xi32>], vector<16xf32>,
        %add3A_746 = arith.constant 128 : i32
        %add3A_747 = arith.addi %add3A_746, %add3A_736 : i32
        %get3A_748 = arith.index_cast %add3A_747 : i32 to index
        %get3A_749 = arith.constant 0 : index
        %get3A_750 = tpu.vector_load %arg7[%get3A_748, %get3A_749] {strides = array<i32>} : memref<640x32xf32, #tpu.memory_space<vmem>>, vector<16xf32>,
        %get3A_751 = arith.index_cast %add3A_747 : i32 to index
        %get3A_752 = arith.constant 16 : index
        %get3A_753 = tpu.vector_load %arg7[%get3A_751, %get3A_752] {strides = array<i32>} : memref<640x32xf32, #tpu.memory_space<vmem>>, vector<16xf32>,
        tpu.vector_store_idx %arg9[%broadcast_in_dim3A_105, %select_n3A, %select_n3A_43, %broadcast_in_dim3A_737], %get3A_750 : memref<5x4x8x129xf32, #tpu.memory_space<vmem>>[vector<16xi32>, vector<16xi32>, vector<16xi32>, vector<16xi32>], vector<16xf32>,
        tpu.vector_store_idx %arg9[%broadcast_in_dim3A_105, %select_n3A_77, %select_n3A_102, %broadcast_in_dim3A_737], %get3A_753 : memref<5x4x8x129xf32, #tpu.memory_space<vmem>>[vector<16xi32>, vector<16xi32>, vector<16xi32>, vector<16xi32>], vector<16xf32>,
        %add3A_754 = arith.constant 256 : i32
        %add3A_755 = arith.addi %add3A_754, %add3A_736 : i32
        %get3A_756 = arith.index_cast %add3A_755 : i32 to index
        %get3A_757 = arith.constant 0 : index
        %get3A_758 = tpu.vector_load %arg7[%get3A_756, %get3A_757] {strides = array<i32>} : memref<640x32xf32, #tpu.memory_space<vmem>>, vector<16xf32>,
        %get3A_759 = arith.index_cast %add3A_755 : i32 to index
        %get3A_760 = arith.constant 16 : index
        %get3A_761 = tpu.vector_load %arg7[%get3A_759, %get3A_760] {strides = array<i32>} : memref<640x32xf32, #tpu.memory_space<vmem>>, vector<16xf32>,
        tpu.vector_store_idx %arg9[%broadcast_in_dim3A_107, %select_n3A, %select_n3A_43, %broadcast_in_dim3A_737], %get3A_758 : memref<5x4x8x129xf32, #tpu.memory_space<vmem>>[vector<16xi32>, vector<16xi32>, vector<16xi32>, vector<16xi32>], vector<16xf32>,
        tpu.vector_store_idx %arg9[%broadcast_in_dim3A_107, %select_n3A_77, %select_n3A_102, %broadcast_in_dim3A_737], %get3A_761 : memref<5x4x8x129xf32, #tpu.memory_space<vmem>>[vector<16xi32>, vector<16xi32>, vector<16xi32>, vector<16xi32>], vector<16xf32>,
        %add3A_762 = arith.constant 384 : i32
        %add3A_763 = arith.addi %add3A_762, %add3A_736 : i32
        %get3A_764 = arith.index_cast %add3A_763 : i32 to index
        %get3A_765 = arith.constant 0 : index
        %get3A_766 = tpu.vector_load %arg7[%get3A_764, %get3A_765] {strides = array<i32>} : memref<640x32xf32, #tpu.memory_space<vmem>>, vector<16xf32>,
        %get3A_767 = arith.index_cast %add3A_763 : i32 to index
        %get3A_768 = arith.constant 16 : index
        %get3A_769 = tpu.vector_load %arg7[%get3A_767, %get3A_768] {strides = array<i32>} : memref<640x32xf32, #tpu.memory_space<vmem>>, vector<16xf32>,
        tpu.vector_store_idx %arg9[%broadcast_in_dim3A_109, %select_n3A, %select_n3A_43, %broadcast_in_dim3A_737], %get3A_766 : memref<5x4x8x129xf32, #tpu.memory_space<vmem>>[vector<16xi32>, vector<16xi32>, vector<16xi32>, vector<16xi32>], vector<16xf32>,
        tpu.vector_store_idx %arg9[%broadcast_in_dim3A_109, %select_n3A_77, %select_n3A_102, %broadcast_in_dim3A_737], %get3A_769 : memref<5x4x8x129xf32, #tpu.memory_space<vmem>>[vector<16xi32>, vector<16xi32>, vector<16xi32>, vector<16xi32>], vector<16xf32>,
        %add3A_770 = arith.constant 512 : i32
        %add3A_771 = arith.addi %add3A_770, %add3A_736 : i32
        %get3A_772 = arith.index_cast %add3A_771 : i32 to index
        %get3A_773 = arith.constant 0 : index
        %get3A_774 = tpu.vector_load %arg7[%get3A_772, %get3A_773] {strides = array<i32>} : memref<640x32xf32, #tpu.memory_space<vmem>>, vector<16xf32>,
        %get3A_775 = arith.index_cast %add3A_771 : i32 to index
        %get3A_776 = arith.constant 16 : index
        %get3A_777 = tpu.vector_load %arg7[%get3A_775, %get3A_776] {strides = array<i32>} : memref<640x32xf32, #tpu.memory_space<vmem>>, vector<16xf32>,
        tpu.vector_store_idx %arg9[%broadcast_in_dim3A_111, %select_n3A, %select_n3A_43, %broadcast_in_dim3A_737], %get3A_774 : memref<5x4x8x129xf32, #tpu.memory_space<vmem>>[vector<16xi32>, vector<16xi32>, vector<16xi32>, vector<16xi32>], vector<16xf32>,
        tpu.vector_store_idx %arg9[%broadcast_in_dim3A_111, %select_n3A_77, %select_n3A_102, %broadcast_in_dim3A_737], %get3A_777 : memref<5x4x8x129xf32, #tpu.memory_space<vmem>>[vector<16xi32>, vector<16xi32>, vector<16xi32>, vector<16xi32>], vector<16xf32>,
        %mul3A_778 = arith.constant 4 : i32
        %mul3A_779 = arith.muli %mul3A_778, %scan3A_643 : i32
        %add3A_780 = arith.constant 3 : i32
        %add3A_781 = arith.addi %mul3A_779, %add3A_780 : i32
        %broadcast_in_dim3A_782 = vector.broadcast %add3A_781 : i32 to vector<16xi32>
        %add3A_783 = arith.constant 0 : i32
        %add3A_784 = arith.addi %add3A_783, %add3A_781 : i32
        %get3A_785 = arith.index_cast %add3A_784 : i32 to index
        %get3A_786 = arith.constant 0 : index
        %get3A_787 = tpu.vector_load %arg7[%get3A_785, %get3A_786] {strides = array<i32>} : memref<640x32xf32, #tpu.memory_space<vmem>>, vector<16xf32>,
        %get3A_788 = arith.index_cast %add3A_784 : i32 to index
        %get3A_789 = arith.constant 16 : index
        %get3A_790 = tpu.vector_load %arg7[%get3A_788, %get3A_789] {strides = array<i32>} : memref<640x32xf32, #tpu.memory_space<vmem>>, vector<16xf32>,
        tpu.vector_store_idx %arg9[%broadcast_in_dim3A_103, %select_n3A, %select_n3A_43, %broadcast_in_dim3A_782], %get3A_787 : memref<5x4x8x129xf32, #tpu.memory_space<vmem>>[vector<16xi32>, vector<16xi32>, vector<16xi32>, vector<16xi32>], vector<16xf32>,
        tpu.vector_store_idx %arg9[%broadcast_in_dim3A_103, %select_n3A_77, %select_n3A_102, %broadcast_in_dim3A_782], %get3A_790 : memref<5x4x8x129xf32, #tpu.memory_space<vmem>>[vector<16xi32>, vector<16xi32>, vector<16xi32>, vector<16xi32>], vector<16xf32>,
        %add3A_791 = arith.constant 128 : i32
        %add3A_792 = arith.addi %add3A_791, %add3A_781 : i32
        %get3A_793 = arith.index_cast %add3A_792 : i32 to index
        %get3A_794 = arith.constant 0 : index
        %get3A_795 = tpu.vector_load %arg7[%get3A_793, %get3A_794] {strides = array<i32>} : memref<640x32xf32, #tpu.memory_space<vmem>>, vector<16xf32>,
        %get3A_796 = arith.index_cast %add3A_792 : i32 to index
        %get3A_797 = arith.constant 16 : index
        %get3A_798 = tpu.vector_load %arg7[%get3A_796, %get3A_797] {strides = array<i32>} : memref<640x32xf32, #tpu.memory_space<vmem>>, vector<16xf32>,
        tpu.vector_store_idx %arg9[%broadcast_in_dim3A_105, %select_n3A, %select_n3A_43, %broadcast_in_dim3A_782], %get3A_795 : memref<5x4x8x129xf32, #tpu.memory_space<vmem>>[vector<16xi32>, vector<16xi32>, vector<16xi32>, vector<16xi32>], vector<16xf32>,
        tpu.vector_store_idx %arg9[%broadcast_in_dim3A_105, %select_n3A_77, %select_n3A_102, %broadcast_in_dim3A_782], %get3A_798 : memref<5x4x8x129xf32, #tpu.memory_space<vmem>>[vector<16xi32>, vector<16xi32>, vector<16xi32>, vector<16xi32>], vector<16xf32>,
        %add3A_799 = arith.constant 256 : i32
        %add3A_800 = arith.addi %add3A_799, %add3A_781 : i32
        %get3A_801 = arith.index_cast %add3A_800 : i32 to index
        %get3A_802 = arith.constant 0 : index
        %get3A_803 = tpu.vector_load %arg7[%get3A_801, %get3A_802] {strides = array<i32>} : memref<640x32xf32, #tpu.memory_space<vmem>>, vector<16xf32>,
        %get3A_804 = arith.index_cast %add3A_800 : i32 to index
        %get3A_805 = arith.constant 16 : index
        %get3A_806 = tpu.vector_load %arg7[%get3A_804, %get3A_805] {strides = array<i32>} : memref<640x32xf32, #tpu.memory_space<vmem>>, vector<16xf32>,
        tpu.vector_store_idx %arg9[%broadcast_in_dim3A_107, %select_n3A, %select_n3A_43, %broadcast_in_dim3A_782], %get3A_803 : memref<5x4x8x129xf32, #tpu.memory_space<vmem>>[vector<16xi32>, vector<16xi32>, vector<16xi32>, vector<16xi32>], vector<16xf32>,
        tpu.vector_store_idx %arg9[%broadcast_in_dim3A_107, %select_n3A_77, %select_n3A_102, %broadcast_in_dim3A_782], %get3A_806 : memref<5x4x8x129xf32, #tpu.memory_space<vmem>>[vector<16xi32>, vector<16xi32>, vector<16xi32>, vector<16xi32>], vector<16xf32>,
        %add3A_807 = arith.constant 384 : i32
        %add3A_808 = arith.addi %add3A_807, %add3A_781 : i32
        %get3A_809 = arith.index_cast %add3A_808 : i32 to index
        %get3A_810 = arith.constant 0 : index
        %get3A_811 = tpu.vector_load %arg7[%get3A_809, %get3A_810] {strides = array<i32>} : memref<640x32xf32, #tpu.memory_space<vmem>>, vector<16xf32>,
        %get3A_812 = arith.index_cast %add3A_808 : i32 to index
        %get3A_813 = arith.constant 16 : index
        %get3A_814 = tpu.vector_load %arg7[%get3A_812, %get3A_813] {strides = array<i32>} : memref<640x32xf32, #tpu.memory_space<vmem>>, vector<16xf32>,
        tpu.vector_store_idx %arg9[%broadcast_in_dim3A_109, %select_n3A, %select_n3A_43, %broadcast_in_dim3A_782], %get3A_811 : memref<5x4x8x129xf32, #tpu.memory_space<vmem>>[vector<16xi32>, vector<16xi32>, vector<16xi32>, vector<16xi32>], vector<16xf32>,
        tpu.vector_store_idx %arg9[%broadcast_in_dim3A_109, %select_n3A_77, %select_n3A_102, %broadcast_in_dim3A_782], %get3A_814 : memref<5x4x8x129xf32, #tpu.memory_space<vmem>>[vector<16xi32>, vector<16xi32>, vector<16xi32>, vector<16xi32>], vector<16xf32>,
        %add3A_815 = arith.constant 512 : i32
        %add3A_816 = arith.addi %add3A_815, %add3A_781 : i32
        %get3A_817 = arith.index_cast %add3A_816 : i32 to index
        %get3A_818 = arith.constant 0 : index
        %get3A_819 = tpu.vector_load %arg7[%get3A_817, %get3A_818] {strides = array<i32>} : memref<640x32xf32, #tpu.memory_space<vmem>>, vector<16xf32>,
        %get3A_820 = arith.index_cast %add3A_816 : i32 to index
        %get3A_821 = arith.constant 16 : index
        %get3A_822 = tpu.vector_load %arg7[%get3A_820, %get3A_821] {strides = array<i32>} : memref<640x32xf32, #tpu.memory_space<vmem>>, vector<16xf32>,
        tpu.vector_store_idx %arg9[%broadcast_in_dim3A_111, %select_n3A, %select_n3A_43, %broadcast_in_dim3A_782], %get3A_819 : memref<5x4x8x129xf32, #tpu.memory_space<vmem>>[vector<16xi32>, vector<16xi32>, vector<16xi32>, vector<16xi32>], vector<16xf32>,
        tpu.vector_store_idx %arg9[%broadcast_in_dim3A_111, %select_n3A_77, %select_n3A_102, %broadcast_in_dim3A_782], %get3A_822 : memref<5x4x8x129xf32, #tpu.memory_space<vmem>>[vector<16xi32>, vector<16xi32>, vector<16xi32>, vector<16xi32>], vector<16xf32>,
      }
      %scan3A_615 = arith.constant 32 : i32
      %dma_start3A_616 = arith.constant 0 : i32
      %dma_start3A_617 = arith.constant 0 : i32
      %dma_start3A_618 = arith.constant 0 : i32
      %dma_start3A_619 = arith.constant 0 : i32
      %dma_start3A_620 = tpu.memref_slice %arg9[%dma_start3A_616, %dma_start3A_617, %dma_start3A_618, %dma_start3A_619] : memref<5x4x8x129xf32, #tpu.memory_space<vmem>> -> memref<5x4x8x128xf32, #tpu.memory_space<vmem>>
      %dma_start3A_621 = arith.constant 0 : i32
      %dma_start3A_622 = arith.constant 0 : i32
      %dma_start3A_623 = arith.constant 0 : i32
      %dma_start3A_624 = tpu.memref_slice %arg4[%mul3A_499, %dma_start3A_621, %add3A_502, %dma_start3A_622, %dma_start3A_623] : memref<50x4x128x8x128xf32, #tpu.memory_space<hbm>> -> memref<5x4x1x8x128xf32, #tpu.memory_space<hbm>>
      %dma_start3A_625 = tpu.memref_squeeze %dma_start3A_624 : memref<5x4x1x8x128xf32, #tpu.memory_space<hbm>> -> memref<5x4x8x128xf32, #tpu.memory_space<hbm>>
      %dma_start3A_626 = arith.constant 0 : i32
      %dma_start3A_627 = arith.constant 0 : i32
      %dma_start3A_628 = arith.constant 0 : i32
      %dma_start3A_629 = tpu.memref_slice %arg4[%mul3A_499, %dma_start3A_626, %add3A_502, %dma_start3A_627, %dma_start3A_628] : memref<50x4x128x8x128xf32, #tpu.memory_space<hbm>> -> memref<5x4x1x8x128xf32, #tpu.memory_space<hbm>>
      %dma_start3A_630 = tpu.memref_squeeze %dma_start3A_629 : memref<5x4x1x8x128xf32, #tpu.memory_space<hbm>> -> memref<5x4x8x128xf32, #tpu.memory_space<hbm>>
      %dma_start3A_631 = arith.constant 0 : i32
      %dma_start3A_632 = arith.constant 0 : i32
      %dma_start3A_633 = arith.constant 0 : i32
      %dma_start3A_634 = arith.constant 0 : i32
      %dma_start3A_635 = tpu.memref_slice %arg9[%dma_start3A_631, %dma_start3A_632, %dma_start3A_633, %dma_start3A_634] : memref<5x4x8x129xf32, #tpu.memory_space<vmem>> -> memref<5x4x8x128xf32, #tpu.memory_space<vmem>>
      tpu.enqueue_dma source(%dma_start3A_635 : memref<5x4x8x128xf32, #tpu.memory_space<vmem>>) target(%dma_start3A_630 : memref<5x4x8x128xf32, #tpu.memory_space<hbm>>) target_semaphore(%arg13 : memref<!tpu.dma_semaphore, #tpu.memory_space<semaphore_mem>>)
      %add3A_636 = arith.constant 2 : i32
      %add3A_637 = arith.addi %add3A_457, %add3A_636 : i32
      %lt3A_638 = arith.constant 40 : i32
      %lt3A_639 = arith.cmpi slt, %add3A_637, %lt3A_638 : i32
      %convert_element_type3A_640 = arith.extui %lt3A_639 : i1 to i32
      %cond3A_641 = arith.constant 0 : i32
      %cond3A_642 = arith.cmpi ne, %convert_element_type3A_640, %cond3A_641 : i32
      scf.if %cond3A_642 {
        %jit3A_643 = arith.constant 10 : i32
        %div3A_644 = arith.divsi %add3A_637, %jit3A_643 : i32
        %sign3A_645 = arith.constant 0 : i32
        %sign3A_646 = arith.cmpi sgt, %add3A_637, %sign3A_645 : i32
        %sign3A_647 = arith.extui %sign3A_646 : i1 to i32
        %sign3A_648 = arith.constant 0 : i32
        %sign3A_649 = arith.cmpi slt, %add3A_637, %sign3A_648 : i32
        %sign3A_650 = arith.extui %sign3A_649 : i1 to i32
        %sign3A_651 = arith.subi %sign3A_647, %sign3A_650 : i32
        %sign3A_652 = arith.constant 0 : i32
        %sign3A_653 = arith.cmpi sgt, %jit3A_643, %sign3A_652 : i32
        %sign3A_654 = arith.extui %sign3A_653 : i1 to i32
        %sign3A_655 = arith.constant 0 : i32
        %sign3A_656 = arith.cmpi slt, %jit3A_643, %sign3A_655 : i32
        %sign3A_657 = arith.extui %sign3A_656 : i1 to i32
        %sign3A_658 = arith.subi %sign3A_654, %sign3A_657 : i32
        %ne3A_659 = arith.cmpi ne, %sign3A_651, %sign3A_658 : i32
        %rem3A_660 = arith.remsi %add3A_637, %jit3A_643 : i32
        %ne3A_661 = arith.constant 0 : i32
        %ne3A_662 = arith.cmpi ne, %rem3A_660, %ne3A_661 : i32
        %and3A_663 = arith.andi %ne3A_659, %ne3A_662 : i1
        %sub3A_664 = arith.constant 1 : i32
        %sub3A_665 = arith.subi %div3A_644, %sub3A_664 : i32
        %select_n3A_666 = arith.select %and3A_663, %sub3A_665, %div3A_644 : i32
        %jit3A_667 = arith.constant 10 : i32
        %eq3A_668 = arith.constant 0 : i32
        %eq3A_669 = arith.cmpi eq, %jit3A_667, %eq3A_668 : i32
        %jit3A_670 = arith.constant 1 : i32
        %select_n3A_671 = arith.select %eq3A_669, %jit3A_670, %jit3A_667 : i32
        %rem3A_672 = arith.remsi %add3A_637, %select_n3A_671 : i32
        %ne3A_673 = arith.constant 0 : i32
        %ne3A_674 = arith.cmpi ne, %rem3A_672, %ne3A_673 : i32
        %lt3A_675 = arith.constant 0 : i32
        %lt3A_676 = arith.cmpi slt, %rem3A_672, %lt3A_675 : i32
        %lt3A_677 = arith.constant 0 : i32
        %lt3A_678 = arith.cmpi slt, %select_n3A_671, %lt3A_677 : i32
        %ne3A_679 = arith.xori %lt3A_676, %lt3A_678 : i1
        %and3A_680 = arith.andi %ne3A_679, %ne3A_674 : i1
        %add3A_681 = arith.addi %rem3A_672, %select_n3A_671 : i32
        %select_n3A_682 = arith.select %and3A_680, %add3A_681, %rem3A_672 : i32
        %mul3A_683 = arith.constant 5 : i32
        %mul3A_684 = arith.muli %select_n3A_682, %mul3A_683 : i32
        %add3A_685 = arith.constant 0 : i32
        %add3A_686 = arith.addi %mul3A_684, %add3A_685 : i32
        %mul3A_687 = arith.constant 128 : i32
        %mul3A_688 = arith.muli %select_n3A_666, %mul3A_687 : i32
        %dma_start3A_689 = arith.constant 0 : i32
        %dma_start3A_690 = arith.constant 0 : i32
        %dma_start3A_691 = tpu.memref_slice %arg7[%dma_start3A_689, %dma_start3A_690] : memref<640x32xf32, #tpu.memory_space<vmem>> -> memref<128x32xf32, #tpu.memory_space<vmem>>
        %dma_start3A_692 = tpu.memref_slice %arg5[%add3A_686, %mul3A_688] : memref<50x512xi32, #tpu.memory_space<vmem>> -> memref<1x128xi32, #tpu.memory_space<vmem>>
        %dma_start3A_693 = tpu.memref_squeeze %dma_start3A_692 : memref<1x128xi32, #tpu.memory_space<vmem>> -> memref<128xi32, #tpu.memory_space<vmem>>
        %dma_start3A_694 = arith.constant 0 : i32
        %dma_start3A_695 = arith.constant 0 : i32
        %dma_start3A_696 = tpu.memref_slice %arg3[%dma_start3A_694, %dma_start3A_695] : memref<1000000x32xf32, #tpu.memory_space<hbm>> -> memref<1000000x32xf32, #tpu.memory_space<hbm>>
        tpu.enqueue_indirect_dma source(%dma_start3A_696 : memref<1000000x32xf32, #tpu.memory_space<hbm>>) target(%dma_start3A_691 : memref<128x32xf32, #tpu.memory_space<vmem>>) offsets(%dma_start3A_693 : memref<128xi32, #tpu.memory_space<vmem>>) semaphore(%arg11 : memref<!tpu.dma_semaphore, #tpu.memory_space<semaphore_mem>>)
        %add3A_697 = arith.constant 1 : i32
        %add3A_698 = arith.addi %mul3A_684, %add3A_697 : i32
        %mul3A_699 = arith.constant 128 : i32
        %mul3A_700 = arith.muli %select_n3A_666, %mul3A_699 : i32
        %dma_start3A_701 = arith.constant 128 : i32
        %dma_start3A_702 = arith.constant 0 : i32
        %dma_start3A_703 = tpu.memref_slice %arg7[%dma_start3A_701, %dma_start3A_702] : memref<640x32xf32, #tpu.memory_space<vmem>> -> memref<128x32xf32, #tpu.memory_space<vmem>>
        %dma_start3A_704 = tpu.memref_slice %arg5[%add3A_698, %mul3A_700] : memref<50x512xi32, #tpu.memory_space<vmem>> -> memref<1x128xi32, #tpu.memory_space<vmem>>
        %dma_start3A_705 = tpu.memref_squeeze %dma_start3A_704 : memref<1x128xi32, #tpu.memory_space<vmem>> -> memref<128xi32, #tpu.memory_space<vmem>>
        %dma_start3A_706 = arith.constant 0 : i32
        %dma_start3A_707 = arith.constant 0 : i32
        %dma_start3A_708 = tpu.memref_slice %arg3[%dma_start3A_706, %dma_start3A_707] : memref<1000000x32xf32, #tpu.memory_space<hbm>> -> memref<1000000x32xf32, #tpu.memory_space<hbm>>
        tpu.enqueue_indirect_dma source(%dma_start3A_708 : memref<1000000x32xf32, #tpu.memory_space<hbm>>) target(%dma_start3A_703 : memref<128x32xf32, #tpu.memory_space<vmem>>) offsets(%dma_start3A_705 : memref<128xi32, #tpu.memory_space<vmem>>) semaphore(%arg11 : memref<!tpu.dma_semaphore, #tpu.memory_space<semaphore_mem>>)
        %add3A_709 = arith.constant 2 : i32
        %add3A_710 = arith.addi %mul3A_684, %add3A_709 : i32
        %mul3A_711 = arith.constant 128 : i32
        %mul3A_712 = arith.muli %select_n3A_666, %mul3A_711 : i32
        %dma_start3A_713 = arith.constant 256 : i32
        %dma_start3A_714 = arith.constant 0 : i32
        %dma_start3A_715 = tpu.memref_slice %arg7[%dma_start3A_713, %dma_start3A_714] : memref<640x32xf32, #tpu.memory_space<vmem>> -> memref<128x32xf32, #tpu.memory_space<vmem>>
        %dma_start3A_716 = tpu.memref_slice %arg5[%add3A_710, %mul3A_712] : memref<50x512xi32, #tpu.memory_space<vmem>> -> memref<1x128xi32, #tpu.memory_space<vmem>>
        %dma_start3A_717 = tpu.memref_squeeze %dma_start3A_716 : memref<1x128xi32, #tpu.memory_space<vmem>> -> memref<128xi32, #tpu.memory_space<vmem>>
        %dma_start3A_718 = arith.constant 0 : i32
        %dma_start3A_719 = arith.constant 0 : i32
        %dma_start3A_720 = tpu.memref_slice %arg3[%dma_start3A_718, %dma_start3A_719] : memref<1000000x32xf32, #tpu.memory_space<hbm>> -> memref<1000000x32xf32, #tpu.memory_space<hbm>>
        tpu.enqueue_indirect_dma source(%dma_start3A_720 : memref<1000000x32xf32, #tpu.memory_space<hbm>>) target(%dma_start3A_715 : memref<128x32xf32, #tpu.memory_space<vmem>>) offsets(%dma_start3A_717 : memref<128xi32, #tpu.memory_space<vmem>>) semaphore(%arg11 : memref<!tpu.dma_semaphore, #tpu.memory_space<semaphore_mem>>)
        %add3A_721 = arith.constant 3 : i32
        %add3A_722 = arith.addi %mul3A_684, %add3A_721 : i32
        %mul3A_723 = arith.constant 128 : i32
        %mul3A_724 = arith.muli %select_n3A_666, %mul3A_723 : i32
        %dma_start3A_725 = arith.constant 384 : i32
        %dma_start3A_726 = arith.constant 0 : i32
        %dma_start3A_727 = tpu.memref_slice %arg7[%dma_start3A_725, %dma_start3A_726] : memref<640x32xf32, #tpu.memory_space<vmem>> -> memref<128x32xf32, #tpu.memory_space<vmem>>
        %dma_start3A_728 = tpu.memref_slice %arg5[%add3A_722, %mul3A_724] : memref<50x512xi32, #tpu.memory_space<vmem>> -> memref<1x128xi32, #tpu.memory_space<vmem>>
        %dma_start3A_729 = tpu.memref_squeeze %dma_start3A_728 : memref<1x128xi32, #tpu.memory_space<vmem>> -> memref<128xi32, #tpu.memory_space<vmem>>
        %dma_start3A_730 = arith.constant 0 : i32
        %dma_start3A_731 = arith.constant 0 : i32
        %dma_start3A_732 = tpu.memref_slice %arg3[%dma_start3A_730, %dma_start3A_731] : memref<1000000x32xf32, #tpu.memory_space<hbm>> -> memref<1000000x32xf32, #tpu.memory_space<hbm>>
        tpu.enqueue_indirect_dma source(%dma_start3A_732 : memref<1000000x32xf32, #tpu.memory_space<hbm>>) target(%dma_start3A_727 : memref<128x32xf32, #tpu.memory_space<vmem>>) offsets(%dma_start3A_729 : memref<128xi32, #tpu.memory_space<vmem>>) semaphore(%arg11 : memref<!tpu.dma_semaphore, #tpu.memory_space<semaphore_mem>>)
        %add3A_733 = arith.constant 4 : i32
        %add3A_734 = arith.addi %mul3A_684, %add3A_733 : i32
        %mul3A_735 = arith.constant 128 : i32
        %mul3A_736 = arith.muli %select_n3A_666, %mul3A_735 : i32
        %dma_start3A_737 = arith.constant 512 : i32
        %dma_start3A_738 = arith.constant 0 : i32
        %dma_start3A_739 = tpu.memref_slice %arg7[%dma_start3A_737, %dma_start3A_738] : memref<640x32xf32, #tpu.memory_space<vmem>> -> memref<128x32xf32, #tpu.memory_space<vmem>>
        %dma_start3A_740 = tpu.memref_slice %arg5[%add3A_734, %mul3A_736] : memref<50x512xi32, #tpu.memory_space<vmem>> -> memref<1x128xi32, #tpu.memory_space<vmem>>
        %dma_start3A_741 = tpu.memref_squeeze %dma_start3A_740 : memref<1x128xi32, #tpu.memory_space<vmem>> -> memref<128xi32, #tpu.memory_space<vmem>>
        %dma_start3A_742 = arith.constant 0 : i32
        %dma_start3A_743 = arith.constant 0 : i32
        %dma_start3A_744 = tpu.memref_slice %arg3[%dma_start3A_742, %dma_start3A_743] : memref<1000000x32xf32, #tpu.memory_space<hbm>> -> memref<1000000x32xf32, #tpu.memory_space<hbm>>
        tpu.enqueue_indirect_dma source(%dma_start3A_744 : memref<1000000x32xf32, #tpu.memory_space<hbm>>) target(%dma_start3A_739 : memref<128x32xf32, #tpu.memory_space<vmem>>) offsets(%dma_start3A_741 : memref<128xi32, #tpu.memory_space<vmem>>) semaphore(%arg11 : memref<!tpu.dma_semaphore, #tpu.memory_space<semaphore_mem>>)
      } else {
      }
    }
    %scan3A_215 = arith.constant 20 : i32
    %mul3A_216 = arith.constant 4 : i32
    %mul3A_217 = arith.muli %mul3A_216, %add3A : i32
    %add3A_218 = arith.constant 3 : i32
    %add3A_219 = arith.addi %mul3A_217, %add3A_218 : i32
    %dma_wait3A = arith.constant 0 : i32
    %dma_wait3A_220 = arith.constant 0 : i32
    %dma_wait3A_221 = arith.constant 0 : i32
    %dma_wait3A_222 = arith.constant 0 : i32
    %dma_wait3A_223 = tpu.memref_slice %arg8[%dma_wait3A, %dma_wait3A_220, %dma_wait3A_221, %dma_wait3A_222] : memref<5x4x8x129xf32, #tpu.memory_space<vmem>> -> memref<5x4x8x128xf32, #tpu.memory_space<vmem>>
    %dma_wait3A_224 = arith.constant 40 : i32
    %dma_wait3A_225 = arith.constant 0 : i32
    %dma_wait3A_226 = arith.constant 0 : i32
    %dma_wait3A_227 = arith.constant 0 : i32
    %dma_wait3A_228 = tpu.memref_slice %arg4[%dma_wait3A_224, %dma_wait3A_225, %add3A_219, %dma_wait3A_226, %dma_wait3A_227] : memref<50x4x128x8x128xf32, #tpu.memory_space<hbm>> -> memref<5x4x1x8x128xf32, #tpu.memory_space<hbm>>
    %dma_wait3A_229 = tpu.memref_squeeze %dma_wait3A_228 : memref<5x4x1x8x128xf32, #tpu.memory_space<hbm>> -> memref<5x4x8x128xf32, #tpu.memory_space<hbm>>
    %dma_wait3A_230 = arith.constant 40 : i32
    %dma_wait3A_231 = arith.constant 0 : i32
    %dma_wait3A_232 = arith.constant 0 : i32
    %dma_wait3A_233 = arith.constant 0 : i32
    %dma_wait3A_234 = tpu.memref_slice %arg4[%dma_wait3A_230, %dma_wait3A_231, %add3A_219, %dma_wait3A_232, %dma_wait3A_233] : memref<50x4x128x8x128xf32, #tpu.memory_space<hbm>> -> memref<5x4x1x8x128xf32, #tpu.memory_space<hbm>>
    %dma_wait3A_235 = tpu.memref_squeeze %dma_wait3A_234 : memref<5x4x1x8x128xf32, #tpu.memory_space<hbm>> -> memref<5x4x8x128xf32, #tpu.memory_space<hbm>>
    %dma_wait3A_236 = arith.constant 0 : i32
    %dma_wait3A_237 = arith.constant 0 : i32
    %dma_wait3A_238 = arith.constant 0 : i32
    %dma_wait3A_239 = arith.constant 0 : i32
    %dma_wait3A_240 = tpu.memref_slice %arg8[%dma_wait3A_236, %dma_wait3A_237, %dma_wait3A_238, %dma_wait3A_239] : memref<5x4x8x129xf32, #tpu.memory_space<vmem>> -> memref<5x4x8x128xf32, #tpu.memory_space<vmem>>
    tpu.wait_dma2 semaphore(%arg12 : memref<!tpu.dma_semaphore, #tpu.memory_space<semaphore_mem>>) src(%dma_wait3A_240 : memref<5x4x8x128xf32, #tpu.memory_space<vmem>>) dst(%dma_wait3A_235 : memref<5x4x8x128xf32, #tpu.memory_space<hbm>>)
    %mul3A_241 = arith.constant 4 : i32
    %mul3A_242 = arith.muli %mul3A_241, %add3A : i32
    %add3A_243 = arith.constant 3 : i32
    %add3A_244 = arith.addi %mul3A_242, %add3A_243 : i32
    %dma_wait3A_245 = arith.constant 0 : i32
    %dma_wait3A_246 = arith.constant 0 : i32
    %dma_wait3A_247 = arith.constant 0 : i32
    %dma_wait3A_248 = arith.constant 0 : i32
    %dma_wait3A_249 = tpu.memref_slice %arg9[%dma_wait3A_245, %dma_wait3A_246, %dma_wait3A_247, %dma_wait3A_248] : memref<5x4x8x129xf32, #tpu.memory_space<vmem>> -> memref<5x4x8x128xf32, #tpu.memory_space<vmem>>
    %dma_wait3A_250 = arith.constant 45 : i32
    %dma_wait3A_251 = arith.constant 0 : i32
    %dma_wait3A_252 = arith.constant 0 : i32
    %dma_wait3A_253 = arith.constant 0 : i32
    %dma_wait3A_254 = tpu.memref_slice %arg4[%dma_wait3A_250, %dma_wait3A_251, %add3A_244, %dma_wait3A_252, %dma_wait3A_253] : memref<50x4x128x8x128xf32, #tpu.memory_space<hbm>> -> memref<5x4x1x8x128xf32, #tpu.memory_space<hbm>>
    %dma_wait3A_255 = tpu.memref_squeeze %dma_wait3A_254 : memref<5x4x1x8x128xf32, #tpu.memory_space<hbm>> -> memref<5x4x8x128xf32, #tpu.memory_space<hbm>>
    %dma_wait3A_256 = arith.constant 45 : i32
    %dma_wait3A_257 = arith.constant 0 : i32
    %dma_wait3A_258 = arith.constant 0 : i32
    %dma_wait3A_259 = arith.constant 0 : i32
    %dma_wait3A_260 = tpu.memref_slice %arg4[%dma_wait3A_256, %dma_wait3A_257, %add3A_244, %dma_wait3A_258, %dma_wait3A_259] : memref<50x4x128x8x128xf32, #tpu.memory_space<hbm>> -> memref<5x4x1x8x128xf32, #tpu.memory_space<hbm>>
    %dma_wait3A_261 = tpu.memref_squeeze %dma_wait3A_260 : memref<5x4x1x8x128xf32, #tpu.memory_space<hbm>> -> memref<5x4x8x128xf32, #tpu.memory_space<hbm>>
    %dma_wait3A_262 = arith.constant 0 : i32
    %dma_wait3A_263 = arith.constant 0 : i32
    %dma_wait3A_264 = arith.constant 0 : i32
    %dma_wait3A_265 = arith.constant 0 : i32
    %dma_wait3A_266 = tpu.memref_slice %arg9[%dma_wait3A_262, %dma_wait3A_263, %dma_wait3A_264, %dma_wait3A_265] : memref<5x4x8x129xf32, #tpu.memory_space<vmem>> -> memref<5x4x8x128xf32, #tpu.memory_space<vmem>>
    tpu.wait_dma2 semaphore(%arg13 : memref<!tpu.dma_semaphore, #tpu.memory_space<semaphore_mem>>) src(%dma_wait3A_266 : memref<5x4x8x128xf32, #tpu.memory_space<vmem>>) dst(%dma_wait3A_261 : memref<5x4x8x128xf32, #tpu.memory_space<hbm>>)
    return
  }
}

</mosaic_0001>

<sc_bundles>
// kernel: kernel.3.cloned.1.call-start
scs
__scs_entry_jumppad:
0x0: {  	(pc) =	sbr.rel $0x88, $3  }
0x1: {  	(tag) =	ssettag $0x0;
	lr =	simm.s32 $0x1  }
0x2: {  	[smem:$0x3F9F] =	sst lr;
	_ =	strace $0xD0000000  }
0x3: {  	_ = 	snop  }
0x4: {  	_ = 	snop  }
0x5: {  	_ = 	snop  }
0x6: {  	_ = 	snop  }
0x7: {  	_ = 	snop  }
__scs_overlays_trampoline_lowered:
0x8: {  	[smem:$0x3FAE] =	sst s0  }
0x9: {  	[smem:$0x3FAF] =	sst s1  }
0xa: {  	[smem:$0x3FB0] =	sst s2  }
0xb: {  	[smem:$0x3FB1] =	sst s3  }
0xc: {  	[smem:$0x3FB2] =	sst s4  }
0xd: {  	[smem:$0x3FB3] =	sst s5  }
0xe: {  	[smem:$0x3FB4] =	sst s6  }
0xf: {  	[smem:$0x3FB5] =	sst s7  }
0x10: {  	[smem:$0x3FB6] =	sst s8  }
0x11: {  	[smem:$0x3FB7] =	sst s9;
	s0 =	simm.s32 @!p0 $0x0  }
0x12: {  	s1 =	sld [smem:$0x3F9D];
	s0 =	simm.s32 @p0 $0x1  }
0x13: {  	[smem:$0x3FB8] =	sst s0;
	s0 =	simm.s32 @!p1 $0x0  }
0x14: {  	s2 =	sld [smem:$0x3F9C];
	s0 =	simm.s32 @p1 $0x1  }
0x15: {  	[smem:$0x3FB9] =	sst s0;
	s0 =	simm.s32 @!p2 $0x0  }
0x16: {  	s3 =	sld [smem:$0x3FDB];
	s0 =	simm.s32 @p2 $0x1  }
0x17: {  	s4 =	simm.s32 $0x1BF5;
	[smem:$0x3FBB] =	sst s0  }
0x18: {  	s0 =	sld [smem:$0x3F9E];
	_ =	swait.ge [sflag:s4], $0x0  }
0x19: {  	s7 =	sld [smem:$0x3F9F]  }
0x1a: {  	s8 =	sadd.s32 $0xFFFFE003, lr  }
0x1b: {  	s9 =	sadd.s32 $0xFFFFFEF7, lr;
	s5 =	simm.s32 $0xFFFFFFFF;
	p2 =	slt.u32 s8, $0xFFFFF086  }
0x1c: {  	p1 =	slt.u32 s9, $0xF7A;
	s5 =	simm.s32 @!p2 $0x0  }
0x1d: {  	s5 =	simm.s32 @p1 $0x1;
	p0 =	seq.s32 s7, s2  }
0x1e: {  	s7 =	smul.u32 @!p0 $0xF7A, s2;
	p2 =	seq.s32 @!p0 s5, $0x0  }
0x1f: {  	s9 =	smul.u32 $0xF7A, s1;
	s8 =	simm.s32 @!p0 $0x1BF5;
	p2 =	por !p2, p0  }
0x20: {  	[sflag:s8] =	ssyncset.s32 @!p0 $0xFFFFF086;
	s6 =	sadd.s32 @!p0 s3, s7;
	s7 =	simm.s32 @!p0 $0x108  }
0x21: {  	s3 =	sadd.s32 s3, s9;
	s6 =	sadd.s32 @!p0 $0x88, s6;
	s7 =	simm.s32 @p2 $0x1082  }
0x22: {  	[simem:s7], [sflag:s8] =	dma.local @!p0 [hbm:s6], $0xF7A  }
0x23: {  	s9 =	sor.u32 $0xD0000000, s2;
	s6 =	simm.s32 $0x108;
	_ =	swait.ge @!p0 [sflag:s8], $0x0  }
0x24: {  	s3 =	sadd.s32 $0x88, s3;
	s6 =	simm.s32 @!p1 $0x1082;
	[sflag:s4] =	ssyncset.s32 $0xFFFFF086  }
0x25: {  	[simem:s6], [sflag:s4] =	dma.local [hbm:s3], $0xF7A  }
0x26: {  	[smem:$0x3F9F] =	sst s1;
	(tag) =	ssettag s2;
	_ =	strace s9  }
0x27: {  	s1 =	sld [smem:$0x3FAF]  }
0x28: {  	s2 =	sld [smem:$0x3FB0]  }
0x29: {  	s4 =	sld [smem:$0x3FB2]  }
0x2a: {  	p0 =	seq.s32 s5, $0x0;
	s5 =	sld [smem:$0x3FB3]  }
0x2b: {  	s6 =	sld [smem:$0x3FB4]  }
0x2c: {  	s7 =	sld [smem:$0x3FB5]  }
0x2d: {  	s3 =	simm.s32 $0x108;
	s8 =	sld [smem:$0x3FB6]  }
0x2e: {  	s3 =	simm.s32 @!p0 $0x1082;
	s9 =	sld [smem:$0x3FB7]  }
0x2f: {  	lr =	sadd.s32 s0, s3;
	s0 =	sld [smem:$0x3FAE]  }
0x30: {  	s3 =	sld [smem:$0x3FB1]  }
0x31: {  	[smem:$0x3FBA] =	sst s10  }
0x32: {  	s10 =	sld [smem:$0x3FB8];
	_ =	sdelay $0x3  }
0x33: {  	p0 =	seq.s32 s10, $0x1;
	s10 =	sld [smem:$0x3FBA];
	_ =	sdelay $0x3  }
0x34: {  	[smem:$0x3FBA] =	sst s10  }
0x35: {  	s10 =	sld [smem:$0x3FB9];
	_ =	sdelay $0x3  }
0x36: {  	p1 =	seq.s32 s10, $0x1;
	s10 =	sld [smem:$0x3FBA];
	_ =	sdelay $0x3  }
0x37: {  	[smem:$0x3FBA] =	sst s10  }
0x38: {  	s10 =	sld [smem:$0x3FBB]  }
0x39: {  	_ = 	snop;
	(pc) =	sbr.ind lr, $3  }
0x3a: {  	_ = 	snop  }
0x3b: {  	_ = 	snop  }
0x3c: {  	p2 =	seq.s32 s10, $0x1;
	s10 =	sld [smem:$0x3FBA]  }
0x3d: {  	_ =	shalt  }
0x3e: {  	_ =	shalt  }
0x3f: {  	_ =	shalt  }
0x40: {  	_ =	shalt  }
0x41: {  	_ =	shalt  }
0x42: {  	_ =	shalt  }
0x43: {  	_ =	shalt  }
0x44: {  	_ =	shalt  }
0x45: {  	_ =	shalt  }
0x46: {  	_ =	shalt  }
0x47: {  	_ =	shalt  }
0x48: {  	_ =	shalt  }
0x49: {  	_ =	shalt  }
0x4a: {  	_ =	shalt  }
0x4b: {  	_ =	shalt  }
0x4c: {  	_ =	shalt  }
0x4d: {  	_ =	shalt  }
0x4e: {  	_ =	shalt  }
0x4f: {  	_ =	shalt  }
0x50: {  	_ =	shalt  }
0x51: {  	_ =	shalt  }
0x52: {  	_ =	shalt  }
0x53: {  	_ =	shalt  }
0x54: {  	_ =	shalt  }
0x55: {  	_ =	shalt  }
0x56: {  	_ =	shalt  }
0x57: {  	_ =	shalt  }
0x58: {  	_ =	shalt  }
0x59: {  	_ =	shalt  }
0x5a: {  	_ =	shalt  }
0x5b: {  	_ =	shalt  }
0x5c: {  	_ =	shalt  }
0x5d: {  	_ =	shalt  }
0x5e: {  	_ =	shalt  }
0x5f: {  	_ =	shalt  }
0x60: {  	_ =	shalt  }
0x61: {  	_ =	shalt  }
0x62: {  	_ =	shalt  }
0x63: {  	_ =	shalt  }
0x64: {  	_ =	shalt  }
0x65: {  	_ =	shalt  }
0x66: {  	_ =	shalt  }
0x67: {  	_ =	shalt  }
0x68: {  	_ =	shalt  }
0x69: {  	_ =	shalt  }
0x6a: {  	_ =	shalt  }
0x6b: {  	_ =	shalt  }
0x6c: {  	_ =	shalt  }
0x6d: {  	_ =	shalt  }
0x6e: {  	_ =	shalt  }
0x6f: {  	_ =	shalt  }
0x70: {  	_ =	shalt  }
0x71: {  	_ =	shalt  }
0x72: {  	_ =	shalt  }
0x73: {  	_ =	shalt  }
0x74: {  	_ =	shalt  }
0x75: {  	_ =	shalt  }
0x76: {  	_ =	shalt  }
0x77: {  	_ =	shalt  }
0x78: {  	_ =	shalt  }
0x79: {  	_ =	shalt  }
0x7a: {  	_ =	shalt  }
0x7b: {  	_ =	shalt  }
0x7c: {  	_ =	shalt  }
0x7d: {  	_ =	shalt  }
0x7e: {  	_ =	shalt  }
0x7f: {  	_ =	shalt  }
0x80: {  	_ =	shalt  }
0x81: {  	_ =	shalt  }
0x82: {  	_ =	shalt  }
0x83: {  	_ =	shalt  }
0x84: {  	_ =	shalt  }
0x85: {  	_ =	shalt  }
0x86: {  	_ =	shalt  }
0x87: {  	_ =	shalt  }
.Lfunc_end0:
.L_simem_size_0:
called_computation_lowered:
.L_overlay_start_0:
0x88: {  	s2 =	sld [smem:$0x3FD9]  }
0x89: {  	s3 =	sld [smem:$0x3FFE];
	_ =	sdelay $0x1  }
0x8a: {  	s1 =	srdreg.scid  }
0x8b: {  	s0 =	sand.u32 $0x1, s1  }
0x8c: {  	s17 =	sshll.u32 s0, $0xA;
	s2 =	sadd.s32 s3, s2  }
0x8d: {  	s2 =	sadd.s32 s2, s17  }
0x8e: {  	[smem:$0x3FC6] =	sst s2  }
0x8f: {  	_ = 	snop  }
0x90: {  	s2 =	sld [smem:$0x3FD0];
	(tm) =	ssettm $0x1  }
0x91: {  	s18 =	sld [smem:$0x3FFB];
	_ =	sdelay $0x3  }
0x92: {  	_ =	strace s18  }
0x93: {  	s3 =	sld [smem:$0x3FFC];
	_ =	sdelay $0x3  }
0x94: {  	_ =	strace s3  }
0x95: {  	s3 =	sld [smem:$0x3FFD];
	_ =	sdelay $0x3  }
0x96: {  	_ =	strace s3  }
0x97: {  	_ =	strace $0x8FFFFFFF  }
0x98: {  	s19 =	sld [smem:$0x3FDB];
	_ =	sdelay $0x1  }
0x99: {  	s4 =	simm.s32 $_scs_section_size  }
0x9a: {  	s5 =	simm.s32 $_size__tile_overlayer_lowered;
	s6 =	simm.s32 $_tile_overlayer_lowered  }
0x9b: {  	s22 =	simm.s32 $0x1BFF;
	s21 =	sshll.u32 s6, $0x1;
	s3 =	sadd.s32 s4, s19  }
0x9c: {  	s7 =	simm.s32 $0x0;
	s20 =	sshll.u32 s5, $0x1;
	s5 =	sadd.s32 s21, s3  }
0x9d: {  	[timem:s7], [sflag:s22] =	dma.local [hbm:s5], s20  }
0x9e: {  	_ =	swait.ge [sflag:s22], s20  }
0x9f: {  	s4 =	ssub.s32 $0x0, s20;
	[sflag:s22] =	ssyncset.done $0x0  }
0xa0: {  	[sflag:s22] =	ssyncadd.s32 s4;
	_ =	sdelay $0x1  }
0xa1: {  	s23 =	simm.s32 $0x1B8B  }
0xa2: {  	_ =	swait.ge [sflag:s23], $0x1  }
0xa3: {  	[sflag:s23] =	ssyncset.done $0x0  }
0xa4: {  	s25 =	simm.s32 $0x1B8E;
	s24 =	sld [smem:$0x3FFE];
	[sflag:s23] =	ssyncadd.s32 $0xFFFFFFFF  }
0xa5: {  	s26 =	simm.s32 $execute0_lowered;
	[smem:$0x3FD2] =	sst s25  }
0xa6: {  	s5 =	sshll.u32 s26, $0x1;
	_ =	strace $0x80000046;
	[dreg:$0x1] =	wrdreg $0xFFFFFFFF  }
0xa7: {  	s28 =	simm.s32 $_size_execute0_lowered;
	s3 =	sadd.s32 s3, s5;
	[dreg:$0x0] =	wrdreg $0x0  }
0xa8: {  	s5 =	sshll.u32 s28, $0x1;
	[dreg:$0x2] =	wrdreg s3  }
0xa9: {  	[dreg:$0x3] =	wrdreg s5  }
0xaa: {  	[dreg:$0x4] =	wrdreg $0xC0  }
0xab: {  	_ =	task [dreg:s7], $0x5FFFF  }
0xac: {  	[dreg:$0x1] =	wrdreg $0xFFFFFFFF  }
0xad: {  	[dreg:$0x0] =	wrdreg $0x60  }
0xae: {  	[dreg:$0x2] =	wrdreg s24  }
0xaf: {  	[dreg:$0x3] =	wrdreg s2  }
0xb0: {  	[dreg:$0x4] =	wrdreg $0x9  }
0xb1: {  	_ =	task.clear_ibuf [dreg:s7], $0x5FFFF;
	_ =	strace $0x90000046  }
0xb2: {  	s29 =	simm.s32 $0x9;
	_ =	strace $0x80000048  }
0xb3: {  	_ =	swait.ge [sflag:s29], $0x1  }
0xb4: {  	[sflag:s29] =	ssyncadd.s32 $0xFFFFFFFF  }
0xb5: {  	_ =	strace $0x90000048  }
0xb6: {  	_ =	sfence  }
0xb7: {  	s30 =	sld [smem:$0x0];
	_ =	sdelay $0x2  }
0xb8: {  	s31 =	sshll.u32 s1, $0xD;
	s1 =	sshrl.u32 s1, $0x2  }
0xb9: {  	s3 =	sand.u32 $0x4000, s31;
	s1 =	sadd.s32 s1, s30  }
0xba: {  	s0 =	sor.u32 s3, s0;
	s1 =	sshll.u32 s1, $0x11  }
0xbb: {  	s0 =	sor.u32 s1, s0  }
0xbc: {  	s0 =	sadd.s32 $0x8F2B, s0  }
0xbd: {  	[sflag:s0] =	ssyncadd.remote.s32 $0x1  }
0xbe: {  	_ =	sfence.sel $0xFFFF  }
0xbf: {  	[dreg:$0x0] =	wrdreg $0xFFFFFFFF;
	(pc) =	sbr.abs _section_cstart, $3  }
0xc0: {  	[dreg:$0x1] =	wrdreg $0xFFFFFFFF  }
0xc1: {  	_ =	task.clear_ibuf [dreg:s7], $0x2FFFF;
	_ =	strace $0x9FFFFFFF  }
0xc2: {  	(tm) =	ssettm $0x7FFFFFFF  }
0xc3: {  	_ =	shalt  }
tec
execute0_lowered:
.L_overlay_start_1:
0x0: {  	(tag) =	ssettag $0x1  }
0x1: {  	s0 =	srdreg.scid;
	s2 =	stileid.u32  }
0x2: {  	s1 =	rddreg [dreg:$0x0];
	s8 =	simm.s32 $0x5;
	s9 =	simm.s32 $0x80  }
0x3: {  	s20 =	simm.s32 $0xB400;
	s22 =	simm.s32 $0xC400;
	s24 =	simm.s32 $0xD400  }
0x4: {  	s26 =	simm.s32 $0xE400;
	s28 =	simm.s32 $0x1200;
	s29 =	simm.s32 $0xF400  }
0x5: {  	s30 =	simm.s32 $0x1;
	s31 =	simm.s32 $0x10400;
	s10 =	simm.s32 $0x3  }
0x6: {  	s11 =	simm.s32 $0x4;
	s0 =	sand.u32 $0x1, s0;
	s3 =	sshll.u32 s2, $0x1  }
0x7: {  	v0 =	vlaneseq.u32;
	s12 =	simm.s32 $0x0;
	s2 =	rddreg [dreg:$0x1];
	s6 =	sor.u32 s0, s3  }
.Ltmp0:
0x8: {  	v0 =	vmul.u32 $0x88, v0;
	s3 =	simm.s32 $0x0;
	s0 =	ssub.s32 $0x2, s0;
	(pc) =	sbr.rel .LBB2_1-.Ltmp0, $4  }
0x9: {  	s4 =	smul.u32 $0xC80, s6;
	[smem:$0x7FF] =	sst s3;
	s7 =	sshrl.u32 s0, $0x1  }
0xa: {  	s6 =	sshll.u32 s6, $0xC;
	v1 =	vadd.s32 $0x880, v0;
	v2 =	vadd.s32 $0x1100, v0;
	v3 =	vadd.s32 $0x1980, v0;
	_ =	strace $0x80000047;
	s0 =	ssub.s32 s0, s7  }
0xb: {  	v4 =	vadd.s32 $0x2200, v0;
	v5 =	vadd.s32 $0x2A80, v0;
	v6 =	vadd.s32 $0x3300, v0;
	s5 =	sadd.s32 s4, s1;
	s4 =	sadd.s32 $0xF42A00, s1;
	s7 =	smax.u32 s0, $0x1  }
0xc: {  	v7 =	vadd.s32 $0x3B80, v0;
	v8 =	vadd.s32 $0x4400, v0;
	v9 =	vadd.s32 $0x4C80, v0;
	s1 =	simm.s32 $0x2;
	s0 =	simm.s32 $0x15900;
	s5 =	sadd.s32 $0x600, s5  }
.LBB2_12:
0xd: {  	s12 =	sadd.s32 $0x1, s12  }
0xe: {  	_ =	swait.ge [sflag:s10], $0x5000;
	p0 =	sne.s32 s12, s7  }
.Ltmp1:
0xf: {  	[sflag:s10] =	ssyncset.done $0x0;
	(pc) =	sbr.rel @!p0 .LBB2_13-.Ltmp1, $4  }
0x10: {  	[sflag:s10] =	ssyncadd.s32 $0xFFFFB000  }
0x11: {  	_ =	swait.ge [sflag:s11], $0x5000  }
0x12: {  	[sflag:s11] =	ssyncset.done $0x0  }
0x13: {  	[sflag:s11] =	ssyncadd.s32 $0xFFFFB000  }
.LBB2_1:
0x14: {  	[tilespmem:s3], [sflag:$0x5] =	stream.linear.gather [hbm4b:s5+s3], $0x6400, $0x38;
	[tilespmem:$0x1AE00] =	vst v63  }
0x15: {  	_ =	swait.ge [sflag:s8], $0x6400  }
0x16: {  	[sflag:s8] =	ssyncset.done $0x0  }
0x17: {  	s13 =	simm.s32 $0x6400;
	[sflag:s8] =	ssyncadd.s32 $0xFFFF9C00  }
0x18: {  	[tilespmem:s13], [sflag:$0x1] =	stream.indirect.gather [hbm4b:s4+s9], $0x20, s3, s9, $0xb8;
	[tilespmem:$0x1AE00] =	vst v63  }
0x19: {  	s21 =	simm.s32 $0x200;
	s14 =	simm.s32 $0x7400  }
0x1a: {  	[tilespmem:s14], [sflag:$0x1] =	stream.indirect.gather [hbm4b:s4+s9], $0x20, s21, s9, $0xb8;
	[tilespmem:$0x1AE00] =	vst v63  }
0x1b: {  	s23 =	simm.s32 $0x400;
	s25 =	simm.s32 $0x8400  }
0x1c: {  	[tilespmem:s25], [sflag:$0x1] =	stream.indirect.gather [hbm4b:s4+s9], $0x20, s23, s9, $0xb8;
	[tilespmem:$0x1AE00] =	vst v63  }
0x1d: {  	s15 =	simm.s32 $0x600;
	s16 =	simm.s32 $0x9400  }
0x1e: {  	[tilespmem:s16], [sflag:$0x1] =	stream.indirect.gather [hbm4b:s4+s9], $0x20, s15, s9, $0xb8;
	[tilespmem:$0x1AE00] =	vst v63  }
0x1f: {  	s17 =	simm.s32 $0x800;
	s18 =	simm.s32 $0xA400  }
0x20: {  	[tilespmem:s18], [sflag:$0x1] =	stream.indirect.gather [hbm4b:s4+s9], $0x20, s17, s9, $0xb8;
	[tilespmem:$0x1AE00] =	vst v63  }
0x21: {  	s19 =	simm.s32 $0xA00  }
0x22: {  	[tilespmem:s20], [sflag:$0x2] =	stream.indirect.gather [hbm4b:s4+s9], $0x20, s19, s9, $0xb8;
	[tilespmem:$0x1AE00] =	vst v63  }
0x23: {  	s21 =	simm.s32 $0xC00  }
0x24: {  	[tilespmem:s22], [sflag:$0x2] =	stream.indirect.gather [hbm4b:s4+s9], $0x20, s21, s9, $0xb8;
	[tilespmem:$0x1AE00] =	vst v63  }
0x25: {  	s23 =	simm.s32 $0xE00  }
0x26: {  	[tilespmem:s24], [sflag:$0x2] =	stream.indirect.gather [hbm4b:s4+s9], $0x20, s23, s9, $0xb8;
	[tilespmem:$0x1AE00] =	vst v63  }
0x27: {  	s25 =	simm.s32 $0x1000  }
0x28: {  	[tilespmem:s26], [sflag:$0x2] =	stream.indirect.gather [hbm4b:s4+s9], $0x20, s25, s9, $0xb8;
	[tilespmem:$0x1AE00] =	vst v63  }
0x29: {  	s13 =	simm.s32 $0x0  }
0x2a: {  	[tilespmem:s29], [sflag:$0x2] =	stream.indirect.gather [hbm4b:s4+s9], $0x20, s28, s9, $0xb8;
	[tilespmem:$0x1AE00] =	vst v63  }
.LBB2_2:
0x2b: {  	_ =	swait.ge [sflag:s30], $0x1000  }
0x2c: {  	[sflag:s30] =	ssyncset.done $0x0  }
0x2d: {  	[sflag:s30] =	ssyncadd.s32 $0xFFFFF000  }
0x2e: {  	_ =	swait.ge [sflag:s30], $0x1000  }
0x2f: {  	[sflag:s30] =	ssyncset.done $0x0  }
0x30: {  	[sflag:s30] =	ssyncadd.s32 $0xFFFFF000  }
0x31: {  	_ =	swait.ge [sflag:s30], $0x1000  }
0x32: {  	[sflag:s30] =	ssyncset.done $0x0  }
0x33: {  	[sflag:s30] =	ssyncadd.s32 $0xFFFFF000  }
0x34: {  	_ =	swait.ge [sflag:s30], $0x1000  }
0x35: {  	[sflag:s30] =	ssyncset.done $0x0  }
0x36: {  	[sflag:s30] =	ssyncadd.s32 $0xFFFFF000  }
0x37: {  	_ =	swait.ge [sflag:s30], $0x1000  }
0x38: {  	p0 =	seq.s32 s13, $0x0;
	[sflag:s30] =	ssyncset.done $0x0  }
0x39: {  	s14 =	simm.s32 @!p0 $0x3;
	[sflag:s30] =	ssyncadd.s32 $0xFFFFF000  }
0x3a: {  	s15 =	simm.s32 $0x0;
	_ =	swait.ge @!p0 [sflag:s14], $0x5000  }
0x3b: {  	v10 =	vmov s15;
	[sflag:s14] =	ssyncset.done @!p0 $0x0  }
0x3c: {  	s17 =	simm.s32 $0x0;
	v10 =	vand.u32 $0x7C, v10;
	[sflag:s14] =	ssyncadd.s32 @!p0 $0xFFFFB000  }
0x3d: {  	v12 =	vadd.s32 v0, v10;
	v11 =	vld [tilespmem:s17+$0x6400]  }
0x3e: {  	v14 =	vadd.s32 v1, v10;
	v13 =	vld [tilespmem:s17+$0x6410];
	_ =	sdelay $0x3  }
0x3f: {  	[tilespmem:v12+s31+$0x0] =	vst.idx.msk $0xffff, v11  }
0x40: {  	[tilespmem:v14+s31+$0x0] =	vst.idx.msk $0xffff, v13  }
0x41: {  	v12 =	vadd.s32 v2, v10;
	v11 =	vld [tilespmem:s17+$0x7400]  }
0x42: {  	v14 =	vadd.s32 v3, v10;
	v13 =	vld [tilespmem:s17+$0x7410];
	_ =	sdelay $0x3  }
0x43: {  	[tilespmem:v12+s31+$0x0] =	vst.idx.msk $0xffff, v11  }
0x44: {  	[tilespmem:v14+s31+$0x0] =	vst.idx.msk $0xffff, v13  }
0x45: {  	v12 =	vadd.s32 v4, v10;
	v11 =	vld [tilespmem:s17+$0x8400]  }
0x46: {  	v14 =	vadd.s32 v5, v10;
	v13 =	vld [tilespmem:s17+$0x8410];
	_ =	sdelay $0x3  }
0x47: {  	[tilespmem:v12+s31+$0x0] =	vst.idx.msk $0xffff, v11  }
0x48: {  	[tilespmem:v14+s31+$0x0] =	vst.idx.msk $0xffff, v13  }
0x49: {  	v12 =	vadd.s32 v6, v10;
	v11 =	vld [tilespmem:s17+$0x9400]  }
0x4a: {  	v14 =	vadd.s32 v7, v10;
	v13 =	vld [tilespmem:s17+$0x9410];
	_ =	sdelay $0x3  }
0x4b: {  	[tilespmem:v12+s31+$0x0] =	vst.idx.msk $0xffff, v11  }
0x4c: {  	[tilespmem:v14+s31+$0x0] =	vst.idx.msk $0xffff, v13  }
0x4d: {  	v12 =	vadd.s32 v8, v10;
	v11 =	vld [tilespmem:s17+$0xA400]  }
0x4e: {  	v10 =	vadd.s32 v9, v10;
	v13 =	vld [tilespmem:s17+$0xA410];
	_ =	sdelay $0x2  }
0x4f: {  	s18 =	simm.s32 $0x1  }
0x50: {  	[tilespmem:v12+s31+$0x0] =	vst.idx.msk $0xffff, v11;
	v11 =	vmov s18  }
0x51: {  	[tilespmem:v10+s31+$0x0] =	vst.idx.msk $0xffff, v13;
	v10 =	vand.u32 $0x7D, v11  }
0x52: {  	v11 =	vld [tilespmem:s17+$0x6420];
	v12 =	vadd.s32 v0, v10  }
0x53: {  	v13 =	vld [tilespmem:s17+$0x6430];
	v14 =	vadd.s32 v1, v10;
	_ =	sdelay $0x3  }
0x54: {  	[tilespmem:v12+s31+$0x0] =	vst.idx.msk $0xffff, v11  }
0x55: {  	[tilespmem:v14+s31+$0x0] =	vst.idx.msk $0xffff, v13  }
0x56: {  	v12 =	vadd.s32 v2, v10;
	v11 =	vld [tilespmem:s17+$0x7420]  }
0x57: {  	v14 =	vadd.s32 v3, v10;
	v13 =	vld [tilespmem:s17+$0x7430];
	_ =	sdelay $0x3  }
0x58: {  	[tilespmem:v12+s31+$0x0] =	vst.idx.msk $0xffff, v11  }
0x59: {  	[tilespmem:v14+s31+$0x0] =	vst.idx.msk $0xffff, v13  }
0x5a: {  	v12 =	vadd.s32 v4, v10;
	v11 =	vld [tilespmem:s17+$0x8420]  }
0x5b: {  	v14 =	vadd.s32 v5, v10;
	v13 =	vld [tilespmem:s17+$0x8430];
	_ =	sdelay $0x3  }
0x5c: {  	[tilespmem:v12+s31+$0x0] =	vst.idx.msk $0xffff, v11  }
0x5d: {  	[tilespmem:v14+s31+$0x0] =	vst.idx.msk $0xffff, v13  }
0x5e: {  	v12 =	vadd.s32 v6, v10;
	v11 =	vld [tilespmem:s17+$0x9420]  }
0x5f: {  	v14 =	vadd.s32 v7, v10;
	v13 =	vld [tilespmem:s17+$0x9430];
	_ =	sdelay $0x3  }
0x60: {  	[tilespmem:v12+s31+$0x0] =	vst.idx.msk $0xffff, v11  }
0x61: {  	[tilespmem:v14+s31+$0x0] =	vst.idx.msk $0xffff, v13  }
0x62: {  	v12 =	vadd.s32 v8, v10;
	v11 =	vld [tilespmem:s17+$0xA420]  }
0x63: {  	v10 =	vadd.s32 v9, v10;
	v13 =	vld [tilespmem:s17+$0xA430];
	_ =	sdelay $0x2  }
0x64: {  	s19 =	simm.s32 $0x2  }
0x65: {  	[tilespmem:v12+s31+$0x0] =	vst.idx.msk $0xffff, v11;
	v11 =	vmov s19  }
0x66: {  	[tilespmem:v10+s31+$0x0] =	vst.idx.msk $0xffff, v13;
	v10 =	vand.u32 $0x7E, v11  }
0x67: {  	v11 =	vld [tilespmem:s17+$0x6440];
	v12 =	vadd.s32 v0, v10  }
0x68: {  	v13 =	vld [tilespmem:s17+$0x6450];
	v14 =	vadd.s32 v1, v10;
	_ =	sdelay $0x3  }
0x69: {  	[tilespmem:v12+s31+$0x0] =	vst.idx.msk $0xffff, v11  }
0x6a: {  	[tilespmem:v14+s31+$0x0] =	vst.idx.msk $0xffff, v13  }
0x6b: {  	v12 =	vadd.s32 v2, v10;
	v11 =	vld [tilespmem:s17+$0x7440]  }
0x6c: {  	v14 =	vadd.s32 v3, v10;
	v13 =	vld [tilespmem:s17+$0x7450];
	_ =	sdelay $0x3  }
0x6d: {  	[tilespmem:v12+s31+$0x0] =	vst.idx.msk $0xffff, v11  }
0x6e: {  	[tilespmem:v14+s31+$0x0] =	vst.idx.msk $0xffff, v13  }
0x6f: {  	v12 =	vadd.s32 v4, v10;
	v11 =	vld [tilespmem:s17+$0x8440]  }
0x70: {  	v14 =	vadd.s32 v5, v10;
	v13 =	vld [tilespmem:s17+$0x8450];
	_ =	sdelay $0x3  }
0x71: {  	[tilespmem:v12+s31+$0x0] =	vst.idx.msk $0xffff, v11  }
0x72: {  	[tilespmem:v14+s31+$0x0] =	vst.idx.msk $0xffff, v13  }
0x73: {  	v12 =	vadd.s32 v6, v10;
	v11 =	vld [tilespmem:s17+$0x9440]  }
0x74: {  	v14 =	vadd.s32 v7, v10;
	v13 =	vld [tilespmem:s17+$0x9450];
	_ =	sdelay $0x3  }
0x75: {  	[tilespmem:v12+s31+$0x0] =	vst.idx.msk $0xffff, v11  }
0x76: {  	[tilespmem:v14+s31+$0x0] =	vst.idx.msk $0xffff, v13  }
0x77: {  	v12 =	vadd.s32 v8, v10;
	v11 =	vld [tilespmem:s17+$0xA440]  }
0x78: {  	v10 =	vadd.s32 v9, v10;
	v13 =	vld [tilespmem:s17+$0xA450];
	_ =	sdelay $0x2  }
0x79: {  	s21 =	simm.s32 $0x3  }
0x7a: {  	[tilespmem:v12+s31+$0x0] =	vst.idx.msk $0xffff, v11;
	v11 =	vmov s21  }
0x7b: {  	[tilespmem:v10+s31+$0x0] =	vst.idx.msk $0xffff, v13;
	v11 =	vand.u32 $0x7F, v11  }
0x7c: {  	v10 =	vld [tilespmem:s17+$0x6460];
	v12 =	vadd.s32 v0, v11  }
0x7d: {  	v13 =	vld [tilespmem:s17+$0x6470];
	v14 =	vadd.s32 v1, v11;
	_ =	sdelay $0x3  }
0x7e: {  	[tilespmem:v12+s31+$0x0] =	vst.idx.msk $0xffff, v10  }
0x7f: {  	[tilespmem:v14+s31+$0x0] =	vst.idx.msk $0xffff, v13  }
0x80: {  	v12 =	vadd.s32 v2, v11;
	v10 =	vld [tilespmem:s17+$0x7460]  }
0x81: {  	v14 =	vadd.s32 v3, v11;
	v13 =	vld [tilespmem:s17+$0x7470];
	_ =	sdelay $0x3  }
0x82: {  	[tilespmem:v12+s31+$0x0] =	vst.idx.msk $0xffff, v10  }
0x83: {  	[tilespmem:v14+s31+$0x0] =	vst.idx.msk $0xffff, v13  }
0x84: {  	v12 =	vadd.s32 v4, v11;
	v10 =	vld [tilespmem:s17+$0x8460]  }
0x85: {  	v14 =	vadd.s32 v5, v11;
	v13 =	vld [tilespmem:s17+$0x8470];
	_ =	sdelay $0x3  }
0x86: {  	[tilespmem:v12+s31+$0x0] =	vst.idx.msk $0xffff, v10  }
0x87: {  	[tilespmem:v14+s31+$0x0] =	vst.idx.msk $0xffff, v13  }
0x88: {  	v12 =	vadd.s32 v6, v11;
	v10 =	vld [tilespmem:s17+$0x9460]  }
0x89: {  	v14 =	vadd.s32 v7, v11;
	v13 =	vld [tilespmem:s17+$0x9470];
	_ =	sdelay $0x2  }
0x8a: {  	s23 =	smul.u32 $0x19A, s13  }
0x8b: {  	[tilespmem:v12+s31+$0x0] =	vst.idx.msk $0xffff, v10  }
0x8c: {  	s14 =	sshrl.u32 s23, $0xB;
	[tilespmem:v14+s31+$0x0] =	vst.idx.msk $0xffff, v13  }
0x8d: {  	s25 =	smul.u32 $0xCD, s13;
	s14 =	sand.u32 $0x1F, s14;
	v14 =	vadd.s32 v8, v11;
	v13 =	vld [tilespmem:s17+$0xA460]  }
0x8e: {  	s16 =	smul.u32 $0xA, s14;
	v11 =	vadd.s32 v9, v11;
	v10 =	vld [tilespmem:s17+$0xA470]  }
0x8f: {  	s14 =	sshll.u32 s13, $0x1  }
0x90: {  	s15 =	sshrl.u32 s25, $0xA;
	s16 =	ssub.s32 s14, s16  }
0x91: {  	s15 =	sand.u32 $0x3F, s15;
	s16 =	sand.u32 $0xFE, s16;
	s21 =	simm.s32 $0x4  }
0x92: {  	s18 =	simm.s32 $0x7;
	s19 =	simm.s32 $0x400;
	v12 =	vmov s21;
	s17 =	simm.s32 $0x80;
	[tilespmem:v14+s31+$0x0] =	vst.idx.msk $0xffff, v13  }
.LBB2_3:
0x93: {  	s21 =	sshra.s32 s19, $0x2;
	p1 =	sne.s32 s19, $0x3E00;
	s19 =	sadd.s32 $0x200, s19;
	v12 =	vand.u32 $0x7C, v12;
	[tilespmem:v11+s31+$0x0] =	vst.idx.msk $0xffff, v10  }
0x94: {  	v10 =	vld [tilespmem:s17+$0x6400];
	v11 =	vadd.s32 v0, v12  }
0x95: {  	v14 =	vadd.s32 v1, v12;
	v13 =	vld [tilespmem:s17+$0x6410];
	_ =	sdelay $0x3  }
0x96: {  	[tilespmem:v11+s31+$0x0] =	vst.idx.msk $0xffff, v10  }
0x97: {  	[tilespmem:v14+s31+$0x0] =	vst.idx.msk $0xffff, v13  }
0x98: {  	v11 =	vadd.s32 v2, v12;
	v10 =	vld [tilespmem:s17+$0x7400]  }
0x99: {  	v14 =	vadd.s32 v3, v12;
	v13 =	vld [tilespmem:s17+$0x7410];
	_ =	sdelay $0x3  }
0x9a: {  	[tilespmem:v11+s31+$0x0] =	vst.idx.msk $0xffff, v10  }
0x9b: {  	[tilespmem:v14+s31+$0x0] =	vst.idx.msk $0xffff, v13  }
0x9c: {  	v11 =	vadd.s32 v4, v12;
	v10 =	vld [tilespmem:s17+$0x8400]  }
0x9d: {  	v14 =	vadd.s32 v5, v12;
	v13 =	vld [tilespmem:s17+$0x8410];
	_ =	sdelay $0x3  }
0x9e: {  	[tilespmem:v11+s31+$0x0] =	vst.idx.msk $0xffff, v10  }
0x9f: {  	[tilespmem:v14+s31+$0x0] =	vst.idx.msk $0xffff, v13  }
0xa0: {  	v11 =	vadd.s32 v6, v12;
	v10 =	vld [tilespmem:s17+$0x9400]  }
0xa1: {  	v14 =	vadd.s32 v7, v12;
	v13 =	vld [tilespmem:s17+$0x9410];
	_ =	sdelay $0x3  }
0xa2: {  	[tilespmem:v11+s31+$0x0] =	vst.idx.msk $0xffff, v10  }
0xa3: {  	[tilespmem:v14+s31+$0x0] =	vst.idx.msk $0xffff, v13  }
0xa4: {  	v11 =	vadd.s32 v8, v12;
	v10 =	vld [tilespmem:s17+$0xA400]  }
0xa5: {  	v12 =	vadd.s32 v9, v12;
	v13 =	vld [tilespmem:s17+$0xA410];
	_ =	sdelay $0x2  }
0xa6: {  	s23 =	sadd.s32 $0xFFFFFFFE, s18  }
0xa7: {  	[tilespmem:v11+s31+$0x0] =	vst.idx.msk $0xffff, v10;
	v10 =	vmov s23  }
0xa8: {  	[tilespmem:v12+s31+$0x0] =	vst.idx.msk $0xffff, v13;
	v10 =	vand.u32 $0x7D, v10  }
0xa9: {  	v11 =	vld [tilespmem:s17+$0x6420];
	v12 =	vadd.s32 v0, v10  }
0xaa: {  	v14 =	vadd.s32 v1, v10;
	v13 =	vld [tilespmem:s17+$0x6430];
	_ =	sdelay $0x3  }
0xab: {  	[tilespmem:v12+s31+$0x0] =	vst.idx.msk $0xffff, v11  }
0xac: {  	[tilespmem:v14+s31+$0x0] =	vst.idx.msk $0xffff, v13  }
0xad: {  	v12 =	vadd.s32 v2, v10;
	v11 =	vld [tilespmem:s17+$0x7420]  }
0xae: {  	v14 =	vadd.s32 v3, v10;
	v13 =	vld [tilespmem:s17+$0x7430];
	_ =	sdelay $0x3  }
0xaf: {  	[tilespmem:v12+s31+$0x0] =	vst.idx.msk $0xffff, v11  }
0xb0: {  	[tilespmem:v14+s31+$0x0] =	vst.idx.msk $0xffff, v13  }
0xb1: {  	v12 =	vadd.s32 v4, v10;
	v11 =	vld [tilespmem:s17+$0x8420]  }
0xb2: {  	v14 =	vadd.s32 v5, v10;
	v13 =	vld [tilespmem:s17+$0x8430];
	_ =	sdelay $0x3  }
0xb3: {  	[tilespmem:v12+s31+$0x0] =	vst.idx.msk $0xffff, v11  }
0xb4: {  	[tilespmem:v14+s31+$0x0] =	vst.idx.msk $0xffff, v13  }
0xb5: {  	v12 =	vadd.s32 v6, v10;
	v11 =	vld [tilespmem:s17+$0x9420]  }
0xb6: {  	v14 =	vadd.s32 v7, v10;
	v13 =	vld [tilespmem:s17+$0x9430];
	_ =	sdelay $0x3  }
0xb7: {  	[tilespmem:v12+s31+$0x0] =	vst.idx.msk $0xffff, v11  }
0xb8: {  	[tilespmem:v14+s31+$0x0] =	vst.idx.msk $0xffff, v13  }
0xb9: {  	v12 =	vadd.s32 v8, v10;
	v11 =	vld [tilespmem:s17+$0xA420]  }
0xba: {  	v10 =	vadd.s32 v9, v10;
	v13 =	vld [tilespmem:s17+$0xA430];
	_ =	sdelay $0x2  }
0xbb: {  	s23 =	sadd.s32 $0xFFFFFFFF, s18  }
0xbc: {  	[tilespmem:v12+s31+$0x0] =	vst.idx.msk $0xffff, v11;
	v11 =	vmov s23  }
0xbd: {  	[tilespmem:v10+s31+$0x0] =	vst.idx.msk $0xffff, v13;
	v10 =	vand.u32 $0x7E, v11  }
0xbe: {  	v11 =	vld [tilespmem:s17+$0x6440];
	v12 =	vadd.s32 v0, v10  }
0xbf: {  	v14 =	vadd.s32 v1, v10;
	v13 =	vld [tilespmem:s17+$0x6450];
	_ =	sdelay $0x3  }
0xc0: {  	[tilespmem:v12+s31+$0x0] =	vst.idx.msk $0xffff, v11  }
0xc1: {  	[tilespmem:v14+s31+$0x0] =	vst.idx.msk $0xffff, v13  }
0xc2: {  	v12 =	vadd.s32 v2, v10;
	v11 =	vld [tilespmem:s17+$0x7440]  }
0xc3: {  	v14 =	vadd.s32 v3, v10;
	v13 =	vld [tilespmem:s17+$0x7450];
	_ =	sdelay $0x3  }
0xc4: {  	[tilespmem:v12+s31+$0x0] =	vst.idx.msk $0xffff, v11  }
0xc5: {  	[tilespmem:v14+s31+$0x0] =	vst.idx.msk $0xffff, v13  }
0xc6: {  	v12 =	vadd.s32 v4, v10;
	v11 =	vld [tilespmem:s17+$0x8440]  }
0xc7: {  	v14 =	vadd.s32 v5, v10;
	v13 =	vld [tilespmem:s17+$0x8450];
	_ =	sdelay $0x3  }
0xc8: {  	[tilespmem:v12+s31+$0x0] =	vst.idx.msk $0xffff, v11  }
0xc9: {  	[tilespmem:v14+s31+$0x0] =	vst.idx.msk $0xffff, v13  }
0xca: {  	v12 =	vadd.s32 v6, v10;
	v11 =	vld [tilespmem:s17+$0x9440]  }
0xcb: {  	v14 =	vadd.s32 v7, v10;
	v13 =	vld [tilespmem:s17+$0x9450];
	_ =	sdelay $0x3  }
0xcc: {  	[tilespmem:v12+s31+$0x0] =	vst.idx.msk $0xffff, v11  }
0xcd: {  	[tilespmem:v14+s31+$0x0] =	vst.idx.msk $0xffff, v13  }
0xce: {  	v12 =	vadd.s32 v8, v10;
	v11 =	vld [tilespmem:s17+$0xA440]  }
0xcf: {  	v10 =	vadd.s32 v9, v10;
	v13 =	vld [tilespmem:s17+$0xA450];
	_ =	sdelay $0x3  }
0xd0: {  	[tilespmem:v12+s31+$0x0] =	vst.idx.msk $0xffff, v11;
	v11 =	vmov s18  }
0xd1: {  	[tilespmem:v10+s31+$0x0] =	vst.idx.msk $0xffff, v13;
	v11 =	vand.u32 $0x7F, v11  }
0xd2: {  	v10 =	vld [tilespmem:s17+$0x6460];
	v12 =	vadd.s32 v0, v11  }
0xd3: {  	v14 =	vadd.s32 v1, v11;
	v13 =	vld [tilespmem:s17+$0x6470];
	_ =	sdelay $0x3  }
0xd4: {  	[tilespmem:v12+s31+$0x0] =	vst.idx.msk $0xffff, v10  }
0xd5: {  	[tilespmem:v14+s31+$0x0] =	vst.idx.msk $0xffff, v13  }
0xd6: {  	v12 =	vadd.s32 v2, v11;
	v10 =	vld [tilespmem:s17+$0x7460]  }
0xd7: {  	v14 =	vadd.s32 v3, v11;
	v13 =	vld [tilespmem:s17+$0x7470];
	_ =	sdelay $0x3  }
0xd8: {  	[tilespmem:v12+s31+$0x0] =	vst.idx.msk $0xffff, v10  }
0xd9: {  	[tilespmem:v14+s31+$0x0] =	vst.idx.msk $0xffff, v13  }
0xda: {  	v12 =	vadd.s32 v4, v11;
	v10 =	vld [tilespmem:s17+$0x8460]  }
0xdb: {  	v14 =	vadd.s32 v5, v11;
	v13 =	vld [tilespmem:s17+$0x8470];
	_ =	sdelay $0x3  }
0xdc: {  	[tilespmem:v12+s31+$0x0] =	vst.idx.msk $0xffff, v10  }
0xdd: {  	[tilespmem:v14+s31+$0x0] =	vst.idx.msk $0xffff, v13  }
0xde: {  	v12 =	vadd.s32 v6, v11;
	v10 =	vld [tilespmem:s17+$0x9460]  }
0xdf: {  	v14 =	vadd.s32 v7, v11;
	v13 =	vld [tilespmem:s17+$0x9470];
	_ =	sdelay $0x3  }
0xe0: {  	[tilespmem:v12+s31+$0x0] =	vst.idx.msk $0xffff, v10  }
0xe1: {  	[tilespmem:v14+s31+$0x0] =	vst.idx.msk $0xffff, v13  }
0xe2: {  	v14 =	vadd.s32 v8, v11;
	v13 =	vld [tilespmem:s17+$0xA460]  }
.Ltmp2:
0xe3: {  	v11 =	vadd.s32 v9, v11;
	v10 =	vld [tilespmem:s17+$0xA470];
	s17 =	smov.u32 s21;
	(pc) =	sbr.rel @p1 .LBB2_3-.Ltmp2, $4  }
0xe4: {  	_ = 	snop  }
0xe5: {  	s18 =	sadd.s32 $0x4, s18  }
0xe6: {  	s21 =	sadd.s32 $0xFFFFFFFD, s18  }
0xe7: {  	v12 =	vmov s21;
	[tilespmem:v14+s31+$0x0] =	vst.idx.msk $0xffff, v13  }
0xe8: {  	_ =	sdelay $0x3  }
0xe9: {  	v12 =	vand.u32 $0x7C, v12;
	[tilespmem:v11+s31+$0x0] =	vst.idx.msk $0xffff, v10  }
0xea: {  	v10 =	vld [tilespmem:s17+$0x6400];
	v11 =	vadd.s32 v0, v12  }
0xeb: {  	v13 =	vld [tilespmem:s17+$0x6410];
	v14 =	vadd.s32 v1, v12;
	_ =	sdelay $0x3  }
0xec: {  	[tilespmem:v11+s31+$0x0] =	vst.idx.msk $0xffff, v10  }
0xed: {  	[tilespmem:v14+s31+$0x0] =	vst.idx.msk $0xffff, v13  }
0xee: {  	v11 =	vadd.s32 v2, v12;
	v10 =	vld [tilespmem:s17+$0x7400]  }
0xef: {  	v34 =	vadd.s32 v3, v12;
	v13 =	vld [tilespmem:s17+$0x7410];
	_ =	sdelay $0x3  }
0xf0: {  	[tilespmem:v11+s31+$0x0] =	vst.idx.msk $0xffff, v10  }
0xf1: {  	[tilespmem:v34+s31+$0x0] =	vst.idx.msk $0xffff, v13  }
0xf2: {  	v11 =	vadd.s32 v4, v12;
	v10 =	vld [tilespmem:s17+$0x8400]  }
0xf3: {  	v35 =	vadd.s32 v5, v12;
	v13 =	vld [tilespmem:s17+$0x8410];
	_ =	sdelay $0x3  }
0xf4: {  	[tilespmem:v11+s31+$0x0] =	vst.idx.msk $0xffff, v10  }
0xf5: {  	[tilespmem:v35+s31+$0x0] =	vst.idx.msk $0xffff, v13  }
0xf6: {  	v11 =	vadd.s32 v6, v12;
	v10 =	vld [tilespmem:s17+$0x9400]  }
0xf7: {  	v36 =	vadd.s32 v7, v12;
	v13 =	vld [tilespmem:s17+$0x9410];
	_ =	sdelay $0x3  }
0xf8: {  	[tilespmem:v11+s31+$0x0] =	vst.idx.msk $0xffff, v10  }
0xf9: {  	[tilespmem:v36+s31+$0x0] =	vst.idx.msk $0xffff, v13  }
0xfa: {  	v11 =	vadd.s32 v8, v12;
	v10 =	vld [tilespmem:s17+$0xA400]  }
0xfb: {  	v12 =	vadd.s32 v9, v12;
	v13 =	vld [tilespmem:s17+$0xA410];
	_ =	sdelay $0x2  }
0xfc: {  	s19 =	sadd.s32 $0xFFFFFFFE, s18  }
0xfd: {  	[tilespmem:v11+s31+$0x0] =	vst.idx.msk $0xffff, v10;
	v10 =	vmov s19  }
0xfe: {  	[tilespmem:v12+s31+$0x0] =	vst.idx.msk $0xffff, v13;
	v10 =	vand.u32 $0x7D, v10  }
0xff: {  	v11 =	vld [tilespmem:s17+$0x6420];
	v37 =	vadd.s32 v0, v10  }
0x100: {  	v13 =	vld [tilespmem:s17+$0x6430];
	v38 =	vadd.s32 v1, v10;
	_ =	sdelay $0x3  }
0x101: {  	[tilespmem:v37+s31+$0x0] =	vst.idx.msk $0xffff, v11  }
0x102: {  	[tilespmem:v38+s31+$0x0] =	vst.idx.msk $0xffff, v13  }
0x103: {  	v39 =	vadd.s32 v2, v10;
	v11 =	vld [tilespmem:s17+$0x7420]  }
0x104: {  	v40 =	vadd.s32 v3, v10;
	v13 =	vld [tilespmem:s17+$0x7430];
	_ =	sdelay $0x3  }
0x105: {  	[tilespmem:v39+s31+$0x0] =	vst.idx.msk $0xffff, v11  }
0x106: {  	[tilespmem:v40+s31+$0x0] =	vst.idx.msk $0xffff, v13  }
0x107: {  	v41 =	vadd.s32 v4, v10;
	v11 =	vld [tilespmem:s17+$0x8420]  }
0x108: {  	v42 =	vadd.s32 v5, v10;
	v13 =	vld [tilespmem:s17+$0x8430];
	_ =	sdelay $0x3  }
0x109: {  	[tilespmem:v41+s31+$0x0] =	vst.idx.msk $0xffff, v11  }
0x10a: {  	[tilespmem:v42+s31+$0x0] =	vst.idx.msk $0xffff, v13  }
0x10b: {  	v43 =	vadd.s32 v6, v10;
	v11 =	vld [tilespmem:s17+$0x9420]  }
0x10c: {  	v44 =	vadd.s32 v7, v10;
	v13 =	vld [tilespmem:s17+$0x9430];
	_ =	sdelay $0x3  }
0x10d: {  	[tilespmem:v43+s31+$0x0] =	vst.idx.msk $0xffff, v11  }
0x10e: {  	[tilespmem:v44+s31+$0x0] =	vst.idx.msk $0xffff, v13  }
0x10f: {  	v45 =	vadd.s32 v8, v10;
	v11 =	vld [tilespmem:s17+$0xA420]  }
0x110: {  	v10 =	vadd.s32 v9, v10;
	v13 =	vld [tilespmem:s17+$0xA430];
	_ =	sdelay $0x2  }
0x111: {  	s25 =	sadd.s32 $0xFFFFFFFF, s18  }
0x112: {  	[tilespmem:v45+s31+$0x0] =	vst.idx.msk $0xffff, v11;
	v11 =	vmov s25  }
0x113: {  	[tilespmem:v10+s31+$0x0] =	vst.idx.msk $0xffff, v13;
	v10 =	vand.u32 $0x7E, v11  }
0x114: {  	v11 =	vld [tilespmem:s17+$0x6440];
	v46 =	vadd.s32 v0, v10  }
0x115: {  	v13 =	vld [tilespmem:s17+$0x6450];
	v47 =	vadd.s32 v1, v10;
	_ =	sdelay $0x3  }
0x116: {  	[tilespmem:v46+s31+$0x0] =	vst.idx.msk $0xffff, v11  }
0x117: {  	[tilespmem:v47+s31+$0x0] =	vst.idx.msk $0xffff, v13  }
0x118: {  	v48 =	vadd.s32 v2, v10;
	v11 =	vld [tilespmem:s17+$0x7440]  }
0x119: {  	v49 =	vadd.s32 v3, v10;
	v13 =	vld [tilespmem:s17+$0x7450];
	_ =	sdelay $0x3  }
0x11a: {  	[tilespmem:v48+s31+$0x0] =	vst.idx.msk $0xffff, v11  }
0x11b: {  	[tilespmem:v49+s31+$0x0] =	vst.idx.msk $0xffff, v13  }
0x11c: {  	v50 =	vadd.s32 v4, v10;
	v11 =	vld [tilespmem:s17+$0x8440]  }
0x11d: {  	v51 =	vadd.s32 v5, v10;
	v13 =	vld [tilespmem:s17+$0x8450];
	_ =	sdelay $0x3  }
0x11e: {  	[tilespmem:v50+s31+$0x0] =	vst.idx.msk $0xffff, v11  }
0x11f: {  	[tilespmem:v51+s31+$0x0] =	vst.idx.msk $0xffff, v13  }
0x120: {  	v52 =	vadd.s32 v6, v10;
	v11 =	vld [tilespmem:s17+$0x9440]  }
0x121: {  	v53 =	vadd.s32 v7, v10;
	v13 =	vld [tilespmem:s17+$0x9450];
	_ =	sdelay $0x3  }
0x122: {  	[tilespmem:v52+s31+$0x0] =	vst.idx.msk $0xffff, v11  }
0x123: {  	[tilespmem:v53+s31+$0x0] =	vst.idx.msk $0xffff, v13  }
0x124: {  	v54 =	vadd.s32 v8, v10;
	v11 =	vld [tilespmem:s17+$0xA440]  }
0x125: {  	v10 =	vadd.s32 v9, v10;
	v13 =	vld [tilespmem:s17+$0xA450];
	_ =	sdelay $0x3  }
0x126: {  	[tilespmem:v54+s31+$0x0] =	vst.idx.msk $0xffff, v11;
	v11 =	vmov s18  }
0x127: {  	[tilespmem:v10+s31+$0x0] =	vst.idx.msk $0xffff, v13;
	v10 =	vand.u32 $0x7F, v11  }
0x128: {  	v11 =	vld [tilespmem:s17+$0x6460];
	v55 =	vadd.s32 v0, v10  }
0x129: {  	v13 =	vld [tilespmem:s17+$0x6470];
	v56 =	vadd.s32 v1, v10;
	_ =	sdelay $0x3  }
0x12a: {  	[tilespmem:v55+s31+$0x0] =	vst.idx.msk $0xffff, v11  }
0x12b: {  	[tilespmem:v56+s31+$0x0] =	vst.idx.msk $0xffff, v13  }
0x12c: {  	v57 =	vadd.s32 v2, v10;
	v11 =	vld [tilespmem:s17+$0x7460]  }
0x12d: {  	v58 =	vadd.s32 v3, v10;
	v13 =	vld [tilespmem:s17+$0x7470];
	_ =	sdelay $0x3  }
0x12e: {  	[tilespmem:v57+s31+$0x0] =	vst.idx.msk $0xffff, v11  }
0x12f: {  	[tilespmem:v58+s31+$0x0] =	vst.idx.msk $0xffff, v13  }
0x130: {  	v59 =	vadd.s32 v4, v10;
	v11 =	vld [tilespmem:s17+$0x8460]  }
0x131: {  	v60 =	vadd.s32 v5, v10;
	v13 =	vld [tilespmem:s17+$0x8470];
	_ =	sdelay $0x3  }
0x132: {  	[tilespmem:v59+s31+$0x0] =	vst.idx.msk $0xffff, v11  }
0x133: {  	[tilespmem:v60+s31+$0x0] =	vst.idx.msk $0xffff, v13  }
0x134: {  	v61 =	vadd.s32 v6, v10;
	v11 =	vld [tilespmem:s17+$0x9460]  }
0x135: {  	v62 =	vadd.s32 v7, v10;
	v13 =	vld [tilespmem:s17+$0x9470];
	_ =	sdelay $0x3  }
0x136: {  	[tilespmem:v61+s31+$0x0] =	vst.idx.msk $0xffff, v11  }
0x137: {  	[tilespmem:v62+s31+$0x0] =	vst.idx.msk $0xffff, v13  }
0x138: {  	v63 =	vadd.s32 v8, v10;
	v11 =	vld [tilespmem:s17+$0xA460]  }
0x139: {  	v10 =	vadd.s32 v9, v10;
	v13 =	vld [tilespmem:s17+$0xA470]  }
0x13a: {  	s16 =	smul.u32 $0x280000, s16;
	s15 =	sshll.u32 s15, $0xA  }
0x13b: {  	s15 =	sadd.s32 s6, s15  }
0x13c: {  	s16 =	sor.u32 s15, s16  }
0x13d: {  	s16 =	sshrl.u32 s16, $0x3;
	[tilespmem:v63+s31+$0x0] =	vst.idx.msk $0xffff, v11  }
0x13e: {  	s18 =	simm.s32 $0x10400;
	s17 =	sadd.s32 s2, s16;
	[tilespmem:v10+s31+$0x0] =	vst.idx.msk $0xffff, v13  }
0x13f: {  	[hbm4b:s17+s3] =	stream.linear.scatter [tilespmem:s18], [sflag:$0x3], $0x80, $0x38;
	[tilespmem:$0x1AE00] =	vst v63  }
0x140: {  	s19 =	simm.s32 $0x10488;
	s21 =	sadd.s32 $0x10, s17  }
0x141: {  	[hbm4b:s21+s3] =	stream.linear.scatter [tilespmem:s19], [sflag:$0x3], $0x80, $0x38;
	[tilespmem:$0x1AE00] =	vst v63  }
0x142: {  	s23 =	simm.s32 $0x10510;
	s16 =	simm.s32 $0x440;
	s25 =	sadd.s32 $0x20, s17  }
0x143: {  	[hbm4b:s25+s3] =	stream.linear.scatter [tilespmem:s23], [sflag:$0x3], $0x80, $0x38;
	[tilespmem:$0x1AE00] =	vst v63  }
0x144: {  	s18 =	simm.s32 $0x2200;
	s19 =	simm.s32 $0x10598;
	s21 =	sadd.s32 $0x30, s17  }
0x145: {  	[hbm4b:s21+s3] =	stream.linear.scatter [tilespmem:s19], [sflag:$0x3], $0x80, $0x38;
	[tilespmem:$0x1AE00] =	vst v63  }
0x146: {  	s23 =	simm.s32 $0x10620;
	s25 =	sadd.s32 $0x40, s17;
	s19 =	simm.s32 $0x106A8  }
0x147: {  	[hbm4b:s25+s3] =	stream.linear.scatter [tilespmem:s23], [sflag:$0x3], $0x80, $0x38;
	[tilespmem:$0x1AE00] =	vst v63  }
0x148: {  	s21 =	sadd.s32 $0x50, s17;
	s23 =	simm.s32 $0x10730;
	s25 =	sadd.s32 $0x60, s17  }
0x149: {  	[hbm4b:s21+s3] =	stream.linear.scatter [tilespmem:s19], [sflag:$0x3], $0x80, $0x38;
	[tilespmem:$0x1AE00] =	vst v63  }
0x14a: {  	s19 =	simm.s32 $0x107B8;
	s21 =	sadd.s32 $0x70, s17;
	s17 =	sadd.s32 $0x4000, s17  }
0x14b: {  	[hbm4b:s25+s3] =	stream.linear.scatter [tilespmem:s23], [sflag:$0x3], $0x80, $0x38;
	[tilespmem:$0x1AE00] =	vst v63  }
.LBB2_5:
0x14c: {  	[hbm4b:s21+s3] =	stream.linear.scatter [tilespmem:s19], [sflag:$0x3], $0x80, $0x38;
	[tilespmem:$0x1AE00] =	vst v63  }
0x14d: {  	s19 =	smov.u32 s16;
	s16 =	smov.u32 s18  }
0x14e: {  	s23 =	sadd.s32 $0x1100, s18;
	s16 =	sshra.s32 s16, $0x2;
	s21 =	sadd.s32 $0x10400, s19  }
0x14f: {  	[hbm4b:s17+s3] =	stream.linear.scatter [tilespmem:s21], [sflag:$0x3], $0x80, $0x38;
	[tilespmem:$0x1AE00] =	vst v63  }
0x150: {  	p1 =	sne.s32 s18, $0x14300;
	s18 =	sadd.s32 $0x10488, s19;
	s21 =	sadd.s32 $0x10, s17  }
0x151: {  	[hbm4b:s21+s3] =	stream.linear.scatter [tilespmem:s18], [sflag:$0x3], $0x80, $0x38;
	[tilespmem:$0x1AE00] =	vst v63  }
0x152: {  	s18 =	sadd.s32 $0x10510, s19;
	s21 =	sadd.s32 $0x20, s17  }
0x153: {  	[hbm4b:s21+s3] =	stream.linear.scatter [tilespmem:s18], [sflag:$0x3], $0x80, $0x38;
	[tilespmem:$0x1AE00] =	vst v63  }
0x154: {  	s18 =	sadd.s32 $0x10598, s19;
	s21 =	sadd.s32 $0x30, s17  }
0x155: {  	[hbm4b:s21+s3] =	stream.linear.scatter [tilespmem:s18], [sflag:$0x3], $0x80, $0x38;
	[tilespmem:$0x1AE00] =	vst v63  }
0x156: {  	s18 =	sadd.s32 $0x10620, s19;
	s21 =	sadd.s32 $0x40, s17  }
0x157: {  	[hbm4b:s21+s3] =	stream.linear.scatter [tilespmem:s18], [sflag:$0x3], $0x80, $0x38;
	[tilespmem:$0x1AE00] =	vst v63  }
.Ltmp3:
0x158: {  	s18 =	sadd.s32 $0x106A8, s19;
	s21 =	sadd.s32 $0x50, s17;
	(pc) =	sbr.rel @p1 .LBB2_5-.Ltmp3, $4  }
0x159: {  	[hbm4b:s21+s3] =	stream.linear.scatter [tilespmem:s18], [sflag:$0x3], $0x80, $0x38;
	[tilespmem:$0x1AE00] =	vst v63  }
0x15a: {  	s18 =	sadd.s32 $0x10730, s19;
	s21 =	sadd.s32 $0x60, s17;
	s19 =	sadd.s32 $0x107B8, s19  }
0x15b: {  	[hbm4b:s21+s3] =	stream.linear.scatter [tilespmem:s18], [sflag:$0x3], $0x80, $0x38;
	[tilespmem:$0x1AE00] =	vst v63  }
0x15c: {  	s21 =	sadd.s32 $0x70, s17;
	s17 =	sadd.s32 $0x4000, s17;
	s18 =	smov.u32 s23  }
0x15d: {  	[hbm4b:s21+s3] =	stream.linear.scatter [tilespmem:s19], [sflag:$0x3], $0x80, $0x38;
	[tilespmem:$0x1AE00] =	vst v63  }
0x15e: {  	s18 =	sadd.s32 $0x10400, s16  }
0x15f: {  	[hbm4b:s17+s3] =	stream.linear.scatter [tilespmem:s18], [sflag:$0x3], $0x80, $0x38;
	[tilespmem:$0x1AE00] =	vst v63  }
0x160: {  	s19 =	sadd.s32 $0x10488, s16;
	s21 =	sadd.s32 $0x10, s17  }
0x161: {  	[hbm4b:s21+s3] =	stream.linear.scatter [tilespmem:s19], [sflag:$0x3], $0x80, $0x38;
	[tilespmem:$0x1AE00] =	vst v63  }
0x162: {  	s23 =	sadd.s32 $0x10510, s16;
	s25 =	sadd.s32 $0x20, s17  }
0x163: {  	[hbm4b:s25+s3] =	stream.linear.scatter [tilespmem:s23], [sflag:$0x3], $0x80, $0x38;
	[tilespmem:$0x1AE00] =	vst v63  }
0x164: {  	p1 =	seq.s32 s13, $0x13;
	s19 =	sadd.s32 $0x10598, s16;
	s21 =	sadd.s32 $0x30, s17  }
0x165: {  	[hbm4b:s21+s3] =	stream.linear.scatter [tilespmem:s19], [sflag:$0x3], $0x80, $0x38;
	[tilespmem:$0x1AE00] =	vst v63  }
0x166: {  	s18 =	sadd.s32 @!p1 $0x2, s14;
	s23 =	sadd.s32 $0x10620, s16;
	s25 =	sadd.s32 $0x40, s17  }
0x167: {  	[hbm4b:s25+s3] =	stream.linear.scatter [tilespmem:s23], [sflag:$0x3], $0x80, $0x38;
	[tilespmem:$0x1AE00] =	vst v63  }
0x168: {  	s21 =	sadd.s32 $0x106A8, s16;
	s25 =	sadd.s32 $0x50, s17;
	s23 =	smulhi.u32 @!p1 $0x66666667, s18  }
0x169: {  	[hbm4b:s25+s3] =	stream.linear.scatter [tilespmem:s21], [sflag:$0x3], $0x80, $0x38;
	[tilespmem:$0x1AE00] =	vst v63  }
0x16a: {  	s19 =	sshrl.u32 @!p1 s23, $0x2  }
0x16b: {  	s21 =	sadd.s32 $0x10730, s16;
	s23 =	sadd.s32 $0x60, s17;
	s25 =	smul.u32 @!p1 $0xA, s19  }
0x16c: {  	[hbm4b:s23+s3] =	stream.linear.scatter [tilespmem:s21], [sflag:$0x3], $0x80, $0x38;
	[tilespmem:$0x1AE00] =	vst v63  }
0x16d: {  	s18 =	ssub.s32 @!p1 s18, s25  }
0x16e: {  	s21 =	sadd.s32 $0x70, s17;
	s25 =	sadd.s32 $0x107B8, s16;
	s18 =	smul.u32 @!p1 $0x2800, s18  }
0x16f: {  	[hbm4b:s21+s3] =	stream.linear.scatter [tilespmem:s25], [sflag:$0x3], $0x80, $0x38;
	[tilespmem:$0x1AE00] =	vst v63  }
0x170: {  	s16 =	sshll.u32 @!p1 s19, $0x7;
	s17 =	sshrl.u32 @!p1 s18, $0x2  }
0x171: {  	s18 =	simm.s32 @!p1 $0x6400;
	s16 =	sadd.s32 @!p1 s16, s17;
	s17 =	simm.s32 @!p1 $0x80  }
0x172: {  	[tilespmem:s18], [sflag:$0x1] =	stream.indirect.gather @!p1 [hbm4b:s4+s17], $0x20, s16, s17, $0xb8;
	[tilespmem:$0x1AE00] =	vst v63  }
0x173: {  	s19 =	simm.s32 @!p1 $0x7400;
	s18 =	sadd.s32 @!p1 $0x200, s16  }
0x174: {  	[tilespmem:s19], [sflag:$0x1] =	stream.indirect.gather @!p1 [hbm4b:s4+s17], $0x20, s18, s17, $0xb8;
	[tilespmem:$0x1AE00] =	vst v63  }
0x175: {  	s18 =	sadd.s32 @!p1 $0x400, s16;
	s19 =	simm.s32 @!p1 $0x8400  }
0x176: {  	[tilespmem:s19], [sflag:$0x1] =	stream.indirect.gather @!p1 [hbm4b:s4+s17], $0x20, s18, s17, $0xb8;
	[tilespmem:$0x1AE00] =	vst v63  }
0x177: {  	s18 =	sadd.s32 @!p1 $0x600, s16;
	s19 =	simm.s32 @!p1 $0x9400  }
0x178: {  	[tilespmem:s19], [sflag:$0x1] =	stream.indirect.gather @!p1 [hbm4b:s4+s17], $0x20, s18, s17, $0xb8;
	[tilespmem:$0x1AE00] =	vst v63  }
0x179: {  	s16 =	sadd.s32 @!p1 $0x800, s16;
	s18 =	simm.s32 @!p1 $0xA400  }
0x17a: {  	[tilespmem:s18], [sflag:$0x1] =	stream.indirect.gather @!p1 [hbm4b:s4+s17], $0x20, s16, s17, $0xb8;
	[tilespmem:$0x1AE00] =	vst v63  }
0x17b: {  	_ =	swait.ge [sflag:s1], $0x1000  }
0x17c: {  	[sflag:s1] =	ssyncset.done $0x0  }
0x17d: {  	[sflag:s1] =	ssyncadd.s32 $0xFFFFF000  }
0x17e: {  	_ =	swait.ge [sflag:s1], $0x1000  }
0x17f: {  	[sflag:s1] =	ssyncset.done $0x0  }
0x180: {  	[sflag:s1] =	ssyncadd.s32 $0xFFFFF000  }
0x181: {  	_ =	swait.ge [sflag:s1], $0x1000  }
0x182: {  	[sflag:s1] =	ssyncset.done $0x0  }
0x183: {  	[sflag:s1] =	ssyncadd.s32 $0xFFFFF000  }
0x184: {  	_ =	swait.ge [sflag:s1], $0x1000  }
0x185: {  	[sflag:s1] =	ssyncset.done $0x0  }
0x186: {  	[sflag:s1] =	ssyncadd.s32 $0xFFFFF000  }
0x187: {  	_ =	swait.ge [sflag:s1], $0x1000  }
0x188: {  	[sflag:s1] =	ssyncset.done $0x0  }
0x189: {  	s16 =	simm.s32 @!p0 $0x4;
	[sflag:s1] =	ssyncadd.s32 $0xFFFFF000  }
0x18a: {  	s23 =	simm.s32 $0x0;
	_ =	swait.ge @!p0 [sflag:s16], $0x5000  }
0x18b: {  	v10 =	vmov s23;
	[sflag:s16] =	ssyncset.done @!p0 $0x0  }
0x18c: {  	v10 =	vand.u32 $0x7C, v10;
	s17 =	simm.s32 $0x0;
	[sflag:s16] =	ssyncadd.s32 @!p0 $0xFFFFB000  }
0x18d: {  	v12 =	vadd.s32 v0, v10;
	v11 =	vld [tilespmem:s17+$0xB400]  }
0x18e: {  	v14 =	vadd.s32 v1, v10;
	v13 =	vld [tilespmem:s17+$0xB410];
	_ =	sdelay $0x3  }
0x18f: {  	[tilespmem:v12+s0+$0x0] =	vst.idx.msk $0xffff, v11  }
0x190: {  	[tilespmem:v14+s0+$0x0] =	vst.idx.msk $0xffff, v13  }
0x191: {  	v12 =	vadd.s32 v2, v10;
	v11 =	vld [tilespmem:s17+$0xC400]  }
0x192: {  	v14 =	vadd.s32 v3, v10;
	v13 =	vld [tilespmem:s17+$0xC410];
	_ =	sdelay $0x3  }
0x193: {  	[tilespmem:v12+s0+$0x0] =	vst.idx.msk $0xffff, v11  }
0x194: {  	[tilespmem:v14+s0+$0x0] =	vst.idx.msk $0xffff, v13  }
0x195: {  	v12 =	vadd.s32 v4, v10;
	v11 =	vld [tilespmem:s17+$0xD400]  }
0x196: {  	v14 =	vadd.s32 v5, v10;
	v13 =	vld [tilespmem:s17+$0xD410];
	_ =	sdelay $0x3  }
0x197: {  	[tilespmem:v12+s0+$0x0] =	vst.idx.msk $0xffff, v11  }
0x198: {  	[tilespmem:v14+s0+$0x0] =	vst.idx.msk $0xffff, v13  }
0x199: {  	v12 =	vadd.s32 v6, v10;
	v11 =	vld [tilespmem:s17+$0xE400]  }
0x19a: {  	v14 =	vadd.s32 v7, v10;
	v13 =	vld [tilespmem:s17+$0xE410];
	_ =	sdelay $0x3  }
0x19b: {  	[tilespmem:v12+s0+$0x0] =	vst.idx.msk $0xffff, v11  }
0x19c: {  	[tilespmem:v14+s0+$0x0] =	vst.idx.msk $0xffff, v13  }
0x19d: {  	v12 =	vadd.s32 v8, v10;
	v11 =	vld [tilespmem:s17+$0xF400]  }
0x19e: {  	v10 =	vadd.s32 v9, v10;
	v13 =	vld [tilespmem:s17+$0xF410];
	_ =	sdelay $0x2  }
0x19f: {  	s25 =	simm.s32 $0x1  }
0x1a0: {  	[tilespmem:v12+s0+$0x0] =	vst.idx.msk $0xffff, v11;
	v11 =	vmov s25  }
0x1a1: {  	[tilespmem:v10+s0+$0x0] =	vst.idx.msk $0xffff, v13;
	v10 =	vand.u32 $0x7D, v11  }
0x1a2: {  	v11 =	vld [tilespmem:s17+$0xB420];
	v12 =	vadd.s32 v0, v10  }
0x1a3: {  	v13 =	vld [tilespmem:s17+$0xB430];
	v14 =	vadd.s32 v1, v10;
	_ =	sdelay $0x3  }
0x1a4: {  	[tilespmem:v12+s0+$0x0] =	vst.idx.msk $0xffff, v11  }
0x1a5: {  	[tilespmem:v14+s0+$0x0] =	vst.idx.msk $0xffff, v13  }
0x1a6: {  	v12 =	vadd.s32 v2, v10;
	v11 =	vld [tilespmem:s17+$0xC420]  }
0x1a7: {  	v14 =	vadd.s32 v3, v10;
	v13 =	vld [tilespmem:s17+$0xC430];
	_ =	sdelay $0x3  }
0x1a8: {  	[tilespmem:v12+s0+$0x0] =	vst.idx.msk $0xffff, v11  }
0x1a9: {  	[tilespmem:v14+s0+$0x0] =	vst.idx.msk $0xffff, v13  }
0x1aa: {  	v12 =	vadd.s32 v4, v10;
	v11 =	vld [tilespmem:s17+$0xD420]  }
0x1ab: {  	v14 =	vadd.s32 v5, v10;
	v13 =	vld [tilespmem:s17+$0xD430];
	_ =	sdelay $0x3  }
0x1ac: {  	[tilespmem:v12+s0+$0x0] =	vst.idx.msk $0xffff, v11  }
0x1ad: {  	[tilespmem:v14+s0+$0x0] =	vst.idx.msk $0xffff, v13  }
0x1ae: {  	v12 =	vadd.s32 v6, v10;
	v11 =	vld [tilespmem:s17+$0xE420]  }
0x1af: {  	v14 =	vadd.s32 v7, v10;
	v13 =	vld [tilespmem:s17+$0xE430];
	_ =	sdelay $0x3  }
0x1b0: {  	[tilespmem:v12+s0+$0x0] =	vst.idx.msk $0xffff, v11  }
0x1b1: {  	[tilespmem:v14+s0+$0x0] =	vst.idx.msk $0xffff, v13  }
0x1b2: {  	v12 =	vadd.s32 v8, v10;
	v11 =	vld [tilespmem:s17+$0xF420]  }
0x1b3: {  	v10 =	vadd.s32 v9, v10;
	v13 =	vld [tilespmem:s17+$0xF430];
	_ =	sdelay $0x2  }
0x1b4: {  	s18 =	simm.s32 $0x2  }
0x1b5: {  	[tilespmem:v12+s0+$0x0] =	vst.idx.msk $0xffff, v11;
	v11 =	vmov s18  }
0x1b6: {  	[tilespmem:v10+s0+$0x0] =	vst.idx.msk $0xffff, v13;
	v10 =	vand.u32 $0x7E, v11  }
0x1b7: {  	v11 =	vld [tilespmem:s17+$0xB440];
	v12 =	vadd.s32 v0, v10  }
0x1b8: {  	v13 =	vld [tilespmem:s17+$0xB450];
	v14 =	vadd.s32 v1, v10;
	_ =	sdelay $0x3  }
0x1b9: {  	[tilespmem:v12+s0+$0x0] =	vst.idx.msk $0xffff, v11  }
0x1ba: {  	[tilespmem:v14+s0+$0x0] =	vst.idx.msk $0xffff, v13  }
0x1bb: {  	v12 =	vadd.s32 v2, v10;
	v11 =	vld [tilespmem:s17+$0xC440]  }
0x1bc: {  	v14 =	vadd.s32 v3, v10;
	v13 =	vld [tilespmem:s17+$0xC450];
	_ =	sdelay $0x3  }
0x1bd: {  	[tilespmem:v12+s0+$0x0] =	vst.idx.msk $0xffff, v11  }
0x1be: {  	[tilespmem:v14+s0+$0x0] =	vst.idx.msk $0xffff, v13  }
0x1bf: {  	v12 =	vadd.s32 v4, v10;
	v11 =	vld [tilespmem:s17+$0xD440]  }
0x1c0: {  	v14 =	vadd.s32 v5, v10;
	v13 =	vld [tilespmem:s17+$0xD450];
	_ =	sdelay $0x3  }
0x1c1: {  	[tilespmem:v12+s0+$0x0] =	vst.idx.msk $0xffff, v11  }
0x1c2: {  	[tilespmem:v14+s0+$0x0] =	vst.idx.msk $0xffff, v13  }
0x1c3: {  	v12 =	vadd.s32 v6, v10;
	v11 =	vld [tilespmem:s17+$0xE440]  }
0x1c4: {  	v14 =	vadd.s32 v7, v10;
	v13 =	vld [tilespmem:s17+$0xE450];
	_ =	sdelay $0x3  }
0x1c5: {  	[tilespmem:v12+s0+$0x0] =	vst.idx.msk $0xffff, v11  }
0x1c6: {  	[tilespmem:v14+s0+$0x0] =	vst.idx.msk $0xffff, v13  }
0x1c7: {  	v12 =	vadd.s32 v8, v10;
	v11 =	vld [tilespmem:s17+$0xF440]  }
0x1c8: {  	v10 =	vadd.s32 v9, v10;
	v13 =	vld [tilespmem:s17+$0xF450];
	_ =	sdelay $0x2  }
0x1c9: {  	s19 =	simm.s32 $0x3  }
0x1ca: {  	[tilespmem:v12+s0+$0x0] =	vst.idx.msk $0xffff, v11;
	v11 =	vmov s19  }
0x1cb: {  	[tilespmem:v10+s0+$0x0] =	vst.idx.msk $0xffff, v13;
	v11 =	vand.u32 $0x7F, v11  }
0x1cc: {  	v10 =	vld [tilespmem:s17+$0xB460];
	v12 =	vadd.s32 v0, v11  }
0x1cd: {  	v13 =	vld [tilespmem:s17+$0xB470];
	v14 =	vadd.s32 v1, v11;
	_ =	sdelay $0x3  }
0x1ce: {  	[tilespmem:v12+s0+$0x0] =	vst.idx.msk $0xffff, v10  }
0x1cf: {  	[tilespmem:v14+s0+$0x0] =	vst.idx.msk $0xffff, v13  }
0x1d0: {  	v12 =	vadd.s32 v2, v11;
	v10 =	vld [tilespmem:s17+$0xC460]  }
0x1d1: {  	v14 =	vadd.s32 v3, v11;
	v13 =	vld [tilespmem:s17+$0xC470];
	_ =	sdelay $0x3  }
0x1d2: {  	[tilespmem:v12+s0+$0x0] =	vst.idx.msk $0xffff, v10  }
0x1d3: {  	[tilespmem:v14+s0+$0x0] =	vst.idx.msk $0xffff, v13  }
0x1d4: {  	v12 =	vadd.s32 v4, v11;
	v10 =	vld [tilespmem:s17+$0xD460]  }
0x1d5: {  	v14 =	vadd.s32 v5, v11;
	v13 =	vld [tilespmem:s17+$0xD470];
	_ =	sdelay $0x3  }
0x1d6: {  	[tilespmem:v12+s0+$0x0] =	vst.idx.msk $0xffff, v10  }
0x1d7: {  	[tilespmem:v14+s0+$0x0] =	vst.idx.msk $0xffff, v13  }
0x1d8: {  	v12 =	vadd.s32 v6, v11;
	v10 =	vld [tilespmem:s17+$0xE460]  }
0x1d9: {  	v14 =	vadd.s32 v7, v11;
	v13 =	vld [tilespmem:s17+$0xE470];
	_ =	sdelay $0x3  }
0x1da: {  	s21 =	sor.u32 $0x1, s14;
	[tilespmem:v12+s0+$0x0] =	vst.idx.msk $0xffff, v10  }
0x1db: {  	s23 =	smulhi.u32 $0x66666667, s21;
	[tilespmem:v14+s0+$0x0] =	vst.idx.msk $0xffff, v13  }
0x1dc: {  	v14 =	vadd.s32 v8, v11;
	v13 =	vld [tilespmem:s17+$0xF460]  }
0x1dd: {  	s18 =	sshrl.u32 s23, $0x2;
	v11 =	vadd.s32 v9, v11;
	v10 =	vld [tilespmem:s17+$0xF470]  }
0x1de: {  	s18 =	smul.u32 $0xA, s18;
	_ =	sdelay $0x1  }
0x1df: {  	s25 =	simm.s32 $0x4;
	s16 =	ssub.s32 s21, s18  }
0x1e0: {  	s18 =	simm.s32 $0x7;
	s19 =	simm.s32 $0x400;
	v12 =	vmov s25;
	s17 =	simm.s32 $0x80;
	[tilespmem:v14+s0+$0x0] =	vst.idx.msk $0xffff, v13  }
.LBB2_7:
0x1e1: {  	s21 =	sshra.s32 s19, $0x2;
	p0 =	sne.s32 s19, $0x3E00;
	s19 =	sadd.s32 $0x200, s19;
	v12 =	vand.u32 $0x7C, v12;
	[tilespmem:v11+s0+$0x0] =	vst.idx.msk $0xffff, v10  }
0x1e2: {  	v10 =	vld [tilespmem:s17+$0xB400];
	v11 =	vadd.s32 v0, v12  }
0x1e3: {  	v14 =	vadd.s32 v1, v12;
	v13 =	vld [tilespmem:s17+$0xB410];
	_ =	sdelay $0x3  }
0x1e4: {  	[tilespmem:v11+s0+$0x0] =	vst.idx.msk $0xffff, v10  }
0x1e5: {  	[tilespmem:v14+s0+$0x0] =	vst.idx.msk $0xffff, v13  }
0x1e6: {  	v11 =	vadd.s32 v2, v12;
	v10 =	vld [tilespmem:s17+$0xC400]  }
0x1e7: {  	v14 =	vadd.s32 v3, v12;
	v13 =	vld [tilespmem:s17+$0xC410];
	_ =	sdelay $0x3  }
0x1e8: {  	[tilespmem:v11+s0+$0x0] =	vst.idx.msk $0xffff, v10  }
0x1e9: {  	[tilespmem:v14+s0+$0x0] =	vst.idx.msk $0xffff, v13  }
0x1ea: {  	v11 =	vadd.s32 v4, v12;
	v10 =	vld [tilespmem:s17+$0xD400]  }
0x1eb: {  	v14 =	vadd.s32 v5, v12;
	v13 =	vld [tilespmem:s17+$0xD410];
	_ =	sdelay $0x3  }
0x1ec: {  	[tilespmem:v11+s0+$0x0] =	vst.idx.msk $0xffff, v10  }
0x1ed: {  	[tilespmem:v14+s0+$0x0] =	vst.idx.msk $0xffff, v13  }
0x1ee: {  	v11 =	vadd.s32 v6, v12;
	v10 =	vld [tilespmem:s17+$0xE400]  }
0x1ef: {  	v14 =	vadd.s32 v7, v12;
	v13 =	vld [tilespmem:s17+$0xE410];
	_ =	sdelay $0x3  }
0x1f0: {  	[tilespmem:v11+s0+$0x0] =	vst.idx.msk $0xffff, v10  }
0x1f1: {  	[tilespmem:v14+s0+$0x0] =	vst.idx.msk $0xffff, v13  }
0x1f2: {  	v11 =	vadd.s32 v8, v12;
	v10 =	vld [tilespmem:s17+$0xF400]  }
0x1f3: {  	v12 =	vadd.s32 v9, v12;
	v13 =	vld [tilespmem:s17+$0xF410];
	_ =	sdelay $0x2  }
0x1f4: {  	s23 =	sadd.s32 $0xFFFFFFFE, s18  }
0x1f5: {  	[tilespmem:v11+s0+$0x0] =	vst.idx.msk $0xffff, v10;
	v10 =	vmov s23  }
0x1f6: {  	[tilespmem:v12+s0+$0x0] =	vst.idx.msk $0xffff, v13;
	v10 =	vand.u32 $0x7D, v10  }
0x1f7: {  	v11 =	vld [tilespmem:s17+$0xB420];
	v12 =	vadd.s32 v0, v10  }
0x1f8: {  	v14 =	vadd.s32 v1, v10;
	v13 =	vld [tilespmem:s17+$0xB430];
	_ =	sdelay $0x3  }
0x1f9: {  	[tilespmem:v12+s0+$0x0] =	vst.idx.msk $0xffff, v11  }
0x1fa: {  	[tilespmem:v14+s0+$0x0] =	vst.idx.msk $0xffff, v13  }
0x1fb: {  	v12 =	vadd.s32 v2, v10;
	v11 =	vld [tilespmem:s17+$0xC420]  }
0x1fc: {  	v14 =	vadd.s32 v3, v10;
	v13 =	vld [tilespmem:s17+$0xC430];
	_ =	sdelay $0x3  }
0x1fd: {  	[tilespmem:v12+s0+$0x0] =	vst.idx.msk $0xffff, v11  }
0x1fe: {  	[tilespmem:v14+s0+$0x0] =	vst.idx.msk $0xffff, v13  }
0x1ff: {  	v12 =	vadd.s32 v4, v10;
	v11 =	vld [tilespmem:s17+$0xD420]  }
0x200: {  	v14 =	vadd.s32 v5, v10;
	v13 =	vld [tilespmem:s17+$0xD430];
	_ =	sdelay $0x3  }
0x201: {  	[tilespmem:v12+s0+$0x0] =	vst.idx.msk $0xffff, v11  }
0x202: {  	[tilespmem:v14+s0+$0x0] =	vst.idx.msk $0xffff, v13  }
0x203: {  	v12 =	vadd.s32 v6, v10;
	v11 =	vld [tilespmem:s17+$0xE420]  }
0x204: {  	v14 =	vadd.s32 v7, v10;
	v13 =	vld [tilespmem:s17+$0xE430];
	_ =	sdelay $0x3  }
0x205: {  	[tilespmem:v12+s0+$0x0] =	vst.idx.msk $0xffff, v11  }
0x206: {  	[tilespmem:v14+s0+$0x0] =	vst.idx.msk $0xffff, v13  }
0x207: {  	v12 =	vadd.s32 v8, v10;
	v11 =	vld [tilespmem:s17+$0xF420]  }
0x208: {  	v10 =	vadd.s32 v9, v10;
	v13 =	vld [tilespmem:s17+$0xF430];
	_ =	sdelay $0x2  }
0x209: {  	s23 =	sadd.s32 $0xFFFFFFFF, s18  }
0x20a: {  	[tilespmem:v12+s0+$0x0] =	vst.idx.msk $0xffff, v11;
	v11 =	vmov s23  }
0x20b: {  	[tilespmem:v10+s0+$0x0] =	vst.idx.msk $0xffff, v13;
	v10 =	vand.u32 $0x7E, v11  }
0x20c: {  	v11 =	vld [tilespmem:s17+$0xB440];
	v12 =	vadd.s32 v0, v10  }
0x20d: {  	v14 =	vadd.s32 v1, v10;
	v13 =	vld [tilespmem:s17+$0xB450];
	_ =	sdelay $0x3  }
0x20e: {  	[tilespmem:v12+s0+$0x0] =	vst.idx.msk $0xffff, v11  }
0x20f: {  	[tilespmem:v14+s0+$0x0] =	vst.idx.msk $0xffff, v13  }
0x210: {  	v12 =	vadd.s32 v2, v10;
	v11 =	vld [tilespmem:s17+$0xC440]  }
0x211: {  	v14 =	vadd.s32 v3, v10;
	v13 =	vld [tilespmem:s17+$0xC450];
	_ =	sdelay $0x3  }
0x212: {  	[tilespmem:v12+s0+$0x0] =	vst.idx.msk $0xffff, v11  }
0x213: {  	[tilespmem:v14+s0+$0x0] =	vst.idx.msk $0xffff, v13  }
0x214: {  	v12 =	vadd.s32 v4, v10;
	v11 =	vld [tilespmem:s17+$0xD440]  }
0x215: {  	v14 =	vadd.s32 v5, v10;
	v13 =	vld [tilespmem:s17+$0xD450];
	_ =	sdelay $0x3  }
0x216: {  	[tilespmem:v12+s0+$0x0] =	vst.idx.msk $0xffff, v11  }
0x217: {  	[tilespmem:v14+s0+$0x0] =	vst.idx.msk $0xffff, v13  }
0x218: {  	v12 =	vadd.s32 v6, v10;
	v11 =	vld [tilespmem:s17+$0xE440]  }
0x219: {  	v14 =	vadd.s32 v7, v10;
	v13 =	vld [tilespmem:s17+$0xE450];
	_ =	sdelay $0x3  }
0x21a: {  	[tilespmem:v12+s0+$0x0] =	vst.idx.msk $0xffff, v11  }
0x21b: {  	[tilespmem:v14+s0+$0x0] =	vst.idx.msk $0xffff, v13  }
0x21c: {  	v12 =	vadd.s32 v8, v10;
	v11 =	vld [tilespmem:s17+$0xF440]  }
0x21d: {  	v10 =	vadd.s32 v9, v10;
	v13 =	vld [tilespmem:s17+$0xF450];
	_ =	sdelay $0x3  }
0x21e: {  	[tilespmem:v12+s0+$0x0] =	vst.idx.msk $0xffff, v11;
	v11 =	vmov s18  }
0x21f: {  	[tilespmem:v10+s0+$0x0] =	vst.idx.msk $0xffff, v13;
	v11 =	vand.u32 $0x7F, v11  }
0x220: {  	v10 =	vld [tilespmem:s17+$0xB460];
	v12 =	vadd.s32 v0, v11  }
0x221: {  	v14 =	vadd.s32 v1, v11;
	v13 =	vld [tilespmem:s17+$0xB470];
	_ =	sdelay $0x3  }
0x222: {  	[tilespmem:v12+s0+$0x0] =	vst.idx.msk $0xffff, v10  }
0x223: {  	[tilespmem:v14+s0+$0x0] =	vst.idx.msk $0xffff, v13  }
0x224: {  	v12 =	vadd.s32 v2, v11;
	v10 =	vld [tilespmem:s17+$0xC460]  }
0x225: {  	v14 =	vadd.s32 v3, v11;
	v13 =	vld [tilespmem:s17+$0xC470];
	_ =	sdelay $0x3  }
0x226: {  	[tilespmem:v12+s0+$0x0] =	vst.idx.msk $0xffff, v10  }
0x227: {  	[tilespmem:v14+s0+$0x0] =	vst.idx.msk $0xffff, v13  }
0x228: {  	v12 =	vadd.s32 v4, v11;
	v10 =	vld [tilespmem:s17+$0xD460]  }
0x229: {  	v14 =	vadd.s32 v5, v11;
	v13 =	vld [tilespmem:s17+$0xD470];
	_ =	sdelay $0x3  }
0x22a: {  	[tilespmem:v12+s0+$0x0] =	vst.idx.msk $0xffff, v10  }
0x22b: {  	[tilespmem:v14+s0+$0x0] =	vst.idx.msk $0xffff, v13  }
0x22c: {  	v12 =	vadd.s32 v6, v11;
	v10 =	vld [tilespmem:s17+$0xE460]  }
0x22d: {  	v14 =	vadd.s32 v7, v11;
	v13 =	vld [tilespmem:s17+$0xE470];
	_ =	sdelay $0x3  }
0x22e: {  	[tilespmem:v12+s0+$0x0] =	vst.idx.msk $0xffff, v10  }
0x22f: {  	[tilespmem:v14+s0+$0x0] =	vst.idx.msk $0xffff, v13  }
0x230: {  	v14 =	vadd.s32 v8, v11;
	v13 =	vld [tilespmem:s17+$0xF460]  }
.Ltmp4:
0x231: {  	v11 =	vadd.s32 v9, v11;
	v10 =	vld [tilespmem:s17+$0xF470];
	s17 =	smov.u32 s21;
	(pc) =	sbr.rel @p0 .LBB2_7-.Ltmp4, $4  }
0x232: {  	_ = 	snop  }
0x233: {  	s18 =	sadd.s32 $0x4, s18  }
0x234: {  	s21 =	sadd.s32 $0xFFFFFFFD, s18  }
0x235: {  	v12 =	vmov s21;
	[tilespmem:v14+s0+$0x0] =	vst.idx.msk $0xffff, v13  }
0x236: {  	_ =	sdelay $0x3  }
0x237: {  	v12 =	vand.u32 $0x7C, v12;
	[tilespmem:v11+s0+$0x0] =	vst.idx.msk $0xffff, v10  }
0x238: {  	v10 =	vld [tilespmem:s17+$0xB400];
	v11 =	vadd.s32 v0, v12  }
0x239: {  	v13 =	vld [tilespmem:s17+$0xB410];
	v14 =	vadd.s32 v1, v12;
	_ =	sdelay $0x3  }
0x23a: {  	[tilespmem:v11+s0+$0x0] =	vst.idx.msk $0xffff, v10  }
0x23b: {  	[tilespmem:v14+s0+$0x0] =	vst.idx.msk $0xffff, v13  }
0x23c: {  	v11 =	vadd.s32 v2, v12;
	v10 =	vld [tilespmem:s17+$0xC400]  }
0x23d: {  	v34 =	vadd.s32 v3, v12;
	v13 =	vld [tilespmem:s17+$0xC410];
	_ =	sdelay $0x3  }
0x23e: {  	[tilespmem:v11+s0+$0x0] =	vst.idx.msk $0xffff, v10  }
0x23f: {  	[tilespmem:v34+s0+$0x0] =	vst.idx.msk $0xffff, v13  }
0x240: {  	v11 =	vadd.s32 v4, v12;
	v10 =	vld [tilespmem:s17+$0xD400]  }
0x241: {  	v35 =	vadd.s32 v5, v12;
	v13 =	vld [tilespmem:s17+$0xD410];
	_ =	sdelay $0x3  }
0x242: {  	[tilespmem:v11+s0+$0x0] =	vst.idx.msk $0xffff, v10  }
0x243: {  	[tilespmem:v35+s0+$0x0] =	vst.idx.msk $0xffff, v13  }
0x244: {  	v11 =	vadd.s32 v6, v12;
	v10 =	vld [tilespmem:s17+$0xE400]  }
0x245: {  	v36 =	vadd.s32 v7, v12;
	v13 =	vld [tilespmem:s17+$0xE410];
	_ =	sdelay $0x3  }
0x246: {  	[tilespmem:v11+s0+$0x0] =	vst.idx.msk $0xffff, v10  }
0x247: {  	[tilespmem:v36+s0+$0x0] =	vst.idx.msk $0xffff, v13  }
0x248: {  	v11 =	vadd.s32 v8, v12;
	v10 =	vld [tilespmem:s17+$0xF400]  }
0x249: {  	v12 =	vadd.s32 v9, v12;
	v13 =	vld [tilespmem:s17+$0xF410];
	_ =	sdelay $0x2  }
0x24a: {  	s19 =	sadd.s32 $0xFFFFFFFE, s18  }
0x24b: {  	[tilespmem:v11+s0+$0x0] =	vst.idx.msk $0xffff, v10;
	v10 =	vmov s19  }
0x24c: {  	[tilespmem:v12+s0+$0x0] =	vst.idx.msk $0xffff, v13;
	v10 =	vand.u32 $0x7D, v10  }
0x24d: {  	v11 =	vld [tilespmem:s17+$0xB420];
	v37 =	vadd.s32 v0, v10  }
0x24e: {  	v13 =	vld [tilespmem:s17+$0xB430];
	v38 =	vadd.s32 v1, v10;
	_ =	sdelay $0x3  }
0x24f: {  	[tilespmem:v37+s0+$0x0] =	vst.idx.msk $0xffff, v11  }
0x250: {  	[tilespmem:v38+s0+$0x0] =	vst.idx.msk $0xffff, v13  }
0x251: {  	v39 =	vadd.s32 v2, v10;
	v11 =	vld [tilespmem:s17+$0xC420]  }
0x252: {  	v40 =	vadd.s32 v3, v10;
	v13 =	vld [tilespmem:s17+$0xC430];
	_ =	sdelay $0x3  }
0x253: {  	[tilespmem:v39+s0+$0x0] =	vst.idx.msk $0xffff, v11  }
0x254: {  	[tilespmem:v40+s0+$0x0] =	vst.idx.msk $0xffff, v13  }
0x255: {  	v41 =	vadd.s32 v4, v10;
	v11 =	vld [tilespmem:s17+$0xD420]  }
0x256: {  	v42 =	vadd.s32 v5, v10;
	v13 =	vld [tilespmem:s17+$0xD430];
	_ =	sdelay $0x3  }
0x257: {  	[tilespmem:v41+s0+$0x0] =	vst.idx.msk $0xffff, v11  }
0x258: {  	[tilespmem:v42+s0+$0x0] =	vst.idx.msk $0xffff, v13  }
0x259: {  	v43 =	vadd.s32 v6, v10;
	v11 =	vld [tilespmem:s17+$0xE420]  }
0x25a: {  	v44 =	vadd.s32 v7, v10;
	v13 =	vld [tilespmem:s17+$0xE430];
	_ =	sdelay $0x3  }
0x25b: {  	[tilespmem:v43+s0+$0x0] =	vst.idx.msk $0xffff, v11  }
0x25c: {  	[tilespmem:v44+s0+$0x0] =	vst.idx.msk $0xffff, v13  }
0x25d: {  	v45 =	vadd.s32 v8, v10;
	v11 =	vld [tilespmem:s17+$0xF420]  }
0x25e: {  	v10 =	vadd.s32 v9, v10;
	v13 =	vld [tilespmem:s17+$0xF430];
	_ =	sdelay $0x2  }
0x25f: {  	s23 =	sadd.s32 $0xFFFFFFFF, s18  }
0x260: {  	[tilespmem:v45+s0+$0x0] =	vst.idx.msk $0xffff, v11;
	v11 =	vmov s23  }
0x261: {  	[tilespmem:v10+s0+$0x0] =	vst.idx.msk $0xffff, v13;
	v10 =	vand.u32 $0x7E, v11  }
0x262: {  	v11 =	vld [tilespmem:s17+$0xB440];
	v46 =	vadd.s32 v0, v10  }
0x263: {  	v13 =	vld [tilespmem:s17+$0xB450];
	v47 =	vadd.s32 v1, v10;
	_ =	sdelay $0x3  }
0x264: {  	[tilespmem:v46+s0+$0x0] =	vst.idx.msk $0xffff, v11  }
0x265: {  	[tilespmem:v47+s0+$0x0] =	vst.idx.msk $0xffff, v13  }
0x266: {  	v48 =	vadd.s32 v2, v10;
	v11 =	vld [tilespmem:s17+$0xC440]  }
0x267: {  	v49 =	vadd.s32 v3, v10;
	v13 =	vld [tilespmem:s17+$0xC450];
	_ =	sdelay $0x3  }
0x268: {  	[tilespmem:v48+s0+$0x0] =	vst.idx.msk $0xffff, v11  }
0x269: {  	[tilespmem:v49+s0+$0x0] =	vst.idx.msk $0xffff, v13  }
0x26a: {  	v50 =	vadd.s32 v4, v10;
	v11 =	vld [tilespmem:s17+$0xD440]  }
0x26b: {  	v51 =	vadd.s32 v5, v10;
	v13 =	vld [tilespmem:s17+$0xD450];
	_ =	sdelay $0x3  }
0x26c: {  	[tilespmem:v50+s0+$0x0] =	vst.idx.msk $0xffff, v11  }
0x26d: {  	[tilespmem:v51+s0+$0x0] =	vst.idx.msk $0xffff, v13  }
0x26e: {  	v52 =	vadd.s32 v6, v10;
	v11 =	vld [tilespmem:s17+$0xE440]  }
0x26f: {  	v53 =	vadd.s32 v7, v10;
	v13 =	vld [tilespmem:s17+$0xE450];
	_ =	sdelay $0x3  }
0x270: {  	[tilespmem:v52+s0+$0x0] =	vst.idx.msk $0xffff, v11  }
0x271: {  	[tilespmem:v53+s0+$0x0] =	vst.idx.msk $0xffff, v13  }
0x272: {  	v54 =	vadd.s32 v8, v10;
	v11 =	vld [tilespmem:s17+$0xF440]  }
0x273: {  	v10 =	vadd.s32 v9, v10;
	v13 =	vld [tilespmem:s17+$0xF450];
	_ =	sdelay $0x3  }
0x274: {  	[tilespmem:v54+s0+$0x0] =	vst.idx.msk $0xffff, v11;
	v11 =	vmov s18  }
0x275: {  	[tilespmem:v10+s0+$0x0] =	vst.idx.msk $0xffff, v13;
	v10 =	vand.u32 $0x7F, v11  }
0x276: {  	v11 =	vld [tilespmem:s17+$0xB460];
	v55 =	vadd.s32 v0, v10  }
0x277: {  	v13 =	vld [tilespmem:s17+$0xB470];
	v56 =	vadd.s32 v1, v10;
	_ =	sdelay $0x3  }
0x278: {  	[tilespmem:v55+s0+$0x0] =	vst.idx.msk $0xffff, v11  }
0x279: {  	[tilespmem:v56+s0+$0x0] =	vst.idx.msk $0xffff, v13  }
0x27a: {  	v57 =	vadd.s32 v2, v10;
	v11 =	vld [tilespmem:s17+$0xC460]  }
0x27b: {  	v58 =	vadd.s32 v3, v10;
	v13 =	vld [tilespmem:s17+$0xC470];
	_ =	sdelay $0x3  }
0x27c: {  	[tilespmem:v57+s0+$0x0] =	vst.idx.msk $0xffff, v11  }
0x27d: {  	[tilespmem:v58+s0+$0x0] =	vst.idx.msk $0xffff, v13  }
0x27e: {  	v59 =	vadd.s32 v4, v10;
	v11 =	vld [tilespmem:s17+$0xD460]  }
0x27f: {  	v60 =	vadd.s32 v5, v10;
	v13 =	vld [tilespmem:s17+$0xD470];
	_ =	sdelay $0x3  }
0x280: {  	[tilespmem:v59+s0+$0x0] =	vst.idx.msk $0xffff, v11  }
0x281: {  	[tilespmem:v60+s0+$0x0] =	vst.idx.msk $0xffff, v13  }
0x282: {  	v61 =	vadd.s32 v6, v10;
	v11 =	vld [tilespmem:s17+$0xE460]  }
0x283: {  	v62 =	vadd.s32 v7, v10;
	v13 =	vld [tilespmem:s17+$0xE470];
	_ =	sdelay $0x3  }
0x284: {  	[tilespmem:v61+s0+$0x0] =	vst.idx.msk $0xffff, v11  }
0x285: {  	[tilespmem:v62+s0+$0x0] =	vst.idx.msk $0xffff, v13  }
0x286: {  	v63 =	vadd.s32 v8, v10;
	v11 =	vld [tilespmem:s17+$0xF460]  }
0x287: {  	v10 =	vadd.s32 v9, v10;
	v13 =	vld [tilespmem:s17+$0xF470]  }
0x288: {  	s16 =	smul.u32 $0x280000, s16;
	_ =	sdelay $0x1  }
0x289: {  	s15 =	sor.u32 s16, s15  }
0x28a: {  	s15 =	sshrl.u32 s15, $0x3;
	[tilespmem:v63+s0+$0x0] =	vst.idx.msk $0xffff, v11  }
0x28b: {  	s25 =	simm.s32 $0x15900;
	s16 =	sadd.s32 s2, s15;
	[tilespmem:v10+s0+$0x0] =	vst.idx.msk $0xffff, v13  }
0x28c: {  	[hbm4b:s16+s3] =	stream.linear.scatter [tilespmem:s25], [sflag:$0x4], $0x80, $0x38;
	[tilespmem:$0x1AE00] =	vst v63  }
0x28d: {  	s18 =	sadd.s32 $0x10, s16;
	s17 =	simm.s32 $0x15988  }
0x28e: {  	[hbm4b:s18+s3] =	stream.linear.scatter [tilespmem:s17], [sflag:$0x4], $0x80, $0x38;
	[tilespmem:$0x1AE00] =	vst v63  }
0x28f: {  	s15 =	simm.s32 $0x440;
	s21 =	sadd.s32 $0x20, s16;
	s19 =	simm.s32 $0x15A10  }
0x290: {  	[hbm4b:s21+s3] =	stream.linear.scatter [tilespmem:s19], [sflag:$0x4], $0x80, $0x38;
	[tilespmem:$0x1AE00] =	vst v63  }
0x291: {  	s23 =	simm.s32 $0x15A98;
	s25 =	sadd.s32 $0x30, s16;
	s17 =	simm.s32 $0x15B20  }
0x292: {  	[hbm4b:s25+s3] =	stream.linear.scatter [tilespmem:s23], [sflag:$0x4], $0x80, $0x38;
	[tilespmem:$0x1AE00] =	vst v63  }
0x293: {  	s18 =	sadd.s32 $0x40, s16;
	s19 =	simm.s32 $0x15BA8;
	s21 =	sadd.s32 $0x50, s16  }
0x294: {  	[hbm4b:s18+s3] =	stream.linear.scatter [tilespmem:s17], [sflag:$0x4], $0x80, $0x38;
	[tilespmem:$0x1AE00] =	vst v63  }
0x295: {  	s23 =	simm.s32 $0x15C30;
	s25 =	sadd.s32 $0x60, s16;
	s17 =	simm.s32 $0x2200  }
0x296: {  	[hbm4b:s21+s3] =	stream.linear.scatter [tilespmem:s19], [sflag:$0x4], $0x80, $0x38;
	[tilespmem:$0x1AE00] =	vst v63  }
0x297: {  	s18 =	simm.s32 $0x15CB8;
	s19 =	sadd.s32 $0x70, s16;
	s16 =	sadd.s32 $0x4000, s16  }
0x298: {  	[hbm4b:s25+s3] =	stream.linear.scatter [tilespmem:s23], [sflag:$0x4], $0x80, $0x38;
	[tilespmem:$0x1AE00] =	vst v63  }
.LBB2_9:
0x299: {  	[hbm4b:s19+s3] =	stream.linear.scatter [tilespmem:s18], [sflag:$0x4], $0x80, $0x38;
	[tilespmem:$0x1AE00] =	vst v63  }
0x29a: {  	s18 =	smov.u32 s15;
	s15 =	smov.u32 s17  }
0x29b: {  	s21 =	sadd.s32 $0x1100, s17;
	s15 =	sshra.s32 s15, $0x2;
	s19 =	sadd.s32 $0x15900, s18  }
0x29c: {  	[hbm4b:s16+s3] =	stream.linear.scatter [tilespmem:s19], [sflag:$0x4], $0x80, $0x38;
	[tilespmem:$0x1AE00] =	vst v63  }
0x29d: {  	p0 =	sne.s32 s17, $0x14300;
	s17 =	sadd.s32 $0x15988, s18;
	s19 =	sadd.s32 $0x10, s16  }
0x29e: {  	[hbm4b:s19+s3] =	stream.linear.scatter [tilespmem:s17], [sflag:$0x4], $0x80, $0x38;
	[tilespmem:$0x1AE00] =	vst v63  }
0x29f: {  	s17 =	sadd.s32 $0x15A10, s18;
	s19 =	sadd.s32 $0x20, s16  }
0x2a0: {  	[hbm4b:s19+s3] =	stream.linear.scatter [tilespmem:s17], [sflag:$0x4], $0x80, $0x38;
	[tilespmem:$0x1AE00] =	vst v63  }
0x2a1: {  	s17 =	sadd.s32 $0x15A98, s18;
	s19 =	sadd.s32 $0x30, s16  }
0x2a2: {  	[hbm4b:s19+s3] =	stream.linear.scatter [tilespmem:s17], [sflag:$0x4], $0x80, $0x38;
	[tilespmem:$0x1AE00] =	vst v63  }
0x2a3: {  	s17 =	sadd.s32 $0x15B20, s18;
	s19 =	sadd.s32 $0x40, s16  }
0x2a4: {  	[hbm4b:s19+s3] =	stream.linear.scatter [tilespmem:s17], [sflag:$0x4], $0x80, $0x38;
	[tilespmem:$0x1AE00] =	vst v63  }
.Ltmp5:
0x2a5: {  	s17 =	sadd.s32 $0x15BA8, s18;
	s19 =	sadd.s32 $0x50, s16;
	(pc) =	sbr.rel @p0 .LBB2_9-.Ltmp5, $4  }
0x2a6: {  	[hbm4b:s19+s3] =	stream.linear.scatter [tilespmem:s17], [sflag:$0x4], $0x80, $0x38;
	[tilespmem:$0x1AE00] =	vst v63  }
0x2a7: {  	s17 =	sadd.s32 $0x15C30, s18;
	s19 =	sadd.s32 $0x60, s16;
	s18 =	sadd.s32 $0x15CB8, s18  }
0x2a8: {  	[hbm4b:s19+s3] =	stream.linear.scatter [tilespmem:s17], [sflag:$0x4], $0x80, $0x38;
	[tilespmem:$0x1AE00] =	vst v63  }
0x2a9: {  	s19 =	sadd.s32 $0x70, s16;
	s16 =	sadd.s32 $0x4000, s16;
	s17 =	smov.u32 s21  }
0x2aa: {  	[hbm4b:s19+s3] =	stream.linear.scatter [tilespmem:s18], [sflag:$0x4], $0x80, $0x38;
	[tilespmem:$0x1AE00] =	vst v63  }
0x2ab: {  	s17 =	sadd.s32 $0x15900, s15  }
0x2ac: {  	[hbm4b:s16+s3] =	stream.linear.scatter [tilespmem:s17], [sflag:$0x4], $0x80, $0x38;
	[tilespmem:$0x1AE00] =	vst v63  }
0x2ad: {  	s23 =	sadd.s32 $0x15988, s15;
	s25 =	sadd.s32 $0x10, s16  }
0x2ae: {  	[hbm4b:s25+s3] =	stream.linear.scatter [tilespmem:s23], [sflag:$0x4], $0x80, $0x38;
	[tilespmem:$0x1AE00] =	vst v63  }
0x2af: {  	s19 =	sadd.s32 $0x15A10, s15;
	s21 =	sadd.s32 $0x20, s16  }
0x2b0: {  	[hbm4b:s21+s3] =	stream.linear.scatter [tilespmem:s19], [sflag:$0x4], $0x80, $0x38;
	[tilespmem:$0x1AE00] =	vst v63  }
0x2b1: {  	s23 =	sadd.s32 $0x15A98, s15;
	s25 =	sadd.s32 $0x30, s16  }
0x2b2: {  	[hbm4b:s25+s3] =	stream.linear.scatter [tilespmem:s23], [sflag:$0x4], $0x80, $0x38;
	[tilespmem:$0x1AE00] =	vst v63  }
0x2b3: {  	s19 =	sadd.s32 $0x15B20, s15;
	s21 =	sadd.s32 $0x40, s16  }
0x2b4: {  	[hbm4b:s21+s3] =	stream.linear.scatter [tilespmem:s19], [sflag:$0x4], $0x80, $0x38;
	[tilespmem:$0x1AE00] =	vst v63  }
0x2b5: {  	s23 =	sadd.s32 $0x15BA8, s15;
	s25 =	sadd.s32 $0x50, s16  }
0x2b6: {  	[hbm4b:s25+s3] =	stream.linear.scatter [tilespmem:s23], [sflag:$0x4], $0x80, $0x38;
	[tilespmem:$0x1AE00] =	vst v63  }
.Ltmp6:
0x2b7: {  	_ = 	snop;
	(pc) =	sbr.rel @p1 .LBB2_12-.Ltmp6, $4  }
0x2b8: {  	s19 =	sadd.s32 $0x15C30, s15;
	s21 =	sadd.s32 $0x60, s16  }
0x2b9: {  	[hbm4b:s21+s3] =	stream.linear.scatter [tilespmem:s19], [sflag:$0x4], $0x80, $0x38;
	[tilespmem:$0x1AE00] =	vst v63  }
0x2ba: {  	s23 =	sadd.s32 $0x15CB8, s15;
	s25 =	sadd.s32 $0x70, s16  }
0x2bb: {  	[hbm4b:s25+s3] =	stream.linear.scatter [tilespmem:s23], [sflag:$0x4], $0x80, $0x38;
	[tilespmem:$0x1AE00] =	vst v63  }
0x2bc: {  	s14 =	sadd.s32 $0x3, s14  }
0x2bd: {  	s15 =	smulhi.u32 $0x66666667, s14;
	_ =	sdelay $0x1  }
0x2be: {  	s15 =	sshrl.u32 s15, $0x2  }
0x2bf: {  	s16 =	smul.u32 $0xA, s15;
	_ =	sdelay $0x1  }
0x2c0: {  	s14 =	ssub.s32 s14, s16  }
0x2c1: {  	s14 =	smul.u32 $0x2800, s14;
	_ =	sdelay $0x1  }
0x2c2: {  	s15 =	sshll.u32 s15, $0x7;
	s14 =	sshrl.u32 s14, $0x2  }
0x2c3: {  	s14 =	sadd.s32 s15, s14  }
0x2c4: {  	[tilespmem:s20], [sflag:$0x2] =	stream.indirect.gather [hbm4b:s4+s9], $0x20, s14, s9, $0xb8;
	[tilespmem:$0x1AE00] =	vst v63  }
0x2c5: {  	s15 =	sadd.s32 $0x200, s14  }
0x2c6: {  	[tilespmem:s22], [sflag:$0x2] =	stream.indirect.gather [hbm4b:s4+s9], $0x20, s15, s9, $0xb8;
	[tilespmem:$0x1AE00] =	vst v63  }
0x2c7: {  	s23 =	sadd.s32 $0x400, s14  }
0x2c8: {  	[tilespmem:s24], [sflag:$0x2] =	stream.indirect.gather [hbm4b:s4+s9], $0x20, s23, s9, $0xb8;
	[tilespmem:$0x1AE00] =	vst v63  }
.Ltmp7:
0x2c9: {  	_ = 	snop;
	(pc) =	sbr.rel .LBB2_2-.Ltmp7, $4  }
0x2ca: {  	s25 =	sadd.s32 $0x600, s14  }
0x2cb: {  	[tilespmem:s26], [sflag:$0x2] =	stream.indirect.gather [hbm4b:s4+s9], $0x20, s25, s9, $0xb8;
	[tilespmem:$0x1AE00] =	vst v63  }
0x2cc: {  	s13 =	sadd.s32 $0x1, s13;
	s14 =	sadd.s32 $0x800, s14  }
0x2cd: {  	[tilespmem:s29], [sflag:$0x2] =	stream.indirect.gather [hbm4b:s4+s9], $0x20, s14, s9, $0xb8;
	[tilespmem:$0x1AE00] =	vst v63  }
.LBB2_13:
0x2ce: {  	_ =	sfence.sel $0x180000  }
0x2cf: {  	[bflag:$0x0] =	sbarrier.arrive $0xFFFF  }
0x2d0: {  	_ =	strace $0x90000047  }
0x2d1: {  	s0 =	stileid.u32;
	[bflag:$0x2] =	sbarrier.arrive $0xFFFF  }
0x2d2: {  	p0 =	sne.s32 s0, $0x0;
	s0 =	rddreg [dreg:$0x2]  }
0x2d3: {  	s0 =	sadd.s32 @!p0 $0x100000, s0  }
0x2d4: {  	[sflag:s0] =	ssyncadd.tile.s32 @!p0 $0x1;
	_ =	shalt  }
.Lfunc_end2:
_tile_overlayer_lowered:
.L_overlay_start_2:
0x2d5: {  	(tag) =	ssettag $0x2  }
0x2d6: {  	s0 =	rddreg [dreg:$0x0];
	s2 =	stileid.u32  }
0x2d7: {  	s1 =	rddreg [dreg:$0x1];
	p0 =	sne.s32 s2, $0x0  }
0x2d8: {  	s3 =	rddreg [dreg:$0x2];
	[bflag:$0x3] =	sbarrier.arrive $0xFFFF;
	s2 =	simm.s32 @!p0 $0x1C05  }
0x2d9: {  	[timem:s3], [sflag:s2] =	dma.local @!p0 [hbm:s0], s1  }
0x2da: {  	s0 =	simm.s32 @!p0 $0x5  }
0x2db: {  	_ =	swait.ge @!p0 [sflag:s0], s1  }
0x2dc: {  	s1 =	ssub.s32 @!p0 $0x0, s1;
	[sflag:s0] =	ssyncset.done @!p0 $0x0  }
0x2dd: {  	[sflag:s0] =	ssyncadd.s32 @!p0 s1  }
0x2de: {  	[bflag:$0x3] =	sbarrier.arrive $0xFFFF  }
0x2df: {  	_ =	shalt  }

</sc_bundles>
